<compile_context>
chip_gen: v7x
topology: tpu7x:2x2x1
jax: 0.10.2.dev20260603
libtpu: 0.0.44.dev20260713+nightly
codegen_flags: <defaults>
</compile_context>

<pallas_src>
import functools
import math

import jax
import jax.numpy as jnp
from jax import lax
from jax.experimental import pallas as pl
from jax.experimental.pallas import tpu as pltpu
from jax.experimental.pallas import tpu_sc as plsc

NA = 10000
NB = 10000
E = 160000
D = 256
H = 8
DH = D // H
NSUB = 32
RPS = 320
ROWS_BUF = 320
EB = 64
NVR = D // 16
HVR = DH // 16
SCALE = 1.0 / math.sqrt(DH)
NEG = -1e30


def _matmul_qkv(Fa, Fb, Wq, Wk, Wv):
    bm = 1000
    g = NA // bm

    def body(fa, fb, wq, wk, wv, q, k, v):
        q[...] = jnp.dot(fa[...], wq[...], preferred_element_type=jnp.float32)
        k[...] = jnp.dot(fb[...], wk[...], preferred_element_type=jnp.float32)
        v[...] = jnp.dot(fb[...], wv[...], preferred_element_type=jnp.float32)

    return pl.pallas_call(
        body,
        grid=(g,),
        in_specs=[
            pl.BlockSpec((bm, Fa.shape[1]), lambda i: (i, 0)),
            pl.BlockSpec((bm, Fb.shape[1]), lambda i: (i, 0)),
            pl.BlockSpec(Wq.shape, lambda i: (0, 0)),
            pl.BlockSpec(Wk.shape, lambda i: (0, 0)),
            pl.BlockSpec(Wv.shape, lambda i: (0, 0)),
        ],
        out_specs=[
            pl.BlockSpec((bm, D), lambda i: (i, 0)),
            pl.BlockSpec((bm, D), lambda i: (i, 0)),
            pl.BlockSpec((bm, D), lambda i: (i, 0)),
        ],
        out_shape=[
            jax.ShapeDtypeStruct((NA, D), jnp.float32),
            jax.ShapeDtypeStruct((NB, D), jnp.float32),
            jax.ShapeDtypeStruct((NB, D), jnp.float32),
        ],
    )(Fa, Fb, Wq, Wk, Wv)


def _matmul_final(Fa, att, Wp):
    bm = 1000
    g = NA // bm

    def body(fa, at, wp, o):
        o[...] = fa[...] + jnp.dot(at[...], wp[...],
                                   preferred_element_type=jnp.float32)

    return pl.pallas_call(
        body,
        grid=(g,),
        in_specs=[
            pl.BlockSpec((bm, Fa.shape[1]), lambda i: (i, 0)),
            pl.BlockSpec((bm, D), lambda i: (i, 0)),
            pl.BlockSpec(Wp.shape, lambda i: (0, 0)),
        ],
        out_specs=pl.BlockSpec((bm, Fa.shape[1]), lambda i: (i, 0)),
        out_shape=jax.ShapeDtypeStruct((NA, Fa.shape[1]), jnp.float32),
    )(Fa, att, Wp)


def _sc_edge(Q, K, V, a_pad, b_pad, bounds):
    E_pad = a_pad.shape[0]
    mesh = plsc.VectorSubcoreMesh(core_axis_name="c", subcore_axis_name="s")

    @functools.partial(
        pl.kernel,
        mesh=mesh,
        compiler_params=pltpu.CompilerParams(needs_layout_passes=False),
        out_type=[
            jax.ShapeDtypeStruct((NA, D), jnp.float32),
            jax.ShapeDtypeStruct((E_pad * 16,), jnp.float32),
        ],
        scratch_types=[
            pltpu.VMEM((48,), jnp.int32),
            pltpu.VMEM((EB + 16,), jnp.int32),
            pltpu.VMEM((EB,), jnp.int32),
            pltpu.VMEM((EB,), jnp.int32),
            pltpu.VMEM((EB, D), jnp.float32),
            pltpu.VMEM((EB, D), jnp.float32),
            pltpu.VMEM((EB * 16,), jnp.float32),
            pltpu.VMEM((ROWS_BUF * 16,), jnp.float32),
            pltpu.VMEM((ROWS_BUF * 16,), jnp.float32),
            pltpu.VMEM((ROWS_BUF, D), jnp.float32),
            pltpu.SemaphoreType.DMA,
            pltpu.SemaphoreType.DMA,
        ],
    )
    def sc_kernel(q_hbm, k_hbm, v_hbm, aidx_hbm, bidx_hbm, bounds_hbm,
                  out_hbm, lg_hbm,
                  bounds_v, aidx_s, aidx_g, bidx_v, qbuf, kvbuf, lbuf,
                  mbuf, dbuf, rowsbuf, sem0, sem1):
        def sv(ref, i):
            return ref[pl.ds(i, 16)][0]

        wid = lax.axis_index("s") * 2 + lax.axis_index("c")
        pltpu.sync_copy(bounds_hbm, bounds_v)
        e_lo = sv(bounds_v, wid)
        e_hi = sv(bounds_v, wid + 1)
        a0 = wid * RPS
        a1 = jnp.minimum(a0 + RPS, NA)
        base0 = (e_lo // 8) * 8
        nblk = (e_hi - base0 + EB - 1) // EB
        li = lax.iota(jnp.int32, 16)
        zero16 = jnp.zeros((16,), jnp.float32)
        negvec = jnp.full((16,), NEG, jnp.float32)

        def zrow(r, c):
            for j in range(NVR):
                rowsbuf[r, pl.ds(16 * j, 16)] = zero16
            return c

        lax.fori_loop(0, ROWS_BUF, zrow, 0)

        def dot_qk(e2):
            ps = []
            for j in range(NVR):
                qj = qbuf[e2, pl.ds(16 * j, 16)]
                kj = kvbuf[e2, pl.ds(16 * j, 16)]
                ps.append(qj * kj)
            l = zero16
            for h in range(H):
                w = ps[HVR * h]
                for t in range(1, HVR):
                    w = w + ps[HVR * h + t]
                s = jnp.sum(w)
                l = jnp.where(li == h, s, l)
            return l * SCALE

        def bcast_head(w, h):
            s = jnp.sum(jnp.where(li == h, w, 0.0))
            return jnp.full((16,), s, jnp.float32)

        def blkA(blk, carry):
            cur_ia, m = carry
            base = base0 + blk * EB
            pltpu.sync_copy(aidx_hbm.at[pl.ds(base, EB + 16)], aidx_s)
            pltpu.sync_copy(aidx_hbm.at[pl.ds(base, EB)], aidx_g)
            pltpu.sync_copy(bidx_hbm.at[pl.ds(base, EB)], bidx_v)
            cq = pltpu.async_copy(q_hbm.at[aidx_g], qbuf, sem0)
            ck = pltpu.async_copy(k_hbm.at[bidx_v], kvbuf, sem1)
            cq.wait()
            ck.wait()

            def edge(e2, c):
                cur_ia, m = c
                ge = base + e2
                valid = (ge >= e_lo) & (ge < e_hi)
                ae = sv(aidx_s, e2)
                ia = ae - a0
                l = dot_qk(e2)
                lbuf[pl.ds(e2 * 16, 16)] = l
                changed = valid & (ia != cur_ia)

                @pl.when(changed & (cur_ia >= 0))
                def _():
                    mbuf[pl.ds(cur_ia * 16, 16)] = m

                m = jnp.where(changed, negvec, m)
                m = jnp.where(valid, jnp.maximum(m, l), m)
                cur_ia = jnp.where(valid, ia, cur_ia)
                return cur_ia, m

            cur_ia, m = lax.fori_loop(0, EB, edge, (cur_ia, m))
            pltpu.sync_copy(lbuf, lg_hbm.at[pl.ds(base * 16, EB * 16)])
            return cur_ia, m

        cur_ia, m = lax.fori_loop(0, nblk, blkA, (jnp.int32(-1), negvec))

        @pl.when(cur_ia >= 0)
        def _():
            mbuf[pl.ds(cur_ia * 16, 16)] = m

        def blkB(blk, carry):
            cur_ia, d, mrow = carry
            base = base0 + blk * EB
            pltpu.sync_copy(aidx_hbm.at[pl.ds(base, EB + 16)], aidx_s)
            pltpu.sync_copy(lg_hbm.at[pl.ds(base * 16, EB * 16)], lbuf)

            def edge(e2, c):
                cur_ia, d, mrow = c
                ge = base + e2
                valid = (ge >= e_lo) & (ge < e_hi)
                ae = sv(aidx_s, e2)
                ia = ae - a0
                iac = jnp.clip(ia, 0, ROWS_BUF - 1)
                l = lbuf[pl.ds(e2 * 16, 16)]
                changed = valid & (ia != cur_ia)

                @pl.when(changed & (cur_ia >= 0))
                def _():
                    dbuf[pl.ds(cur_ia * 16, 16)] = d

                mrow = jnp.where(changed, mbuf[pl.ds(iac * 16, 16)], mrow)
                d = jnp.where(changed, zero16, d)
                d = jnp.where(valid, d + jnp.exp(l - mrow), d)
                cur_ia = jnp.where(valid, ia, cur_ia)
                return cur_ia, d, mrow

            cur_ia, d, mrow = lax.fori_loop(0, EB, edge, (cur_ia, d, mrow))
            return cur_ia, d, mrow

        cur_ia, d, _ = lax.fori_loop(0, nblk, blkB,
                                     (jnp.int32(-1), zero16, zero16))

        @pl.when(cur_ia >= 0)
        def _():
            dbuf[pl.ds(cur_ia * 16, 16)] = d

        def blkC(blk, carry):
            cur_ia, mrow, dinv, acc = carry
            base = base0 + blk * EB
            pltpu.sync_copy(aidx_hbm.at[pl.ds(base, EB + 16)], aidx_s)
            pltpu.sync_copy(bidx_hbm.at[pl.ds(base, EB)], bidx_v)
            pltpu.sync_copy(lg_hbm.at[pl.ds(base * 16, EB * 16)], lbuf)
            cv = pltpu.async_copy(v_hbm.at[bidx_v], kvbuf, sem1)
            cv.wait()

            def edge(e2, c):
                cur_ia, mrow, dinv, acc = c
                ge = base + e2
                valid = (ge >= e_lo) & (ge < e_hi)
                ae = sv(aidx_s, e2)
                ia = ae - a0
                iac = jnp.clip(ia, 0, ROWS_BUF - 1)
                l = lbuf[pl.ds(e2 * 16, 16)]
                changed = valid & (ia != cur_ia)

                @pl.when(changed & (cur_ia >= 0))
                def _():
                    for j in range(NVR):
                        rowsbuf[cur_ia, pl.ds(16 * j, 16)] = acc[j]

                mrow = jnp.where(changed, mbuf[pl.ds(iac * 16, 16)], mrow)
                dinv = jnp.where(changed, 1.0 / dbuf[pl.ds(iac * 16, 16)], dinv)
                w = jnp.exp(l - mrow) * dinv
                bw = [bcast_head(w, h) for h in range(H)]
                newacc = []
                for j in range(NVR):
                    aj = jnp.where(changed, zero16, acc[j])
                    vj = kvbuf[e2, pl.ds(16 * j, 16)]
                    newacc.append(
                        jnp.where(valid, aj + bw[j // HVR] * vj, aj))
                cur_ia = jnp.where(valid, ia, cur_ia)
                return cur_ia, mrow, dinv, tuple(newacc)

            return lax.fori_loop(0, EB, edge, (cur_ia, mrow, dinv, acc))

        acc0 = tuple(zero16 for _ in range(NVR))
        cur_ia, _, _, acc = lax.fori_loop(
            0, nblk, blkC, (jnp.int32(-1), zero16, zero16, acc0))

        @pl.when(cur_ia >= 0)
        def _():
            for j in range(NVR):
                rowsbuf[cur_ia, pl.ds(16 * j, 16)] = acc[j]

        for kk in range(ROWS_BUF // 64):
            s = jnp.minimum(a0 + 64 * kk, a1 - 64)
            pltpu.sync_copy(rowsbuf.at[pl.ds(s - a0, 64)],
                            out_hbm.at[pl.ds(s, 64)])

    return sc_kernel(Q, K, V, a_pad, b_pad, bounds)


def kernel(Fa, Fb, Wq, Wk, Wv, Wp, a_idx, b_idx):
    a32 = a_idx.astype(jnp.int32)
    b32 = b_idx.astype(jnp.int32)
    Q, K, V = _matmul_qkv(Fa, Fb, Wq, Wk, Wv)
    ladder = jnp.minimum(jnp.arange(NSUB + 1, dtype=jnp.int32) * RPS, NA)
    bounds = jnp.searchsorted(a32, ladder, side="left").astype(jnp.int32)
    bounds = jnp.pad(bounds, (0, 48 - NSUB - 1))
    a_pad = jnp.pad(a32, (0, 2 * EB))
    b_pad = jnp.pad(b32, (0, 2 * EB))
    att, _ = _sc_edge(Q, K, V, a_pad, b_pad, bounds)
    return _matmul_final(Fa, att, Wp)

# --- scband reference (transcript-rebuilt; emitter-appended) ---
"""Pipeline reference for scband-neighborhood-cross-attention-31233002176666 (READ-ONLY COPY).

The authoritative reference and input builder live on the scoring server;
editing this copy changes nothing except your own understanding.
"""

import math
import jax, jax.numpy as jnp
import numpy as np

NA = 10000
NB = 10000
E = 160000
CA = 256
CB = 256
D = 256
H = 8
DH = D // H

def setup_inputs(seed: int = 0) -> dict:
    key = jax.random.key(seed)
    k1, k2, k3, k4, k5, k6, k7, k8 = jax.random.split(key, 8)
    Fa = jax.random.normal(k1, (NA, CA), dtype=jnp.float32)
    Fb = jax.random.normal(k2, (NB, CB), dtype=jnp.float32)
    a_idx = jnp.sort(jax.random.randint(k3, (E,), 0, NA, dtype=jnp.int64))
    b_idx = jax.random.randint(k4, (E,), 0, NB, dtype=jnp.int64)
    # Linear weights stored as (in, out); torch nn.Linear(ca, d) applies x @ W.T with W (d, ca)
    Wq = jax.random.normal(k5, (CA, D), dtype=jnp.float32) / math.sqrt(CA)
    Wk = jax.random.normal(k6, (CB, D), dtype=jnp.float32) / math.sqrt(CB)
    Wv = jax.random.normal(k7, (CB, D), dtype=jnp.float32) / math.sqrt(CB)
    Wp = jax.random.normal(k8, (D, CA), dtype=jnp.float32) / math.sqrt(D)
    return {"Fa": Fa, "Fb": Fb, "Wq": Wq, "Wk": Wk, "Wv": Wv, "Wp": Wp, "a_idx": a_idx, "b_idx": b_idx}

def _segmented_softmax(logits, groups, n_segments):
    seg_max = jax.ops.segment_max(logits, groups, num_segments=n_segments)
    seg_max = jnp.where(jnp.isfinite(seg_max), seg_max, 0.0)
    ex = jnp.exp(logits - seg_max[groups])
    denom = jax.ops.segment_sum(ex, groups, num_segments=n_segments)
    denom = jnp.where(denom > 0, denom, 1.0)
    return ex / denom[groups]

def reference(Fa, Fb, Wq, Wk, Wv, Wp, a_idx, b_idx):
    Na = Fa.shape[0]
    Q = (Fa @ Wq).reshape(Na, H, DH)
    K = (Fb @ Wk).reshape(-1, H, DH)
    V = (Fb @ Wv).reshape(-1, H, DH)
    # scaled dot product attention over neighborhood edges
    logits = (Q[a_idx] * K[b_idx]).sum(-1) / math.sqrt(DH)  # (E, H)
    flat = logits.reshape(-1)
    h_idx = jnp.arange(H, dtype=a_idx.dtype)
    groups = (a_idx[:, None] * H + h_idx[None, :]).reshape(-1)
    weights = _segmented_softmax(flat, groups, Na * H)
    weights = weights.reshape(E, H)
    out = jnp.zeros((Na, H, DH), dtype=Fa.dtype)
    out = out.at[a_idx].add(weights[..., None] * V[b_idx])
    out = out.reshape(Na, H * DH)
    return Fa + out @ Wp

if __name__ == "__main__":
    import jax
    _d = setup_inputs()
    print(jax.jit(kernel)(*tuple(_d.values())))

</pallas_src>

<mosaic_0001>
#map = affine_map<(d0, d1) -> (0, 0)>
#map1 = affine_map<(d0, d1) -> (0)>
module attributes {stable_mosaic.version = 14 : i64} {
  func.func @sc_kernel(%arg0: i32, %arg1: i32, %arg2: memref<10000x256xf32, #tpu.memory_space<hbm>>, %arg3: memref<10000x256xf32, #tpu.memory_space<hbm>>, %arg4: memref<10000x256xf32, #tpu.memory_space<hbm>>, %arg5: memref<160128xi32, #tpu.memory_space<hbm>>, %arg6: memref<160128xi32, #tpu.memory_space<hbm>>, %arg7: memref<48xi32, #tpu.memory_space<hbm>>, %arg8: memref<10000x256xf32, #tpu.memory_space<hbm>>, %arg9: memref<2562048xf32, #tpu.memory_space<hbm>>, %arg10: memref<48xi32, #tpu.memory_space<vmem>>, %arg11: memref<80xi32, #tpu.memory_space<vmem>>, %arg12: memref<64xi32, #tpu.memory_space<vmem>>, %arg13: memref<64xi32, #tpu.memory_space<vmem>>, %arg14: memref<64x256xf32, #tpu.memory_space<vmem>>, %arg15: memref<64x256xf32, #tpu.memory_space<vmem>>, %arg16: memref<1024xf32, #tpu.memory_space<vmem>>, %arg17: memref<5120xf32, #tpu.memory_space<vmem>>, %arg18: memref<5120xf32, #tpu.memory_space<vmem>>, %arg19: memref<320x256xf32, #tpu.memory_space<vmem>>, %arg20: memref<!tpu.dma_semaphore, #tpu.memory_space<semaphore_mem>>, %arg21: memref<!tpu.dma_semaphore, #tpu.memory_space<semaphore_mem>>) attributes {dimension_semantics = [#tpu.dimension_semantics<core_parallel>, #tpu.dimension_semantics<subcore_parallel>], iteration_bounds = array<i64: 2, 16>, scalar_prefetch = 0 : i64, scratch_operands = 12 : i64, tpu.core_type = #tpu.core_type<sc_vector_subcore>, window_params = [{transform_indices = #map}, {transform_indices = #map}, {transform_indices = #map}, {transform_indices = #map1}, {transform_indices = #map1}, {transform_indices = #map1}, {transform_indices = #map}, {transform_indices = #map1}]} {
    %mul3A = arith.constant 2 : i32
    %mul3A_0 = arith.muli %arg1, %mul3A : i32
    %add3A = arith.addi %mul3A_0, %arg0 : i32
    "tpu.region"() ({
      %run_scoped3A = tpu.sem_alloc : memref<!tpu.dma_semaphore, #tpu.memory_space<semaphore_mem>>
      tpu.enqueue_dma source(%arg7 : memref<48xi32, #tpu.memory_space<hbm>>) target(%arg10 : memref<48xi32, #tpu.memory_space<vmem>>) target_semaphore(%run_scoped3A : memref<!tpu.dma_semaphore, #tpu.memory_space<semaphore_mem>>)
      tpu.wait_dma2 semaphore(%run_scoped3A : memref<!tpu.dma_semaphore, #tpu.memory_space<semaphore_mem>>) src(%arg7 : memref<48xi32, #tpu.memory_space<hbm>>) dst(%arg10 : memref<48xi32, #tpu.memory_space<vmem>>)
      tpu.yield
    }) : () -> ()
    %get3A = arith.index_cast %add3A : i32 to index
    %get3A_1 = tpu.vector_load %arg10[%get3A] {strides = array<i32>} : memref<48xi32, #tpu.memory_space<vmem>>, vector<16xi32>,
    %slice3A = vector.extract_strided_slice %get3A_1 {offsets = [0], sizes = [1], strides = [1]} : vector<16xi32> to vector<1xi32>
    %squeeze3A = vector.extract %slice3A[0] : i32 from vector<1xi32>
    %add3A_2 = arith.constant 1 : i32
    %add3A_3 = arith.addi %add3A, %add3A_2 : i32
    %get3A_4 = arith.index_cast %add3A_3 : i32 to index
    %get3A_5 = tpu.vector_load %arg10[%get3A_4] {strides = array<i32>} : memref<48xi32, #tpu.memory_space<vmem>>, vector<16xi32>,
    %slice3A_6 = vector.extract_strided_slice %get3A_5 {offsets = [0], sizes = [1], strides = [1]} : vector<16xi32> to vector<1xi32>
    %squeeze3A_7 = vector.extract %slice3A_6[0] : i32 from vector<1xi32>
    %mul3A_8 = arith.constant 320 : i32
    %mul3A_9 = arith.muli %add3A, %mul3A_8 : i32
    %add3A_10 = arith.constant 320 : i32
    %add3A_11 = arith.addi %mul3A_9, %add3A_10 : i32
    %min3A = arith.constant 10000 : i32
    %min3A_12 = arith.minsi %add3A_11, %min3A : i32
    %jit3A = arith.constant 8 : i32
    %div3A = arith.divsi %squeeze3A, %jit3A : i32
    %sign3A = arith.constant 0 : i32
    %sign3A_13 = arith.cmpi sgt, %squeeze3A, %sign3A : i32
    %sign3A_14 = arith.extui %sign3A_13 : i1 to i32
    %sign3A_15 = arith.constant 0 : i32
    %sign3A_16 = arith.cmpi slt, %squeeze3A, %sign3A_15 : i32
    %sign3A_17 = arith.extui %sign3A_16 : i1 to i32
    %sign3A_18 = arith.subi %sign3A_14, %sign3A_17 : i32
    %sign3A_19 = arith.constant 0 : i32
    %sign3A_20 = arith.cmpi sgt, %jit3A, %sign3A_19 : i32
    %sign3A_21 = arith.extui %sign3A_20 : i1 to i32
    %sign3A_22 = arith.constant 0 : i32
    %sign3A_23 = arith.cmpi slt, %jit3A, %sign3A_22 : i32
    %sign3A_24 = arith.extui %sign3A_23 : i1 to i32
    %sign3A_25 = arith.subi %sign3A_21, %sign3A_24 : i32
    %ne3A = arith.cmpi ne, %sign3A_18, %sign3A_25 : i32
    %rem3A = arith.remsi %squeeze3A, %jit3A : i32
    %ne3A_26 = arith.constant 0 : i32
    %ne3A_27 = arith.cmpi ne, %rem3A, %ne3A_26 : i32
    %and3A = arith.andi %ne3A, %ne3A_27 : i1
    %sub3A = arith.constant 1 : i32
    %sub3A_28 = arith.subi %div3A, %sub3A : i32
    %select_n3A = arith.select %and3A, %sub3A_28, %div3A : i32
    %mul3A_29 = arith.constant 8 : i32
    %mul3A_30 = arith.muli %select_n3A, %mul3A_29 : i32
    %sub3A_31 = arith.subi %squeeze3A_7, %mul3A_30 : i32
    %add3A_32 = arith.constant 64 : i32
    %add3A_33 = arith.addi %sub3A_31, %add3A_32 : i32
    %sub3A_34 = arith.constant 1 : i32
    %sub3A_35 = arith.subi %add3A_33, %sub3A_34 : i32
    %jit3A_36 = arith.constant 64 : i32
    %div3A_37 = arith.divsi %sub3A_35, %jit3A_36 : i32
    %sign3A_38 = arith.constant 0 : i32
    %sign3A_39 = arith.cmpi sgt, %sub3A_35, %sign3A_38 : i32
    %sign3A_40 = arith.extui %sign3A_39 : i1 to i32
    %sign3A_41 = arith.constant 0 : i32
    %sign3A_42 = arith.cmpi slt, %sub3A_35, %sign3A_41 : i32
    %sign3A_43 = arith.extui %sign3A_42 : i1 to i32
    %sign3A_44 = arith.subi %sign3A_40, %sign3A_43 : i32
    %sign3A_45 = arith.constant 0 : i32
    %sign3A_46 = arith.cmpi sgt, %jit3A_36, %sign3A_45 : i32
    %sign3A_47 = arith.extui %sign3A_46 : i1 to i32
    %sign3A_48 = arith.constant 0 : i32
    %sign3A_49 = arith.cmpi slt, %jit3A_36, %sign3A_48 : i32
    %sign3A_50 = arith.extui %sign3A_49 : i1 to i32
    %sign3A_51 = arith.subi %sign3A_47, %sign3A_50 : i32
    %ne3A_52 = arith.cmpi ne, %sign3A_44, %sign3A_51 : i32
    %rem3A_53 = arith.remsi %sub3A_35, %jit3A_36 : i32
    %ne3A_54 = arith.constant 0 : i32
    %ne3A_55 = arith.cmpi ne, %rem3A_53, %ne3A_54 : i32
    %and3A_56 = arith.andi %ne3A_52, %ne3A_55 : i1
    %sub3A_57 = arith.constant 1 : i32
    %sub3A_58 = arith.subi %div3A_37, %sub3A_57 : i32
    %select_n3A_59 = arith.select %and3A_56, %sub3A_58, %div3A_37 : i32
    %iota3A = tpu.iota {dimensions = array<i32: 0>} : vector<16xi32>
    %broadcast_in_dim3A = arith.constant 0.000000e+00 : f32
    %broadcast_in_dim3A_60 = vector.broadcast %broadcast_in_dim3A : f32 to vector<16xf32>
    %broadcast_in_dim3A_61 = arith.constant -1.000000e+30 : f32
    %broadcast_in_dim3A_62 = vector.broadcast %broadcast_in_dim3A_61 : f32 to vector<16xf32>
    %scan3A = arith.constant 0 : i32
    %scan3A_63 = arith.constant 0 : i32
    %scan3A_64 = arith.constant 320 : i32
    %scan3A_65 = arith.addi %scan3A_63, %scan3A_64 : i32
    %scan3A_66 = arith.constant 1 : i32
    scf.for %scan3A_145 = %scan3A_63 to %scan3A_65 step %scan3A_66  : i32 {
      %swap3A = arith.index_cast %scan3A_145 : i32 to index
      %swap3A_146 = arith.constant 0 : index
      %swap3A_147 = tpu.vector_load %arg19[%swap3A, %swap3A_146] {strides = array<i32>} : memref<320x256xf32, #tpu.memory_space<vmem>>, vector<16xf32>,
      tpu.vector_store %arg19[%swap3A, %swap3A_146], %broadcast_in_dim3A_60 {strides = array<i32>} : memref<320x256xf32, #tpu.memory_space<vmem>>, vector<16xf32>,
      %swap3A_148 = arith.index_cast %scan3A_145 : i32 to index
      %swap3A_149 = arith.constant 16 : index
      %swap3A_150 = tpu.vector_load %arg19[%swap3A_148, %swap3A_149] {strides = array<i32>} : memref<320x256xf32, #tpu.memory_space<vmem>>, vector<16xf32>,
      tpu.vector_store %arg19[%swap3A_148, %swap3A_149], %broadcast_in_dim3A_60 {strides = array<i32>} : memref<320x256xf32, #tpu.memory_space<vmem>>, vector<16xf32>,
      %swap3A_151 = arith.index_cast %scan3A_145 : i32 to index
      %swap3A_152 = arith.constant 32 : index
      %swap3A_153 = tpu.vector_load %arg19[%swap3A_151, %swap3A_152] {strides = array<i32>} : memref<320x256xf32, #tpu.memory_space<vmem>>, vector<16xf32>,
      tpu.vector_store %arg19[%swap3A_151, %swap3A_152], %broadcast_in_dim3A_60 {strides = array<i32>} : memref<320x256xf32, #tpu.memory_space<vmem>>, vector<16xf32>,
      %swap3A_154 = arith.index_cast %scan3A_145 : i32 to index
      %swap3A_155 = arith.constant 48 : index
      %swap3A_156 = tpu.vector_load %arg19[%swap3A_154, %swap3A_155] {strides = array<i32>} : memref<320x256xf32, #tpu.memory_space<vmem>>, vector<16xf32>,
      tpu.vector_store %arg19[%swap3A_154, %swap3A_155], %broadcast_in_dim3A_60 {strides = array<i32>} : memref<320x256xf32, #tpu.memory_space<vmem>>, vector<16xf32>,
      %swap3A_157 = arith.index_cast %scan3A_145 : i32 to index
      %swap3A_158 = arith.constant 64 : index
      %swap3A_159 = tpu.vector_load %arg19[%swap3A_157, %swap3A_158] {strides = array<i32>} : memref<320x256xf32, #tpu.memory_space<vmem>>, vector<16xf32>,
      tpu.vector_store %arg19[%swap3A_157, %swap3A_158], %broadcast_in_dim3A_60 {strides = array<i32>} : memref<320x256xf32, #tpu.memory_space<vmem>>, vector<16xf32>,
      %swap3A_160 = arith.index_cast %scan3A_145 : i32 to index
      %swap3A_161 = arith.constant 80 : index
      %swap3A_162 = tpu.vector_load %arg19[%swap3A_160, %swap3A_161] {strides = array<i32>} : memref<320x256xf32, #tpu.memory_space<vmem>>, vector<16xf32>,
      tpu.vector_store %arg19[%swap3A_160, %swap3A_161], %broadcast_in_dim3A_60 {strides = array<i32>} : memref<320x256xf32, #tpu.memory_space<vmem>>, vector<16xf32>,
      %swap3A_163 = arith.index_cast %scan3A_145 : i32 to index
      %swap3A_164 = arith.constant 96 : index
      %swap3A_165 = tpu.vector_load %arg19[%swap3A_163, %swap3A_164] {strides = array<i32>} : memref<320x256xf32, #tpu.memory_space<vmem>>, vector<16xf32>,
      tpu.vector_store %arg19[%swap3A_163, %swap3A_164], %broadcast_in_dim3A_60 {strides = array<i32>} : memref<320x256xf32, #tpu.memory_space<vmem>>, vector<16xf32>,
      %swap3A_166 = arith.index_cast %scan3A_145 : i32 to index
      %swap3A_167 = arith.constant 112 : index
      %swap3A_168 = tpu.vector_load %arg19[%swap3A_166, %swap3A_167] {strides = array<i32>} : memref<320x256xf32, #tpu.memory_space<vmem>>, vector<16xf32>,
      tpu.vector_store %arg19[%swap3A_166, %swap3A_167], %broadcast_in_dim3A_60 {strides = array<i32>} : memref<320x256xf32, #tpu.memory_space<vmem>>, vector<16xf32>,
      %swap3A_169 = arith.index_cast %scan3A_145 : i32 to index
      %swap3A_170 = arith.constant 128 : index
      %swap3A_171 = tpu.vector_load %arg19[%swap3A_169, %swap3A_170] {strides = array<i32>} : memref<320x256xf32, #tpu.memory_space<vmem>>, vector<16xf32>,
      tpu.vector_store %arg19[%swap3A_169, %swap3A_170], %broadcast_in_dim3A_60 {strides = array<i32>} : memref<320x256xf32, #tpu.memory_space<vmem>>, vector<16xf32>,
      %swap3A_172 = arith.index_cast %scan3A_145 : i32 to index
      %swap3A_173 = arith.constant 144 : index
      %swap3A_174 = tpu.vector_load %arg19[%swap3A_172, %swap3A_173] {strides = array<i32>} : memref<320x256xf32, #tpu.memory_space<vmem>>, vector<16xf32>,
      tpu.vector_store %arg19[%swap3A_172, %swap3A_173], %broadcast_in_dim3A_60 {strides = array<i32>} : memref<320x256xf32, #tpu.memory_space<vmem>>, vector<16xf32>,
      %swap3A_175 = arith.index_cast %scan3A_145 : i32 to index
      %swap3A_176 = arith.constant 160 : index
      %swap3A_177 = tpu.vector_load %arg19[%swap3A_175, %swap3A_176] {strides = array<i32>} : memref<320x256xf32, #tpu.memory_space<vmem>>, vector<16xf32>,
      tpu.vector_store %arg19[%swap3A_175, %swap3A_176], %broadcast_in_dim3A_60 {strides = array<i32>} : memref<320x256xf32, #tpu.memory_space<vmem>>, vector<16xf32>,
      %swap3A_178 = arith.index_cast %scan3A_145 : i32 to index
      %swap3A_179 = arith.constant 176 : index
      %swap3A_180 = tpu.vector_load %arg19[%swap3A_178, %swap3A_179] {strides = array<i32>} : memref<320x256xf32, #tpu.memory_space<vmem>>, vector<16xf32>,
      tpu.vector_store %arg19[%swap3A_178, %swap3A_179], %broadcast_in_dim3A_60 {strides = array<i32>} : memref<320x256xf32, #tpu.memory_space<vmem>>, vector<16xf32>,
      %swap3A_181 = arith.index_cast %scan3A_145 : i32 to index
      %swap3A_182 = arith.constant 192 : index
      %swap3A_183 = tpu.vector_load %arg19[%swap3A_181, %swap3A_182] {strides = array<i32>} : memref<320x256xf32, #tpu.memory_space<vmem>>, vector<16xf32>,
      tpu.vector_store %arg19[%swap3A_181, %swap3A_182], %broadcast_in_dim3A_60 {strides = array<i32>} : memref<320x256xf32, #tpu.memory_space<vmem>>, vector<16xf32>,
      %swap3A_184 = arith.index_cast %scan3A_145 : i32 to index
      %swap3A_185 = arith.constant 208 : index
      %swap3A_186 = tpu.vector_load %arg19[%swap3A_184, %swap3A_185] {strides = array<i32>} : memref<320x256xf32, #tpu.memory_space<vmem>>, vector<16xf32>,
      tpu.vector_store %arg19[%swap3A_184, %swap3A_185], %broadcast_in_dim3A_60 {strides = array<i32>} : memref<320x256xf32, #tpu.memory_space<vmem>>, vector<16xf32>,
      %swap3A_187 = arith.index_cast %scan3A_145 : i32 to index
      %swap3A_188 = arith.constant 224 : index
      %swap3A_189 = tpu.vector_load %arg19[%swap3A_187, %swap3A_188] {strides = array<i32>} : memref<320x256xf32, #tpu.memory_space<vmem>>, vector<16xf32>,
      tpu.vector_store %arg19[%swap3A_187, %swap3A_188], %broadcast_in_dim3A_60 {strides = array<i32>} : memref<320x256xf32, #tpu.memory_space<vmem>>, vector<16xf32>,
      %swap3A_190 = arith.index_cast %scan3A_145 : i32 to index
      %swap3A_191 = arith.constant 240 : index
      %swap3A_192 = tpu.vector_load %arg19[%swap3A_190, %swap3A_191] {strides = array<i32>} : memref<320x256xf32, #tpu.memory_space<vmem>>, vector<16xf32>,
      tpu.vector_store %arg19[%swap3A_190, %swap3A_191], %broadcast_in_dim3A_60 {strides = array<i32>} : memref<320x256xf32, #tpu.memory_space<vmem>>, vector<16xf32>,
    }
    %scan3A_67 = arith.constant 320 : i32
    %while3A = arith.constant 0 : i32
    %while3A_68 = arith.constant -1 : i32
    %while3A_69 = arith.subi %select_n3A_59, %while3A : i32
    %while3A_70 = arith.addi %while3A, %while3A_69 : i32
    %while3A_71 = arith.constant 1 : i32
    %while3A_72 = arith.divsi %while3A_69, %while3A_71 : i32
    %while3A_73 = arith.muli %while3A_72, %while3A_71 : i32
    %while3A_74 = arith.addi %while3A, %while3A_73 : i32
    %while3A_75 = arith.constant 1 : i32
    %while3A_76:2 = scf.for %while3A_145 = %while3A to %while3A_74 step %while3A_75 iter_args(%while3A_146 = %while3A_68, %while3A_147 = %broadcast_in_dim3A_62) -> (i32, vector<16xf32>)  : i32 {
      %mul3A_148 = arith.constant 64 : i32
      %mul3A_149 = arith.muli %while3A_145, %mul3A_148 : i32
      %add3A_150 = arith.addi %mul3A_30, %mul3A_149 : i32
      "tpu.region"() ({
        %run_scoped3A = tpu.sem_alloc : memref<!tpu.dma_semaphore, #tpu.memory_space<semaphore_mem>>
        %dma_start3A_169 = tpu.memref_slice %arg5[%add3A_150] : memref<160128xi32, #tpu.memory_space<hbm>> -> memref<80xi32, #tpu.memory_space<hbm>>
        %dma_start3A_170 = tpu.memref_slice %arg5[%add3A_150] : memref<160128xi32, #tpu.memory_space<hbm>> -> memref<80xi32, #tpu.memory_space<hbm>>
        tpu.enqueue_dma source(%dma_start3A_170 : memref<80xi32, #tpu.memory_space<hbm>>) target(%arg11 : memref<80xi32, #tpu.memory_space<vmem>>) target_semaphore(%run_scoped3A : memref<!tpu.dma_semaphore, #tpu.memory_space<semaphore_mem>>)
        %dma_wait3A_171 = tpu.memref_slice %arg5[%add3A_150] : memref<160128xi32, #tpu.memory_space<hbm>> -> memref<80xi32, #tpu.memory_space<hbm>>
        %dma_wait3A_172 = tpu.memref_slice %arg5[%add3A_150] : memref<160128xi32, #tpu.memory_space<hbm>> -> memref<80xi32, #tpu.memory_space<hbm>>
        tpu.wait_dma2 semaphore(%run_scoped3A : memref<!tpu.dma_semaphore, #tpu.memory_space<semaphore_mem>>) src(%dma_wait3A_172 : memref<80xi32, #tpu.memory_space<hbm>>) dst(%arg11 : memref<80xi32, #tpu.memory_space<vmem>>)
        tpu.yield
      }) : () -> ()
      "tpu.region"() ({
        %run_scoped3A = tpu.sem_alloc : memref<!tpu.dma_semaphore, #tpu.memory_space<semaphore_mem>>
        %dma_start3A_169 = tpu.memref_slice %arg5[%add3A_150] : memref<160128xi32, #tpu.memory_space<hbm>> -> memref<64xi32, #tpu.memory_space<hbm>>
        %dma_start3A_170 = tpu.memref_slice %arg5[%add3A_150] : memref<160128xi32, #tpu.memory_space<hbm>> -> memref<64xi32, #tpu.memory_space<hbm>>
        tpu.enqueue_dma source(%dma_start3A_170 : memref<64xi32, #tpu.memory_space<hbm>>) target(%arg12 : memref<64xi32, #tpu.memory_space<vmem>>) target_semaphore(%run_scoped3A : memref<!tpu.dma_semaphore, #tpu.memory_space<semaphore_mem>>)
        %dma_wait3A_171 = tpu.memref_slice %arg5[%add3A_150] : memref<160128xi32, #tpu.memory_space<hbm>> -> memref<64xi32, #tpu.memory_space<hbm>>
        %dma_wait3A_172 = tpu.memref_slice %arg5[%add3A_150] : memref<160128xi32, #tpu.memory_space<hbm>> -> memref<64xi32, #tpu.memory_space<hbm>>
        tpu.wait_dma2 semaphore(%run_scoped3A : memref<!tpu.dma_semaphore, #tpu.memory_space<semaphore_mem>>) src(%dma_wait3A_172 : memref<64xi32, #tpu.memory_space<hbm>>) dst(%arg12 : memref<64xi32, #tpu.memory_space<vmem>>)
        tpu.yield
      }) : () -> ()
      "tpu.region"() ({
        %run_scoped3A = tpu.sem_alloc : memref<!tpu.dma_semaphore, #tpu.memory_space<semaphore_mem>>
        %dma_start3A_169 = tpu.memref_slice %arg6[%add3A_150] : memref<160128xi32, #tpu.memory_space<hbm>> -> memref<64xi32, #tpu.memory_space<hbm>>
        %dma_start3A_170 = tpu.memref_slice %arg6[%add3A_150] : memref<160128xi32, #tpu.memory_space<hbm>> -> memref<64xi32, #tpu.memory_space<hbm>>
        tpu.enqueue_dma source(%dma_start3A_170 : memref<64xi32, #tpu.memory_space<hbm>>) target(%arg13 : memref<64xi32, #tpu.memory_space<vmem>>) target_semaphore(%run_scoped3A : memref<!tpu.dma_semaphore, #tpu.memory_space<semaphore_mem>>)
        %dma_wait3A_171 = tpu.memref_slice %arg6[%add3A_150] : memref<160128xi32, #tpu.memory_space<hbm>> -> memref<64xi32, #tpu.memory_space<hbm>>
        %dma_wait3A_172 = tpu.memref_slice %arg6[%add3A_150] : memref<160128xi32, #tpu.memory_space<hbm>> -> memref<64xi32, #tpu.memory_space<hbm>>
        tpu.wait_dma2 semaphore(%run_scoped3A : memref<!tpu.dma_semaphore, #tpu.memory_space<semaphore_mem>>) src(%dma_wait3A_172 : memref<64xi32, #tpu.memory_space<hbm>>) dst(%arg13 : memref<64xi32, #tpu.memory_space<vmem>>)
        tpu.yield
      }) : () -> ()
      %dma_start3A = arith.constant 0 : i32
      %dma_start3A_151 = arith.constant 0 : i32
      %dma_start3A_152 = tpu.memref_slice %arg2[%dma_start3A, %dma_start3A_151] : memref<10000x256xf32, #tpu.memory_space<hbm>> -> memref<10000x256xf32, #tpu.memory_space<hbm>>
      tpu.enqueue_indirect_dma source(%dma_start3A_152 : memref<10000x256xf32, #tpu.memory_space<hbm>>) target(%arg14 : memref<64x256xf32, #tpu.memory_space<vmem>>) offsets(%arg12 : memref<64xi32, #tpu.memory_space<vmem>>) semaphore(%arg20 : memref<!tpu.dma_semaphore, #tpu.memory_space<semaphore_mem>>)
      %dma_start3A_153 = arith.constant 0 : i32
      %dma_start3A_154 = arith.constant 0 : i32
      %dma_start3A_155 = tpu.memref_slice %arg3[%dma_start3A_153, %dma_start3A_154] : memref<10000x256xf32, #tpu.memory_space<hbm>> -> memref<10000x256xf32, #tpu.memory_space<hbm>>
      tpu.enqueue_indirect_dma source(%dma_start3A_155 : memref<10000x256xf32, #tpu.memory_space<hbm>>) target(%arg15 : memref<64x256xf32, #tpu.memory_space<vmem>>) offsets(%arg13 : memref<64xi32, #tpu.memory_space<vmem>>) semaphore(%arg21 : memref<!tpu.dma_semaphore, #tpu.memory_space<semaphore_mem>>)
      %dma_wait3A = arith.constant 0 : i32
      %dma_wait3A_156 = arith.constant 0 : i32
      %dma_wait3A_157 = tpu.memref_slice %arg2[%dma_wait3A, %dma_wait3A_156] : memref<10000x256xf32, #tpu.memory_space<hbm>> -> memref<10000x256xf32, #tpu.memory_space<hbm>>
      tpu.wait_indirect_dma semaphore(%arg20 : memref<!tpu.dma_semaphore, #tpu.memory_space<semaphore_mem>>) src(%dma_wait3A_157 : memref<10000x256xf32, #tpu.memory_space<hbm>>) dst(%arg14 : memref<64x256xf32, #tpu.memory_space<vmem>>)
      %dma_wait3A_158 = arith.constant 0 : i32
      %dma_wait3A_159 = arith.constant 0 : i32
      %dma_wait3A_160 = tpu.memref_slice %arg3[%dma_wait3A_158, %dma_wait3A_159] : memref<10000x256xf32, #tpu.memory_space<hbm>> -> memref<10000x256xf32, #tpu.memory_space<hbm>>
      tpu.wait_indirect_dma semaphore(%arg21 : memref<!tpu.dma_semaphore, #tpu.memory_space<semaphore_mem>>) src(%dma_wait3A_160 : memref<10000x256xf32, #tpu.memory_space<hbm>>) dst(%arg15 : memref<64x256xf32, #tpu.memory_space<vmem>>)
      %scan3A_161 = arith.constant 0 : i32
      %scan3A_162 = arith.constant 64 : i32
      %scan3A_163 = arith.addi %scan3A_161, %scan3A_162 : i32
      %scan3A_164 = arith.constant 1 : i32
      %scan3A_165:2 = scf.for %scan3A_169 = %scan3A_161 to %scan3A_163 step %scan3A_164 iter_args(%scan3A_170 = %while3A_146, %scan3A_171 = %while3A_147) -> (i32, vector<16xf32>)  : i32 {
        %add3A_172 = arith.addi %add3A_150, %scan3A_169 : i32
        %ge3A_173 = arith.cmpi sge, %add3A_172, %squeeze3A : i32
        %lt3A = arith.cmpi slt, %add3A_172, %squeeze3A_7 : i32
        %and3A_174 = arith.andi %ge3A_173, %lt3A : i1
        %get3A_175 = arith.index_cast %scan3A_169 : i32 to index
        %get3A_176 = tpu.vector_load %arg11[%get3A_175] {strides = array<i32>} : memref<80xi32, #tpu.memory_space<vmem>>, vector<16xi32>,
        %slice3A_177 = vector.extract_strided_slice %get3A_176 {offsets = [0], sizes = [1], strides = [1]} : vector<16xi32> to vector<1xi32>
        %squeeze3A_178 = vector.extract %slice3A_177[0] : i32 from vector<1xi32>
        %sub3A_179 = arith.subi %squeeze3A_178, %mul3A_9 : i32
        %get3A_180 = arith.index_cast %scan3A_169 : i32 to index
        %get3A_181 = arith.constant 0 : index
        %get3A_182 = tpu.vector_load %arg14[%get3A_180, %get3A_181] {strides = array<i32>} : memref<64x256xf32, #tpu.memory_space<vmem>>, vector<16xf32>,
        %get3A_183 = arith.index_cast %scan3A_169 : i32 to index
        %get3A_184 = arith.constant 0 : index
        %get3A_185 = tpu.vector_load %arg15[%get3A_183, %get3A_184] {strides = array<i32>} : memref<64x256xf32, #tpu.memory_space<vmem>>, vector<16xf32>,
        %mul3A_186 = arith.mulf %get3A_182, %get3A_185 : vector<16xf32>
        %get3A_187 = arith.index_cast %scan3A_169 : i32 to index
        %get3A_188 = arith.constant 16 : index
        %get3A_189 = tpu.vector_load %arg14[%get3A_187, %get3A_188] {strides = array<i32>} : memref<64x256xf32, #tpu.memory_space<vmem>>, vector<16xf32>,
        %get3A_190 = arith.index_cast %scan3A_169 : i32 to index
        %get3A_191 = arith.constant 16 : index
        %get3A_192 = tpu.vector_load %arg15[%get3A_190, %get3A_191] {strides = array<i32>} : memref<64x256xf32, #tpu.memory_space<vmem>>, vector<16xf32>,
        %mul3A_193 = arith.mulf %get3A_189, %get3A_192 : vector<16xf32>
        %get3A_194 = arith.index_cast %scan3A_169 : i32 to index
        %get3A_195 = arith.constant 32 : index
        %get3A_196 = tpu.vector_load %arg14[%get3A_194, %get3A_195] {strides = array<i32>} : memref<64x256xf32, #tpu.memory_space<vmem>>, vector<16xf32>,
        %get3A_197 = arith.index_cast %scan3A_169 : i32 to index
        %get3A_198 = arith.constant 32 : index
        %get3A_199 = tpu.vector_load %arg15[%get3A_197, %get3A_198] {strides = array<i32>} : memref<64x256xf32, #tpu.memory_space<vmem>>, vector<16xf32>,
        %mul3A_200 = arith.mulf %get3A_196, %get3A_199 : vector<16xf32>
        %get3A_201 = arith.index_cast %scan3A_169 : i32 to index
        %get3A_202 = arith.constant 48 : index
        %get3A_203 = tpu.vector_load %arg14[%get3A_201, %get3A_202] {strides = array<i32>} : memref<64x256xf32, #tpu.memory_space<vmem>>, vector<16xf32>,
        %get3A_204 = arith.index_cast %scan3A_169 : i32 to index
        %get3A_205 = arith.constant 48 : index
        %get3A_206 = tpu.vector_load %arg15[%get3A_204, %get3A_205] {strides = array<i32>} : memref<64x256xf32, #tpu.memory_space<vmem>>, vector<16xf32>,
        %mul3A_207 = arith.mulf %get3A_203, %get3A_206 : vector<16xf32>
        %get3A_208 = arith.index_cast %scan3A_169 : i32 to index
        %get3A_209 = arith.constant 64 : index
        %get3A_210 = tpu.vector_load %arg14[%get3A_208, %get3A_209] {strides = array<i32>} : memref<64x256xf32, #tpu.memory_space<vmem>>, vector<16xf32>,
        %get3A_211 = arith.index_cast %scan3A_169 : i32 to index
        %get3A_212 = arith.constant 64 : index
        %get3A_213 = tpu.vector_load %arg15[%get3A_211, %get3A_212] {strides = array<i32>} : memref<64x256xf32, #tpu.memory_space<vmem>>, vector<16xf32>,
        %mul3A_214 = arith.mulf %get3A_210, %get3A_213 : vector<16xf32>
        %get3A_215 = arith.index_cast %scan3A_169 : i32 to index
        %get3A_216 = arith.constant 80 : index
        %get3A_217 = tpu.vector_load %arg14[%get3A_215, %get3A_216] {strides = array<i32>} : memref<64x256xf32, #tpu.memory_space<vmem>>, vector<16xf32>,
        %get3A_218 = arith.index_cast %scan3A_169 : i32 to index
        %get3A_219 = arith.constant 80 : index
        %get3A_220 = tpu.vector_load %arg15[%get3A_218, %get3A_219] {strides = array<i32>} : memref<64x256xf32, #tpu.memory_space<vmem>>, vector<16xf32>,
        %mul3A_221 = arith.mulf %get3A_217, %get3A_220 : vector<16xf32>
        %get3A_222 = arith.index_cast %scan3A_169 : i32 to index
        %get3A_223 = arith.constant 96 : index
        %get3A_224 = tpu.vector_load %arg14[%get3A_222, %get3A_223] {strides = array<i32>} : memref<64x256xf32, #tpu.memory_space<vmem>>, vector<16xf32>,
        %get3A_225 = arith.index_cast %scan3A_169 : i32 to index
        %get3A_226 = arith.constant 96 : index
        %get3A_227 = tpu.vector_load %arg15[%get3A_225, %get3A_226] {strides = array<i32>} : memref<64x256xf32, #tpu.memory_space<vmem>>, vector<16xf32>,
        %mul3A_228 = arith.mulf %get3A_224, %get3A_227 : vector<16xf32>
        %get3A_229 = arith.index_cast %scan3A_169 : i32 to index
        %get3A_230 = arith.constant 112 : index
        %get3A_231 = tpu.vector_load %arg14[%get3A_229, %get3A_230] {strides = array<i32>} : memref<64x256xf32, #tpu.memory_space<vmem>>, vector<16xf32>,
        %get3A_232 = arith.index_cast %scan3A_169 : i32 to index
        %get3A_233 = arith.constant 112 : index
        %get3A_234 = tpu.vector_load %arg15[%get3A_232, %get3A_233] {strides = array<i32>} : memref<64x256xf32, #tpu.memory_space<vmem>>, vector<16xf32>,
        %mul3A_235 = arith.mulf %get3A_231, %get3A_234 : vector<16xf32>
        %get3A_236 = arith.index_cast %scan3A_169 : i32 to index
        %get3A_237 = arith.constant 128 : index
        %get3A_238 = tpu.vector_load %arg14[%get3A_236, %get3A_237] {strides = array<i32>} : memref<64x256xf32, #tpu.memory_space<vmem>>, vector<16xf32>,
        %get3A_239 = arith.index_cast %scan3A_169 : i32 to index
        %get3A_240 = arith.constant 128 : index
        %get3A_241 = tpu.vector_load %arg15[%get3A_239, %get3A_240] {strides = array<i32>} : memref<64x256xf32, #tpu.memory_space<vmem>>, vector<16xf32>,
        %mul3A_242 = arith.mulf %get3A_238, %get3A_241 : vector<16xf32>
        %get3A_243 = arith.index_cast %scan3A_169 : i32 to index
        %get3A_244 = arith.constant 144 : index
        %get3A_245 = tpu.vector_load %arg14[%get3A_243, %get3A_244] {strides = array<i32>} : memref<64x256xf32, #tpu.memory_space<vmem>>, vector<16xf32>,
        %get3A_246 = arith.index_cast %scan3A_169 : i32 to index
        %get3A_247 = arith.constant 144 : index
        %get3A_248 = tpu.vector_load %arg15[%get3A_246, %get3A_247] {strides = array<i32>} : memref<64x256xf32, #tpu.memory_space<vmem>>, vector<16xf32>,
        %mul3A_249 = arith.mulf %get3A_245, %get3A_248 : vector<16xf32>
        %get3A_250 = arith.index_cast %scan3A_169 : i32 to index
        %get3A_251 = arith.constant 160 : index
        %get3A_252 = tpu.vector_load %arg14[%get3A_250, %get3A_251] {strides = array<i32>} : memref<64x256xf32, #tpu.memory_space<vmem>>, vector<16xf32>,
        %get3A_253 = arith.index_cast %scan3A_169 : i32 to index
        %get3A_254 = arith.constant 160 : index
        %get3A_255 = tpu.vector_load %arg15[%get3A_253, %get3A_254] {strides = array<i32>} : memref<64x256xf32, #tpu.memory_space<vmem>>, vector<16xf32>,
        %mul3A_256 = arith.mulf %get3A_252, %get3A_255 : vector<16xf32>
        %get3A_257 = arith.index_cast %scan3A_169 : i32 to index
        %get3A_258 = arith.constant 176 : index
        %get3A_259 = tpu.vector_load %arg14[%get3A_257, %get3A_258] {strides = array<i32>} : memref<64x256xf32, #tpu.memory_space<vmem>>, vector<16xf32>,
        %get3A_260 = arith.index_cast %scan3A_169 : i32 to index
        %get3A_261 = arith.constant 176 : index
        %get3A_262 = tpu.vector_load %arg15[%get3A_260, %get3A_261] {strides = array<i32>} : memref<64x256xf32, #tpu.memory_space<vmem>>, vector<16xf32>,
        %mul3A_263 = arith.mulf %get3A_259, %get3A_262 : vector<16xf32>
        %get3A_264 = arith.index_cast %scan3A_169 : i32 to index
        %get3A_265 = arith.constant 192 : index
        %get3A_266 = tpu.vector_load %arg14[%get3A_264, %get3A_265] {strides = array<i32>} : memref<64x256xf32, #tpu.memory_space<vmem>>, vector<16xf32>,
        %get3A_267 = arith.index_cast %scan3A_169 : i32 to index
        %get3A_268 = arith.constant 192 : index
        %get3A_269 = tpu.vector_load %arg15[%get3A_267, %get3A_268] {strides = array<i32>} : memref<64x256xf32, #tpu.memory_space<vmem>>, vector<16xf32>,
        %mul3A_270 = arith.mulf %get3A_266, %get3A_269 : vector<16xf32>
        %get3A_271 = arith.index_cast %scan3A_169 : i32 to index
        %get3A_272 = arith.constant 208 : index
        %get3A_273 = tpu.vector_load %arg14[%get3A_271, %get3A_272] {strides = array<i32>} : memref<64x256xf32, #tpu.memory_space<vmem>>, vector<16xf32>,
        %get3A_274 = arith.index_cast %scan3A_169 : i32 to index
        %get3A_275 = arith.constant 208 : index
        %get3A_276 = tpu.vector_load %arg15[%get3A_274, %get3A_275] {strides = array<i32>} : memref<64x256xf32, #tpu.memory_space<vmem>>, vector<16xf32>,
        %mul3A_277 = arith.mulf %get3A_273, %get3A_276 : vector<16xf32>
        %get3A_278 = arith.index_cast %scan3A_169 : i32 to index
        %get3A_279 = arith.constant 224 : index
        %get3A_280 = tpu.vector_load %arg14[%get3A_278, %get3A_279] {strides = array<i32>} : memref<64x256xf32, #tpu.memory_space<vmem>>, vector<16xf32>,
        %get3A_281 = arith.index_cast %scan3A_169 : i32 to index
        %get3A_282 = arith.constant 224 : index
        %get3A_283 = tpu.vector_load %arg15[%get3A_281, %get3A_282] {strides = array<i32>} : memref<64x256xf32, #tpu.memory_space<vmem>>, vector<16xf32>,
        %mul3A_284 = arith.mulf %get3A_280, %get3A_283 : vector<16xf32>
        %get3A_285 = arith.index_cast %scan3A_169 : i32 to index
        %get3A_286 = arith.constant 240 : index
        %get3A_287 = tpu.vector_load %arg14[%get3A_285, %get3A_286] {strides = array<i32>} : memref<64x256xf32, #tpu.memory_space<vmem>>, vector<16xf32>,
        %get3A_288 = arith.index_cast %scan3A_169 : i32 to index
        %get3A_289 = arith.constant 240 : index
        %get3A_290 = tpu.vector_load %arg15[%get3A_288, %get3A_289] {strides = array<i32>} : memref<64x256xf32, #tpu.memory_space<vmem>>, vector<16xf32>,
        %mul3A_291 = arith.mulf %get3A_287, %get3A_290 : vector<16xf32>
        %add3A_292 = arith.addf %mul3A_186, %mul3A_193 : vector<16xf32>
        %reduce_sum3A = arith.constant true
        %reduce_sum3A_293 = vector.broadcast %reduce_sum3A : i1 to vector<16xi1>
        %reduce_sum3A_294 = tpu.scan <sum>, %add3A_292 masked %reduce_sum3A_293 : vector<16xf32>, vector<16xi1> -> vector<16xf32>
        %reduce_sum3A_295 = vector.extract %reduce_sum3A_294[15] : f32 from vector<16xf32>
        %eq3A = arith.constant 0 : i32
        %eq3A_296 = vector.broadcast %eq3A : i32 to vector<16xi32>
        %eq3A_297 = arith.cmpi eq, %iota3A, %eq3A_296 : vector<16xi32>
        %broadcast_in_dim3A_298 = vector.broadcast %reduce_sum3A_295 : f32 to vector<16xf32>
        %select_n3A_299 = arith.select %eq3A_297, %broadcast_in_dim3A_298, %broadcast_in_dim3A_60 : vector<16xi1>, vector<16xf32>
        %add3A_300 = arith.addf %mul3A_200, %mul3A_207 : vector<16xf32>
        %reduce_sum3A_301 = arith.constant true
        %reduce_sum3A_302 = vector.broadcast %reduce_sum3A_301 : i1 to vector<16xi1>
        %reduce_sum3A_303 = tpu.scan <sum>, %add3A_300 masked %reduce_sum3A_302 : vector<16xf32>, vector<16xi1> -> vector<16xf32>
        %reduce_sum3A_304 = vector.extract %reduce_sum3A_303[15] : f32 from vector<16xf32>
        %eq3A_305 = arith.constant 1 : i32
        %eq3A_306 = vector.broadcast %eq3A_305 : i32 to vector<16xi32>
        %eq3A_307 = arith.cmpi eq, %iota3A, %eq3A_306 : vector<16xi32>
        %broadcast_in_dim3A_308 = vector.broadcast %reduce_sum3A_304 : f32 to vector<16xf32>
        %select_n3A_309 = arith.select %eq3A_307, %broadcast_in_dim3A_308, %select_n3A_299 : vector<16xi1>, vector<16xf32>
        %add3A_310 = arith.addf %mul3A_214, %mul3A_221 : vector<16xf32>
        %reduce_sum3A_311 = arith.constant true
        %reduce_sum3A_312 = vector.broadcast %reduce_sum3A_311 : i1 to vector<16xi1>
        %reduce_sum3A_313 = tpu.scan <sum>, %add3A_310 masked %reduce_sum3A_312 : vector<16xf32>, vector<16xi1> -> vector<16xf32>
        %reduce_sum3A_314 = vector.extract %reduce_sum3A_313[15] : f32 from vector<16xf32>
        %eq3A_315 = arith.constant 2 : i32
        %eq3A_316 = vector.broadcast %eq3A_315 : i32 to vector<16xi32>
        %eq3A_317 = arith.cmpi eq, %iota3A, %eq3A_316 : vector<16xi32>
        %broadcast_in_dim3A_318 = vector.broadcast %reduce_sum3A_314 : f32 to vector<16xf32>
        %select_n3A_319 = arith.select %eq3A_317, %broadcast_in_dim3A_318, %select_n3A_309 : vector<16xi1>, vector<16xf32>
        %add3A_320 = arith.addf %mul3A_228, %mul3A_235 : vector<16xf32>
        %reduce_sum3A_321 = arith.constant true
        %reduce_sum3A_322 = vector.broadcast %reduce_sum3A_321 : i1 to vector<16xi1>
        %reduce_sum3A_323 = tpu.scan <sum>, %add3A_320 masked %reduce_sum3A_322 : vector<16xf32>, vector<16xi1> -> vector<16xf32>
        %reduce_sum3A_324 = vector.extract %reduce_sum3A_323[15] : f32 from vector<16xf32>
        %eq3A_325 = arith.constant 3 : i32
        %eq3A_326 = vector.broadcast %eq3A_325 : i32 to vector<16xi32>
        %eq3A_327 = arith.cmpi eq, %iota3A, %eq3A_326 : vector<16xi32>
        %broadcast_in_dim3A_328 = vector.broadcast %reduce_sum3A_324 : f32 to vector<16xf32>
        %select_n3A_329 = arith.select %eq3A_327, %broadcast_in_dim3A_328, %select_n3A_319 : vector<16xi1>, vector<16xf32>
        %add3A_330 = arith.addf %mul3A_242, %mul3A_249 : vector<16xf32>
        %reduce_sum3A_331 = arith.constant true
        %reduce_sum3A_332 = vector.broadcast %reduce_sum3A_331 : i1 to vector<16xi1>
        %reduce_sum3A_333 = tpu.scan <sum>, %add3A_330 masked %reduce_sum3A_332 : vector<16xf32>, vector<16xi1> -> vector<16xf32>
        %reduce_sum3A_334 = vector.extract %reduce_sum3A_333[15] : f32 from vector<16xf32>
        %eq3A_335 = arith.constant 4 : i32
        %eq3A_336 = vector.broadcast %eq3A_335 : i32 to vector<16xi32>
        %eq3A_337 = arith.cmpi eq, %iota3A, %eq3A_336 : vector<16xi32>
        %broadcast_in_dim3A_338 = vector.broadcast %reduce_sum3A_334 : f32 to vector<16xf32>
        %select_n3A_339 = arith.select %eq3A_337, %broadcast_in_dim3A_338, %select_n3A_329 : vector<16xi1>, vector<16xf32>
        %add3A_340 = arith.addf %mul3A_256, %mul3A_263 : vector<16xf32>
        %reduce_sum3A_341 = arith.constant true
        %reduce_sum3A_342 = vector.broadcast %reduce_sum3A_341 : i1 to vector<16xi1>
        %reduce_sum3A_343 = tpu.scan <sum>, %add3A_340 masked %reduce_sum3A_342 : vector<16xf32>, vector<16xi1> -> vector<16xf32>
        %reduce_sum3A_344 = vector.extract %reduce_sum3A_343[15] : f32 from vector<16xf32>
        %eq3A_345 = arith.constant 5 : i32
        %eq3A_346 = vector.broadcast %eq3A_345 : i32 to vector<16xi32>
        %eq3A_347 = arith.cmpi eq, %iota3A, %eq3A_346 : vector<16xi32>
        %broadcast_in_dim3A_348 = vector.broadcast %reduce_sum3A_344 : f32 to vector<16xf32>
        %select_n3A_349 = arith.select %eq3A_347, %broadcast_in_dim3A_348, %select_n3A_339 : vector<16xi1>, vector<16xf32>
        %add3A_350 = arith.addf %mul3A_270, %mul3A_277 : vector<16xf32>
        %reduce_sum3A_351 = arith.constant true
        %reduce_sum3A_352 = vector.broadcast %reduce_sum3A_351 : i1 to vector<16xi1>
        %reduce_sum3A_353 = tpu.scan <sum>, %add3A_350 masked %reduce_sum3A_352 : vector<16xf32>, vector<16xi1> -> vector<16xf32>
        %reduce_sum3A_354 = vector.extract %reduce_sum3A_353[15] : f32 from vector<16xf32>
        %eq3A_355 = arith.constant 6 : i32
        %eq3A_356 = vector.broadcast %eq3A_355 : i32 to vector<16xi32>
        %eq3A_357 = arith.cmpi eq, %iota3A, %eq3A_356 : vector<16xi32>
        %broadcast_in_dim3A_358 = vector.broadcast %reduce_sum3A_354 : f32 to vector<16xf32>
        %select_n3A_359 = arith.select %eq3A_357, %broadcast_in_dim3A_358, %select_n3A_349 : vector<16xi1>, vector<16xf32>
        %add3A_360 = arith.addf %mul3A_284, %mul3A_291 : vector<16xf32>
        %reduce_sum3A_361 = arith.constant true
        %reduce_sum3A_362 = vector.broadcast %reduce_sum3A_361 : i1 to vector<16xi1>
        %reduce_sum3A_363 = tpu.scan <sum>, %add3A_360 masked %reduce_sum3A_362 : vector<16xf32>, vector<16xi1> -> vector<16xf32>
        %reduce_sum3A_364 = vector.extract %reduce_sum3A_363[15] : f32 from vector<16xf32>
        %eq3A_365 = arith.constant 7 : i32
        %eq3A_366 = vector.broadcast %eq3A_365 : i32 to vector<16xi32>
        %eq3A_367 = arith.cmpi eq, %iota3A, %eq3A_366 : vector<16xi32>
        %broadcast_in_dim3A_368 = vector.broadcast %reduce_sum3A_364 : f32 to vector<16xf32>
        %select_n3A_369 = arith.select %eq3A_367, %broadcast_in_dim3A_368, %select_n3A_359 : vector<16xi1>, vector<16xf32>
        %mul3A_370 = arith.constant 0.176776692 : f32
        %mul3A_371 = vector.broadcast %mul3A_370 : f32 to vector<16xf32>
        %mul3A_372 = arith.mulf %select_n3A_369, %mul3A_371 : vector<16xf32>
        %mul3A_373 = arith.constant 16 : i32
        %mul3A_374 = arith.muli %scan3A_169, %mul3A_373 : i32
        %swap3A = arith.index_cast %mul3A_374 : i32 to index
        %swap3A_375 = tpu.vector_load %arg16[%swap3A] {strides = array<i32>} : memref<1024xf32, #tpu.memory_space<vmem>>, vector<16xf32>,
        tpu.vector_store %arg16[%swap3A], %mul3A_372 {strides = array<i32>} : memref<1024xf32, #tpu.memory_space<vmem>>, vector<16xf32>,
        %ne3A_376 = arith.cmpi ne, %sub3A_179, %scan3A_170 : i32
        %and3A_377 = arith.andi %and3A_174, %ne3A_376 : i1
        %ge3A_378 = arith.constant 0 : i32
        %ge3A_379 = arith.cmpi sge, %scan3A_170, %ge3A_378 : i32
        %and3A_380 = arith.andi %and3A_377, %ge3A_379 : i1
        %convert_element_type3A_381 = arith.extui %and3A_380 : i1 to i32
        %cond3A_382 = arith.constant 0 : i32
        %cond3A_383 = arith.cmpi ne, %convert_element_type3A_381, %cond3A_382 : i32
        scf.if %cond3A_383 {
          %mul3A_387 = arith.constant 16 : i32
          %mul3A_388 = arith.muli %scan3A_170, %mul3A_387 : i32
          %swap3A_389 = arith.index_cast %mul3A_388 : i32 to index
          %swap3A_390 = tpu.vector_load %arg17[%swap3A_389] {strides = array<i32>} : memref<5120xf32, #tpu.memory_space<vmem>>, vector<16xf32>,
          tpu.vector_store %arg17[%swap3A_389], %scan3A_171 {strides = array<i32>} : memref<5120xf32, #tpu.memory_space<vmem>>, vector<16xf32>,
        } else {
        }
        %select_n3A_384 = arith.select %and3A_377, %broadcast_in_dim3A_62, %scan3A_171 : vector<16xf32>
        %max3A = arith.maximumf %select_n3A_384, %mul3A_372 : vector<16xf32>
        %select_n3A_385 = arith.select %and3A_174, %max3A, %select_n3A_384 : vector<16xf32>
        %select_n3A_386 = arith.select %and3A_174, %sub3A_179, %scan3A_170 : i32
        scf.yield %select_n3A_386, %select_n3A_385 : i32, vector<16xf32>
      }
      %scan3A_166 = arith.constant 64 : i32
      %mul3A_167 = arith.constant 16 : i32
      %mul3A_168 = arith.muli %add3A_150, %mul3A_167 : i32
      "tpu.region"() ({
        %run_scoped3A = tpu.sem_alloc : memref<!tpu.dma_semaphore, #tpu.memory_space<semaphore_mem>>
        %dma_start3A_169 = tpu.memref_slice %arg9[%mul3A_168] : memref<2562048xf32, #tpu.memory_space<hbm>> -> memref<1024xf32, #tpu.memory_space<hbm>>
        %dma_start3A_170 = tpu.memref_slice %arg9[%mul3A_168] : memref<2562048xf32, #tpu.memory_space<hbm>> -> memref<1024xf32, #tpu.memory_space<hbm>>
        tpu.enqueue_dma source(%arg16 : memref<1024xf32, #tpu.memory_space<vmem>>) target(%dma_start3A_170 : memref<1024xf32, #tpu.memory_space<hbm>>) target_semaphore(%run_scoped3A : memref<!tpu.dma_semaphore, #tpu.memory_space<semaphore_mem>>)
        %dma_wait3A_171 = tpu.memref_slice %arg9[%mul3A_168] : memref<2562048xf32, #tpu.memory_space<hbm>> -> memref<1024xf32, #tpu.memory_space<hbm>>
        %dma_wait3A_172 = tpu.memref_slice %arg9[%mul3A_168] : memref<2562048xf32, #tpu.memory_space<hbm>> -> memref<1024xf32, #tpu.memory_space<hbm>>
        tpu.wait_dma2 semaphore(%run_scoped3A : memref<!tpu.dma_semaphore, #tpu.memory_space<semaphore_mem>>) src(%arg16 : memref<1024xf32, #tpu.memory_space<vmem>>) dst(%dma_wait3A_172 : memref<1024xf32, #tpu.memory_space<hbm>>)
        tpu.yield
      }) : () -> ()
      scf.yield %scan3A_165#0, %scan3A_165#1 : i32, vector<16xf32>
    }
    %while3A_77 = arith.constant 1 : i32
    %while3A_78:2 = scf.for %while3A_145 = %while3A_74 to %while3A_70 step %while3A_77 iter_args(%while3A_146 = %while3A_76#0, %while3A_147 = %while3A_76#1) -> (i32, vector<16xf32>)  : i32 {
      %mul3A_148 = arith.constant 64 : i32
      %mul3A_149 = arith.muli %while3A_145, %mul3A_148 : i32
      %add3A_150 = arith.addi %mul3A_30, %mul3A_149 : i32
      "tpu.region"() ({
        %run_scoped3A = tpu.sem_alloc : memref<!tpu.dma_semaphore, #tpu.memory_space<semaphore_mem>>
        %dma_start3A_169 = tpu.memref_slice %arg5[%add3A_150] : memref<160128xi32, #tpu.memory_space<hbm>> -> memref<80xi32, #tpu.memory_space<hbm>>
        %dma_start3A_170 = tpu.memref_slice %arg5[%add3A_150] : memref<160128xi32, #tpu.memory_space<hbm>> -> memref<80xi32, #tpu.memory_space<hbm>>
        tpu.enqueue_dma source(%dma_start3A_170 : memref<80xi32, #tpu.memory_space<hbm>>) target(%arg11 : memref<80xi32, #tpu.memory_space<vmem>>) target_semaphore(%run_scoped3A : memref<!tpu.dma_semaphore, #tpu.memory_space<semaphore_mem>>)
        %dma_wait3A_171 = tpu.memref_slice %arg5[%add3A_150] : memref<160128xi32, #tpu.memory_space<hbm>> -> memref<80xi32, #tpu.memory_space<hbm>>
        %dma_wait3A_172 = tpu.memref_slice %arg5[%add3A_150] : memref<160128xi32, #tpu.memory_space<hbm>> -> memref<80xi32, #tpu.memory_space<hbm>>
        tpu.wait_dma2 semaphore(%run_scoped3A : memref<!tpu.dma_semaphore, #tpu.memory_space<semaphore_mem>>) src(%dma_wait3A_172 : memref<80xi32, #tpu.memory_space<hbm>>) dst(%arg11 : memref<80xi32, #tpu.memory_space<vmem>>)
        tpu.yield
      }) : () -> ()
      "tpu.region"() ({
        %run_scoped3A = tpu.sem_alloc : memref<!tpu.dma_semaphore, #tpu.memory_space<semaphore_mem>>
        %dma_start3A_169 = tpu.memref_slice %arg5[%add3A_150] : memref<160128xi32, #tpu.memory_space<hbm>> -> memref<64xi32, #tpu.memory_space<hbm>>
        %dma_start3A_170 = tpu.memref_slice %arg5[%add3A_150] : memref<160128xi32, #tpu.memory_space<hbm>> -> memref<64xi32, #tpu.memory_space<hbm>>
        tpu.enqueue_dma source(%dma_start3A_170 : memref<64xi32, #tpu.memory_space<hbm>>) target(%arg12 : memref<64xi32, #tpu.memory_space<vmem>>) target_semaphore(%run_scoped3A : memref<!tpu.dma_semaphore, #tpu.memory_space<semaphore_mem>>)
        %dma_wait3A_171 = tpu.memref_slice %arg5[%add3A_150] : memref<160128xi32, #tpu.memory_space<hbm>> -> memref<64xi32, #tpu.memory_space<hbm>>
        %dma_wait3A_172 = tpu.memref_slice %arg5[%add3A_150] : memref<160128xi32, #tpu.memory_space<hbm>> -> memref<64xi32, #tpu.memory_space<hbm>>
        tpu.wait_dma2 semaphore(%run_scoped3A : memref<!tpu.dma_semaphore, #tpu.memory_space<semaphore_mem>>) src(%dma_wait3A_172 : memref<64xi32, #tpu.memory_space<hbm>>) dst(%arg12 : memref<64xi32, #tpu.memory_space<vmem>>)
        tpu.yield
      }) : () -> ()
      "tpu.region"() ({
        %run_scoped3A = tpu.sem_alloc : memref<!tpu.dma_semaphore, #tpu.memory_space<semaphore_mem>>
        %dma_start3A_169 = tpu.memref_slice %arg6[%add3A_150] : memref<160128xi32, #tpu.memory_space<hbm>> -> memref<64xi32, #tpu.memory_space<hbm>>
        %dma_start3A_170 = tpu.memref_slice %arg6[%add3A_150] : memref<160128xi32, #tpu.memory_space<hbm>> -> memref<64xi32, #tpu.memory_space<hbm>>
        tpu.enqueue_dma source(%dma_start3A_170 : memref<64xi32, #tpu.memory_space<hbm>>) target(%arg13 : memref<64xi32, #tpu.memory_space<vmem>>) target_semaphore(%run_scoped3A : memref<!tpu.dma_semaphore, #tpu.memory_space<semaphore_mem>>)
        %dma_wait3A_171 = tpu.memref_slice %arg6[%add3A_150] : memref<160128xi32, #tpu.memory_space<hbm>> -> memref<64xi32, #tpu.memory_space<hbm>>
        %dma_wait3A_172 = tpu.memref_slice %arg6[%add3A_150] : memref<160128xi32, #tpu.memory_space<hbm>> -> memref<64xi32, #tpu.memory_space<hbm>>
        tpu.wait_dma2 semaphore(%run_scoped3A : memref<!tpu.dma_semaphore, #tpu.memory_space<semaphore_mem>>) src(%dma_wait3A_172 : memref<64xi32, #tpu.memory_space<hbm>>) dst(%arg13 : memref<64xi32, #tpu.memory_space<vmem>>)
        tpu.yield
      }) : () -> ()
      %dma_start3A = arith.constant 0 : i32
      %dma_start3A_151 = arith.constant 0 : i32
      %dma_start3A_152 = tpu.memref_slice %arg2[%dma_start3A, %dma_start3A_151] : memref<10000x256xf32, #tpu.memory_space<hbm>> -> memref<10000x256xf32, #tpu.memory_space<hbm>>
      tpu.enqueue_indirect_dma source(%dma_start3A_152 : memref<10000x256xf32, #tpu.memory_space<hbm>>) target(%arg14 : memref<64x256xf32, #tpu.memory_space<vmem>>) offsets(%arg12 : memref<64xi32, #tpu.memory_space<vmem>>) semaphore(%arg20 : memref<!tpu.dma_semaphore, #tpu.memory_space<semaphore_mem>>)
      %dma_start3A_153 = arith.constant 0 : i32
      %dma_start3A_154 = arith.constant 0 : i32
      %dma_start3A_155 = tpu.memref_slice %arg3[%dma_start3A_153, %dma_start3A_154] : memref<10000x256xf32, #tpu.memory_space<hbm>> -> memref<10000x256xf32, #tpu.memory_space<hbm>>
      tpu.enqueue_indirect_dma source(%dma_start3A_155 : memref<10000x256xf32, #tpu.memory_space<hbm>>) target(%arg15 : memref<64x256xf32, #tpu.memory_space<vmem>>) offsets(%arg13 : memref<64xi32, #tpu.memory_space<vmem>>) semaphore(%arg21 : memref<!tpu.dma_semaphore, #tpu.memory_space<semaphore_mem>>)
      %dma_wait3A = arith.constant 0 : i32
      %dma_wait3A_156 = arith.constant 0 : i32
      %dma_wait3A_157 = tpu.memref_slice %arg2[%dma_wait3A, %dma_wait3A_156] : memref<10000x256xf32, #tpu.memory_space<hbm>> -> memref<10000x256xf32, #tpu.memory_space<hbm>>
      tpu.wait_indirect_dma semaphore(%arg20 : memref<!tpu.dma_semaphore, #tpu.memory_space<semaphore_mem>>) src(%dma_wait3A_157 : memref<10000x256xf32, #tpu.memory_space<hbm>>) dst(%arg14 : memref<64x256xf32, #tpu.memory_space<vmem>>)
      %dma_wait3A_158 = arith.constant 0 : i32
      %dma_wait3A_159 = arith.constant 0 : i32
      %dma_wait3A_160 = tpu.memref_slice %arg3[%dma_wait3A_158, %dma_wait3A_159] : memref<10000x256xf32, #tpu.memory_space<hbm>> -> memref<10000x256xf32, #tpu.memory_space<hbm>>
      tpu.wait_indirect_dma semaphore(%arg21 : memref<!tpu.dma_semaphore, #tpu.memory_space<semaphore_mem>>) src(%dma_wait3A_160 : memref<10000x256xf32, #tpu.memory_space<hbm>>) dst(%arg15 : memref<64x256xf32, #tpu.memory_space<vmem>>)
      %scan3A_161 = arith.constant 0 : i32
      %scan3A_162 = arith.constant 64 : i32
      %scan3A_163 = arith.addi %scan3A_161, %scan3A_162 : i32
      %scan3A_164 = arith.constant 1 : i32
      %scan3A_165:2 = scf.for %scan3A_169 = %scan3A_161 to %scan3A_163 step %scan3A_164 iter_args(%scan3A_170 = %while3A_146, %scan3A_171 = %while3A_147) -> (i32, vector<16xf32>)  : i32 {
        %add3A_172 = arith.addi %add3A_150, %scan3A_169 : i32
        %ge3A_173 = arith.cmpi sge, %add3A_172, %squeeze3A : i32
        %lt3A = arith.cmpi slt, %add3A_172, %squeeze3A_7 : i32
        %and3A_174 = arith.andi %ge3A_173, %lt3A : i1
        %get3A_175 = arith.index_cast %scan3A_169 : i32 to index
        %get3A_176 = tpu.vector_load %arg11[%get3A_175] {strides = array<i32>} : memref<80xi32, #tpu.memory_space<vmem>>, vector<16xi32>,
        %slice3A_177 = vector.extract_strided_slice %get3A_176 {offsets = [0], sizes = [1], strides = [1]} : vector<16xi32> to vector<1xi32>
        %squeeze3A_178 = vector.extract %slice3A_177[0] : i32 from vector<1xi32>
        %sub3A_179 = arith.subi %squeeze3A_178, %mul3A_9 : i32
        %get3A_180 = arith.index_cast %scan3A_169 : i32 to index
        %get3A_181 = arith.constant 0 : index
        %get3A_182 = tpu.vector_load %arg14[%get3A_180, %get3A_181] {strides = array<i32>} : memref<64x256xf32, #tpu.memory_space<vmem>>, vector<16xf32>,
        %get3A_183 = arith.index_cast %scan3A_169 : i32 to index
        %get3A_184 = arith.constant 0 : index
        %get3A_185 = tpu.vector_load %arg15[%get3A_183, %get3A_184] {strides = array<i32>} : memref<64x256xf32, #tpu.memory_space<vmem>>, vector<16xf32>,
        %mul3A_186 = arith.mulf %get3A_182, %get3A_185 : vector<16xf32>
        %get3A_187 = arith.index_cast %scan3A_169 : i32 to index
        %get3A_188 = arith.constant 16 : index
        %get3A_189 = tpu.vector_load %arg14[%get3A_187, %get3A_188] {strides = array<i32>} : memref<64x256xf32, #tpu.memory_space<vmem>>, vector<16xf32>,
        %get3A_190 = arith.index_cast %scan3A_169 : i32 to index
        %get3A_191 = arith.constant 16 : index
        %get3A_192 = tpu.vector_load %arg15[%get3A_190, %get3A_191] {strides = array<i32>} : memref<64x256xf32, #tpu.memory_space<vmem>>, vector<16xf32>,
        %mul3A_193 = arith.mulf %get3A_189, %get3A_192 : vector<16xf32>
        %get3A_194 = arith.index_cast %scan3A_169 : i32 to index
        %get3A_195 = arith.constant 32 : index
        %get3A_196 = tpu.vector_load %arg14[%get3A_194, %get3A_195] {strides = array<i32>} : memref<64x256xf32, #tpu.memory_space<vmem>>, vector<16xf32>,
        %get3A_197 = arith.index_cast %scan3A_169 : i32 to index
        %get3A_198 = arith.constant 32 : index
        %get3A_199 = tpu.vector_load %arg15[%get3A_197, %get3A_198] {strides = array<i32>} : memref<64x256xf32, #tpu.memory_space<vmem>>, vector<16xf32>,
        %mul3A_200 = arith.mulf %get3A_196, %get3A_199 : vector<16xf32>
        %get3A_201 = arith.index_cast %scan3A_169 : i32 to index
        %get3A_202 = arith.constant 48 : index
        %get3A_203 = tpu.vector_load %arg14[%get3A_201, %get3A_202] {strides = array<i32>} : memref<64x256xf32, #tpu.memory_space<vmem>>, vector<16xf32>,
        %get3A_204 = arith.index_cast %scan3A_169 : i32 to index
        %get3A_205 = arith.constant 48 : index
        %get3A_206 = tpu.vector_load %arg15[%get3A_204, %get3A_205] {strides = array<i32>} : memref<64x256xf32, #tpu.memory_space<vmem>>, vector<16xf32>,
        %mul3A_207 = arith.mulf %get3A_203, %get3A_206 : vector<16xf32>
        %get3A_208 = arith.index_cast %scan3A_169 : i32 to index
        %get3A_209 = arith.constant 64 : index
        %get3A_210 = tpu.vector_load %arg14[%get3A_208, %get3A_209] {strides = array<i32>} : memref<64x256xf32, #tpu.memory_space<vmem>>, vector<16xf32>,
        %get3A_211 = arith.index_cast %scan3A_169 : i32 to index
        %get3A_212 = arith.constant 64 : index
        %get3A_213 = tpu.vector_load %arg15[%get3A_211, %get3A_212] {strides = array<i32>} : memref<64x256xf32, #tpu.memory_space<vmem>>, vector<16xf32>,
        %mul3A_214 = arith.mulf %get3A_210, %get3A_213 : vector<16xf32>
        %get3A_215 = arith.index_cast %scan3A_169 : i32 to index
        %get3A_216 = arith.constant 80 : index
        %get3A_217 = tpu.vector_load %arg14[%get3A_215, %get3A_216] {strides = array<i32>} : memref<64x256xf32, #tpu.memory_space<vmem>>, vector<16xf32>,
        %get3A_218 = arith.index_cast %scan3A_169 : i32 to index
        %get3A_219 = arith.constant 80 : index
        %get3A_220 = tpu.vector_load %arg15[%get3A_218, %get3A_219] {strides = array<i32>} : memref<64x256xf32, #tpu.memory_space<vmem>>, vector<16xf32>,
        %mul3A_221 = arith.mulf %get3A_217, %get3A_220 : vector<16xf32>
        %get3A_222 = arith.index_cast %scan3A_169 : i32 to index
        %get3A_223 = arith.constant 96 : index
        %get3A_224 = tpu.vector_load %arg14[%get3A_222, %get3A_223] {strides = array<i32>} : memref<64x256xf32, #tpu.memory_space<vmem>>, vector<16xf32>,
        %get3A_225 = arith.index_cast %scan3A_169 : i32 to index
        %get3A_226 = arith.constant 96 : index
        %get3A_227 = tpu.vector_load %arg15[%get3A_225, %get3A_226] {strides = array<i32>} : memref<64x256xf32, #tpu.memory_space<vmem>>, vector<16xf32>,
        %mul3A_228 = arith.mulf %get3A_224, %get3A_227 : vector<16xf32>
        %get3A_229 = arith.index_cast %scan3A_169 : i32 to index
        %get3A_230 = arith.constant 112 : index
        %get3A_231 = tpu.vector_load %arg14[%get3A_229, %get3A_230] {strides = array<i32>} : memref<64x256xf32, #tpu.memory_space<vmem>>, vector<16xf32>,
        %get3A_232 = arith.index_cast %scan3A_169 : i32 to index
        %get3A_233 = arith.constant 112 : index
        %get3A_234 = tpu.vector_load %arg15[%get3A_232, %get3A_233] {strides = array<i32>} : memref<64x256xf32, #tpu.memory_space<vmem>>, vector<16xf32>,
        %mul3A_235 = arith.mulf %get3A_231, %get3A_234 : vector<16xf32>
        %get3A_236 = arith.index_cast %scan3A_169 : i32 to index
        %get3A_237 = arith.constant 128 : index
        %get3A_238 = tpu.vector_load %arg14[%get3A_236, %get3A_237] {strides = array<i32>} : memref<64x256xf32, #tpu.memory_space<vmem>>, vector<16xf32>,
        %get3A_239 = arith.index_cast %scan3A_169 : i32 to index
        %get3A_240 = arith.constant 128 : index
        %get3A_241 = tpu.vector_load %arg15[%get3A_239, %get3A_240] {strides = array<i32>} : memref<64x256xf32, #tpu.memory_space<vmem>>, vector<16xf32>,
        %mul3A_242 = arith.mulf %get3A_238, %get3A_241 : vector<16xf32>
        %get3A_243 = arith.index_cast %scan3A_169 : i32 to index
        %get3A_244 = arith.constant 144 : index
        %get3A_245 = tpu.vector_load %arg14[%get3A_243, %get3A_244] {strides = array<i32>} : memref<64x256xf32, #tpu.memory_space<vmem>>, vector<16xf32>,
        %get3A_246 = arith.index_cast %scan3A_169 : i32 to index
        %get3A_247 = arith.constant 144 : index
        %get3A_248 = tpu.vector_load %arg15[%get3A_246, %get3A_247] {strides = array<i32>} : memref<64x256xf32, #tpu.memory_space<vmem>>, vector<16xf32>,
        %mul3A_249 = arith.mulf %get3A_245, %get3A_248 : vector<16xf32>
        %get3A_250 = arith.index_cast %scan3A_169 : i32 to index
        %get3A_251 = arith.constant 160 : index
        %get3A_252 = tpu.vector_load %arg14[%get3A_250, %get3A_251] {strides = array<i32>} : memref<64x256xf32, #tpu.memory_space<vmem>>, vector<16xf32>,
        %get3A_253 = arith.index_cast %scan3A_169 : i32 to index
        %get3A_254 = arith.constant 160 : index
        %get3A_255 = tpu.vector_load %arg15[%get3A_253, %get3A_254] {strides = array<i32>} : memref<64x256xf32, #tpu.memory_space<vmem>>, vector<16xf32>,
        %mul3A_256 = arith.mulf %get3A_252, %get3A_255 : vector<16xf32>
        %get3A_257 = arith.index_cast %scan3A_169 : i32 to index
        %get3A_258 = arith.constant 176 : index
        %get3A_259 = tpu.vector_load %arg14[%get3A_257, %get3A_258] {strides = array<i32>} : memref<64x256xf32, #tpu.memory_space<vmem>>, vector<16xf32>,
        %get3A_260 = arith.index_cast %scan3A_169 : i32 to index
        %get3A_261 = arith.constant 176 : index
        %get3A_262 = tpu.vector_load %arg15[%get3A_260, %get3A_261] {strides = array<i32>} : memref<64x256xf32, #tpu.memory_space<vmem>>, vector<16xf32>,
        %mul3A_263 = arith.mulf %get3A_259, %get3A_262 : vector<16xf32>
        %get3A_264 = arith.index_cast %scan3A_169 : i32 to index
        %get3A_265 = arith.constant 192 : index
        %get3A_266 = tpu.vector_load %arg14[%get3A_264, %get3A_265] {strides = array<i32>} : memref<64x256xf32, #tpu.memory_space<vmem>>, vector<16xf32>,
        %get3A_267 = arith.index_cast %scan3A_169 : i32 to index
        %get3A_268 = arith.constant 192 : index
        %get3A_269 = tpu.vector_load %arg15[%get3A_267, %get3A_268] {strides = array<i32>} : memref<64x256xf32, #tpu.memory_space<vmem>>, vector<16xf32>,
        %mul3A_270 = arith.mulf %get3A_266, %get3A_269 : vector<16xf32>
        %get3A_271 = arith.index_cast %scan3A_169 : i32 to index
        %get3A_272 = arith.constant 208 : index
        %get3A_273 = tpu.vector_load %arg14[%get3A_271, %get3A_272] {strides = array<i32>} : memref<64x256xf32, #tpu.memory_space<vmem>>, vector<16xf32>,
        %get3A_274 = arith.index_cast %scan3A_169 : i32 to index
        %get3A_275 = arith.constant 208 : index
        %get3A_276 = tpu.vector_load %arg15[%get3A_274, %get3A_275] {strides = array<i32>} : memref<64x256xf32, #tpu.memory_space<vmem>>, vector<16xf32>,
        %mul3A_277 = arith.mulf %get3A_273, %get3A_276 : vector<16xf32>
        %get3A_278 = arith.index_cast %scan3A_169 : i32 to index
        %get3A_279 = arith.constant 224 : index
        %get3A_280 = tpu.vector_load %arg14[%get3A_278, %get3A_279] {strides = array<i32>} : memref<64x256xf32, #tpu.memory_space<vmem>>, vector<16xf32>,
        %get3A_281 = arith.index_cast %scan3A_169 : i32 to index
        %get3A_282 = arith.constant 224 : index
        %get3A_283 = tpu.vector_load %arg15[%get3A_281, %get3A_282] {strides = array<i32>} : memref<64x256xf32, #tpu.memory_space<vmem>>, vector<16xf32>,
        %mul3A_284 = arith.mulf %get3A_280, %get3A_283 : vector<16xf32>
        %get3A_285 = arith.index_cast %scan3A_169 : i32 to index
        %get3A_286 = arith.constant 240 : index
        %get3A_287 = tpu.vector_load %arg14[%get3A_285, %get3A_286] {strides = array<i32>} : memref<64x256xf32, #tpu.memory_space<vmem>>, vector<16xf32>,
        %get3A_288 = arith.index_cast %scan3A_169 : i32 to index
        %get3A_289 = arith.constant 240 : index
        %get3A_290 = tpu.vector_load %arg15[%get3A_288, %get3A_289] {strides = array<i32>} : memref<64x256xf32, #tpu.memory_space<vmem>>, vector<16xf32>,
        %mul3A_291 = arith.mulf %get3A_287, %get3A_290 : vector<16xf32>
        %add3A_292 = arith.addf %mul3A_186, %mul3A_193 : vector<16xf32>
        %reduce_sum3A = arith.constant true
        %reduce_sum3A_293 = vector.broadcast %reduce_sum3A : i1 to vector<16xi1>
        %reduce_sum3A_294 = tpu.scan <sum>, %add3A_292 masked %reduce_sum3A_293 : vector<16xf32>, vector<16xi1> -> vector<16xf32>
        %reduce_sum3A_295 = vector.extract %reduce_sum3A_294[15] : f32 from vector<16xf32>
        %eq3A = arith.constant 0 : i32
        %eq3A_296 = vector.broadcast %eq3A : i32 to vector<16xi32>
        %eq3A_297 = arith.cmpi eq, %iota3A, %eq3A_296 : vector<16xi32>
        %broadcast_in_dim3A_298 = vector.broadcast %reduce_sum3A_295 : f32 to vector<16xf32>
        %select_n3A_299 = arith.select %eq3A_297, %broadcast_in_dim3A_298, %broadcast_in_dim3A_60 : vector<16xi1>, vector<16xf32>
        %add3A_300 = arith.addf %mul3A_200, %mul3A_207 : vector<16xf32>
        %reduce_sum3A_301 = arith.constant true
        %reduce_sum3A_302 = vector.broadcast %reduce_sum3A_301 : i1 to vector<16xi1>
        %reduce_sum3A_303 = tpu.scan <sum>, %add3A_300 masked %reduce_sum3A_302 : vector<16xf32>, vector<16xi1> -> vector<16xf32>
        %reduce_sum3A_304 = vector.extract %reduce_sum3A_303[15] : f32 from vector<16xf32>
        %eq3A_305 = arith.constant 1 : i32
        %eq3A_306 = vector.broadcast %eq3A_305 : i32 to vector<16xi32>
        %eq3A_307 = arith.cmpi eq, %iota3A, %eq3A_306 : vector<16xi32>
        %broadcast_in_dim3A_308 = vector.broadcast %reduce_sum3A_304 : f32 to vector<16xf32>
        %select_n3A_309 = arith.select %eq3A_307, %broadcast_in_dim3A_308, %select_n3A_299 : vector<16xi1>, vector<16xf32>
        %add3A_310 = arith.addf %mul3A_214, %mul3A_221 : vector<16xf32>
        %reduce_sum3A_311 = arith.constant true
        %reduce_sum3A_312 = vector.broadcast %reduce_sum3A_311 : i1 to vector<16xi1>
        %reduce_sum3A_313 = tpu.scan <sum>, %add3A_310 masked %reduce_sum3A_312 : vector<16xf32>, vector<16xi1> -> vector<16xf32>
        %reduce_sum3A_314 = vector.extract %reduce_sum3A_313[15] : f32 from vector<16xf32>
        %eq3A_315 = arith.constant 2 : i32
        %eq3A_316 = vector.broadcast %eq3A_315 : i32 to vector<16xi32>
        %eq3A_317 = arith.cmpi eq, %iota3A, %eq3A_316 : vector<16xi32>
        %broadcast_in_dim3A_318 = vector.broadcast %reduce_sum3A_314 : f32 to vector<16xf32>
        %select_n3A_319 = arith.select %eq3A_317, %broadcast_in_dim3A_318, %select_n3A_309 : vector<16xi1>, vector<16xf32>
        %add3A_320 = arith.addf %mul3A_228, %mul3A_235 : vector<16xf32>
        %reduce_sum3A_321 = arith.constant true
        %reduce_sum3A_322 = vector.broadcast %reduce_sum3A_321 : i1 to vector<16xi1>
        %reduce_sum3A_323 = tpu.scan <sum>, %add3A_320 masked %reduce_sum3A_322 : vector<16xf32>, vector<16xi1> -> vector<16xf32>
        %reduce_sum3A_324 = vector.extract %reduce_sum3A_323[15] : f32 from vector<16xf32>
        %eq3A_325 = arith.constant 3 : i32
        %eq3A_326 = vector.broadcast %eq3A_325 : i32 to vector<16xi32>
        %eq3A_327 = arith.cmpi eq, %iota3A, %eq3A_326 : vector<16xi32>
        %broadcast_in_dim3A_328 = vector.broadcast %reduce_sum3A_324 : f32 to vector<16xf32>
        %select_n3A_329 = arith.select %eq3A_327, %broadcast_in_dim3A_328, %select_n3A_319 : vector<16xi1>, vector<16xf32>
        %add3A_330 = arith.addf %mul3A_242, %mul3A_249 : vector<16xf32>
        %reduce_sum3A_331 = arith.constant true
        %reduce_sum3A_332 = vector.broadcast %reduce_sum3A_331 : i1 to vector<16xi1>
        %reduce_sum3A_333 = tpu.scan <sum>, %add3A_330 masked %reduce_sum3A_332 : vector<16xf32>, vector<16xi1> -> vector<16xf32>
        %reduce_sum3A_334 = vector.extract %reduce_sum3A_333[15] : f32 from vector<16xf32>
        %eq3A_335 = arith.constant 4 : i32
        %eq3A_336 = vector.broadcast %eq3A_335 : i32 to vector<16xi32>
        %eq3A_337 = arith.cmpi eq, %iota3A, %eq3A_336 : vector<16xi32>
        %broadcast_in_dim3A_338 = vector.broadcast %reduce_sum3A_334 : f32 to vector<16xf32>
        %select_n3A_339 = arith.select %eq3A_337, %broadcast_in_dim3A_338, %select_n3A_329 : vector<16xi1>, vector<16xf32>
        %add3A_340 = arith.addf %mul3A_256, %mul3A_263 : vector<16xf32>
        %reduce_sum3A_341 = arith.constant true
        %reduce_sum3A_342 = vector.broadcast %reduce_sum3A_341 : i1 to vector<16xi1>
        %reduce_sum3A_343 = tpu.scan <sum>, %add3A_340 masked %reduce_sum3A_342 : vector<16xf32>, vector<16xi1> -> vector<16xf32>
        %reduce_sum3A_344 = vector.extract %reduce_sum3A_343[15] : f32 from vector<16xf32>
        %eq3A_345 = arith.constant 5 : i32
        %eq3A_346 = vector.broadcast %eq3A_345 : i32 to vector<16xi32>
        %eq3A_347 = arith.cmpi eq, %iota3A, %eq3A_346 : vector<16xi32>
        %broadcast_in_dim3A_348 = vector.broadcast %reduce_sum3A_344 : f32 to vector<16xf32>
        %select_n3A_349 = arith.select %eq3A_347, %broadcast_in_dim3A_348, %select_n3A_339 : vector<16xi1>, vector<16xf32>
        %add3A_350 = arith.addf %mul3A_270, %mul3A_277 : vector<16xf32>
        %reduce_sum3A_351 = arith.constant true
        %reduce_sum3A_352 = vector.broadcast %reduce_sum3A_351 : i1 to vector<16xi1>
        %reduce_sum3A_353 = tpu.scan <sum>, %add3A_350 masked %reduce_sum3A_352 : vector<16xf32>, vector<16xi1> -> vector<16xf32>
        %reduce_sum3A_354 = vector.extract %reduce_sum3A_353[15] : f32 from vector<16xf32>
        %eq3A_355 = arith.constant 6 : i32
        %eq3A_356 = vector.broadcast %eq3A_355 : i32 to vector<16xi32>
        %eq3A_357 = arith.cmpi eq, %iota3A, %eq3A_356 : vector<16xi32>
        %broadcast_in_dim3A_358 = vector.broadcast %reduce_sum3A_354 : f32 to vector<16xf32>
        %select_n3A_359 = arith.select %eq3A_357, %broadcast_in_dim3A_358, %select_n3A_349 : vector<16xi1>, vector<16xf32>
        %add3A_360 = arith.addf %mul3A_284, %mul3A_291 : vector<16xf32>
        %reduce_sum3A_361 = arith.constant true
        %reduce_sum3A_362 = vector.broadcast %reduce_sum3A_361 : i1 to vector<16xi1>
        %reduce_sum3A_363 = tpu.scan <sum>, %add3A_360 masked %reduce_sum3A_362 : vector<16xf32>, vector<16xi1> -> vector<16xf32>
        %reduce_sum3A_364 = vector.extract %reduce_sum3A_363[15] : f32 from vector<16xf32>
        %eq3A_365 = arith.constant 7 : i32
        %eq3A_366 = vector.broadcast %eq3A_365 : i32 to vector<16xi32>
        %eq3A_367 = arith.cmpi eq, %iota3A, %eq3A_366 : vector<16xi32>
        %broadcast_in_dim3A_368 = vector.broadcast %reduce_sum3A_364 : f32 to vector<16xf32>
        %select_n3A_369 = arith.select %eq3A_367, %broadcast_in_dim3A_368, %select_n3A_359 : vector<16xi1>, vector<16xf32>
        %mul3A_370 = arith.constant 0.176776692 : f32
        %mul3A_371 = vector.broadcast %mul3A_370 : f32 to vector<16xf32>
        %mul3A_372 = arith.mulf %select_n3A_369, %mul3A_371 : vector<16xf32>
        %mul3A_373 = arith.constant 16 : i32
        %mul3A_374 = arith.muli %scan3A_169, %mul3A_373 : i32
        %swap3A = arith.index_cast %mul3A_374 : i32 to index
        %swap3A_375 = tpu.vector_load %arg16[%swap3A] {strides = array<i32>} : memref<1024xf32, #tpu.memory_space<vmem>>, vector<16xf32>,
        tpu.vector_store %arg16[%swap3A], %mul3A_372 {strides = array<i32>} : memref<1024xf32, #tpu.memory_space<vmem>>, vector<16xf32>,
        %ne3A_376 = arith.cmpi ne, %sub3A_179, %scan3A_170 : i32
        %and3A_377 = arith.andi %and3A_174, %ne3A_376 : i1
        %ge3A_378 = arith.constant 0 : i32
        %ge3A_379 = arith.cmpi sge, %scan3A_170, %ge3A_378 : i32
        %and3A_380 = arith.andi %and3A_377, %ge3A_379 : i1
        %convert_element_type3A_381 = arith.extui %and3A_380 : i1 to i32
        %cond3A_382 = arith.constant 0 : i32
        %cond3A_383 = arith.cmpi ne, %convert_element_type3A_381, %cond3A_382 : i32
        scf.if %cond3A_383 {
          %mul3A_387 = arith.constant 16 : i32
          %mul3A_388 = arith.muli %scan3A_170, %mul3A_387 : i32
          %swap3A_389 = arith.index_cast %mul3A_388 : i32 to index
          %swap3A_390 = tpu.vector_load %arg17[%swap3A_389] {strides = array<i32>} : memref<5120xf32, #tpu.memory_space<vmem>>, vector<16xf32>,
          tpu.vector_store %arg17[%swap3A_389], %scan3A_171 {strides = array<i32>} : memref<5120xf32, #tpu.memory_space<vmem>>, vector<16xf32>,
        } else {
        }
        %select_n3A_384 = arith.select %and3A_377, %broadcast_in_dim3A_62, %scan3A_171 : vector<16xf32>
        %max3A = arith.maximumf %select_n3A_384, %mul3A_372 : vector<16xf32>
        %select_n3A_385 = arith.select %and3A_174, %max3A, %select_n3A_384 : vector<16xf32>
        %select_n3A_386 = arith.select %and3A_174, %sub3A_179, %scan3A_170 : i32
        scf.yield %select_n3A_386, %select_n3A_385 : i32, vector<16xf32>
      }
      %scan3A_166 = arith.constant 64 : i32
      %mul3A_167 = arith.constant 16 : i32
      %mul3A_168 = arith.muli %add3A_150, %mul3A_167 : i32
      "tpu.region"() ({
        %run_scoped3A = tpu.sem_alloc : memref<!tpu.dma_semaphore, #tpu.memory_space<semaphore_mem>>
        %dma_start3A_169 = tpu.memref_slice %arg9[%mul3A_168] : memref<2562048xf32, #tpu.memory_space<hbm>> -> memref<1024xf32, #tpu.memory_space<hbm>>
        %dma_start3A_170 = tpu.memref_slice %arg9[%mul3A_168] : memref<2562048xf32, #tpu.memory_space<hbm>> -> memref<1024xf32, #tpu.memory_space<hbm>>
        tpu.enqueue_dma source(%arg16 : memref<1024xf32, #tpu.memory_space<vmem>>) target(%dma_start3A_170 : memref<1024xf32, #tpu.memory_space<hbm>>) target_semaphore(%run_scoped3A : memref<!tpu.dma_semaphore, #tpu.memory_space<semaphore_mem>>)
        %dma_wait3A_171 = tpu.memref_slice %arg9[%mul3A_168] : memref<2562048xf32, #tpu.memory_space<hbm>> -> memref<1024xf32, #tpu.memory_space<hbm>>
        %dma_wait3A_172 = tpu.memref_slice %arg9[%mul3A_168] : memref<2562048xf32, #tpu.memory_space<hbm>> -> memref<1024xf32, #tpu.memory_space<hbm>>
        tpu.wait_dma2 semaphore(%run_scoped3A : memref<!tpu.dma_semaphore, #tpu.memory_space<semaphore_mem>>) src(%arg16 : memref<1024xf32, #tpu.memory_space<vmem>>) dst(%dma_wait3A_172 : memref<1024xf32, #tpu.memory_space<hbm>>)
        tpu.yield
      }) : () -> ()
      scf.yield %scan3A_165#0, %scan3A_165#1 : i32, vector<16xf32>
    }
    %ge3A = arith.constant 0 : i32
    %ge3A_79 = arith.cmpi sge, %while3A_78#0, %ge3A : i32
    %convert_element_type3A = arith.extui %ge3A_79 : i1 to i32
    %cond3A = arith.constant 0 : i32
    %cond3A_80 = arith.cmpi ne, %convert_element_type3A, %cond3A : i32
    scf.if %cond3A_80 {
      %mul3A_145 = arith.constant 16 : i32
      %mul3A_146 = arith.muli %while3A_78#0, %mul3A_145 : i32
      %swap3A = arith.index_cast %mul3A_146 : i32 to index
      %swap3A_147 = tpu.vector_load %arg17[%swap3A] {strides = array<i32>} : memref<5120xf32, #tpu.memory_space<vmem>>, vector<16xf32>,
      tpu.vector_store %arg17[%swap3A], %while3A_78#1 {strides = array<i32>} : memref<5120xf32, #tpu.memory_space<vmem>>, vector<16xf32>,
    } else {
    }
    %while3A_81 = arith.constant 0 : i32
    %while3A_82 = arith.constant -1 : i32
    %while3A_83 = arith.subi %select_n3A_59, %while3A_81 : i32
    %while3A_84 = arith.addi %while3A_81, %while3A_83 : i32
    %while3A_85 = arith.constant 1 : i32
    %while3A_86 = arith.divsi %while3A_83, %while3A_85 : i32
    %while3A_87 = arith.muli %while3A_86, %while3A_85 : i32
    %while3A_88 = arith.addi %while3A_81, %while3A_87 : i32
    %while3A_89 = arith.constant 1 : i32
    %while3A_90:3 = scf.for %while3A_145 = %while3A_81 to %while3A_88 step %while3A_89 iter_args(%while3A_146 = %while3A_82, %while3A_147 = %broadcast_in_dim3A_60, %while3A_148 = %broadcast_in_dim3A_60) -> (i32, vector<16xf32>, vector<16xf32>)  : i32 {
      %mul3A_149 = arith.constant 64 : i32
      %mul3A_150 = arith.muli %while3A_145, %mul3A_149 : i32
      %add3A_151 = arith.addi %mul3A_30, %mul3A_150 : i32
      "tpu.region"() ({
        %run_scoped3A = tpu.sem_alloc : memref<!tpu.dma_semaphore, #tpu.memory_space<semaphore_mem>>
        %dma_start3A = tpu.memref_slice %arg5[%add3A_151] : memref<160128xi32, #tpu.memory_space<hbm>> -> memref<80xi32, #tpu.memory_space<hbm>>
        %dma_start3A_160 = tpu.memref_slice %arg5[%add3A_151] : memref<160128xi32, #tpu.memory_space<hbm>> -> memref<80xi32, #tpu.memory_space<hbm>>
        tpu.enqueue_dma source(%dma_start3A_160 : memref<80xi32, #tpu.memory_space<hbm>>) target(%arg11 : memref<80xi32, #tpu.memory_space<vmem>>) target_semaphore(%run_scoped3A : memref<!tpu.dma_semaphore, #tpu.memory_space<semaphore_mem>>)
        %dma_wait3A = tpu.memref_slice %arg5[%add3A_151] : memref<160128xi32, #tpu.memory_space<hbm>> -> memref<80xi32, #tpu.memory_space<hbm>>
        %dma_wait3A_161 = tpu.memref_slice %arg5[%add3A_151] : memref<160128xi32, #tpu.memory_space<hbm>> -> memref<80xi32, #tpu.memory_space<hbm>>
        tpu.wait_dma2 semaphore(%run_scoped3A : memref<!tpu.dma_semaphore, #tpu.memory_space<semaphore_mem>>) src(%dma_wait3A_161 : memref<80xi32, #tpu.memory_space<hbm>>) dst(%arg11 : memref<80xi32, #tpu.memory_space<vmem>>)
        tpu.yield
      }) : () -> ()
      %mul3A_152 = arith.constant 16 : i32
      %mul3A_153 = arith.muli %add3A_151, %mul3A_152 : i32
      "tpu.region"() ({
        %run_scoped3A = tpu.sem_alloc : memref<!tpu.dma_semaphore, #tpu.memory_space<semaphore_mem>>
        %dma_start3A = tpu.memref_slice %arg9[%mul3A_153] : memref<2562048xf32, #tpu.memory_space<hbm>> -> memref<1024xf32, #tpu.memory_space<hbm>>
        %dma_start3A_160 = tpu.memref_slice %arg9[%mul3A_153] : memref<2562048xf32, #tpu.memory_space<hbm>> -> memref<1024xf32, #tpu.memory_space<hbm>>
        tpu.enqueue_dma source(%dma_start3A_160 : memref<1024xf32, #tpu.memory_space<hbm>>) target(%arg16 : memref<1024xf32, #tpu.memory_space<vmem>>) target_semaphore(%run_scoped3A : memref<!tpu.dma_semaphore, #tpu.memory_space<semaphore_mem>>)
        %dma_wait3A = tpu.memref_slice %arg9[%mul3A_153] : memref<2562048xf32, #tpu.memory_space<hbm>> -> memref<1024xf32, #tpu.memory_space<hbm>>
        %dma_wait3A_161 = tpu.memref_slice %arg9[%mul3A_153] : memref<2562048xf32, #tpu.memory_space<hbm>> -> memref<1024xf32, #tpu.memory_space<hbm>>
        tpu.wait_dma2 semaphore(%run_scoped3A : memref<!tpu.dma_semaphore, #tpu.memory_space<semaphore_mem>>) src(%dma_wait3A_161 : memref<1024xf32, #tpu.memory_space<hbm>>) dst(%arg16 : memref<1024xf32, #tpu.memory_space<vmem>>)
        tpu.yield
      }) : () -> ()
      %scan3A_154 = arith.constant 0 : i32
      %scan3A_155 = arith.constant 64 : i32
      %scan3A_156 = arith.addi %scan3A_154, %scan3A_155 : i32
      %scan3A_157 = arith.constant 1 : i32
      %scan3A_158:3 = scf.for %scan3A_160 = %scan3A_154 to %scan3A_156 step %scan3A_157 iter_args(%scan3A_161 = %while3A_146, %scan3A_162 = %while3A_147, %scan3A_163 = %while3A_148) -> (i32, vector<16xf32>, vector<16xf32>)  : i32 {
        %add3A_164 = arith.addi %add3A_151, %scan3A_160 : i32
        %ge3A_165 = arith.cmpi sge, %add3A_164, %squeeze3A : i32
        %lt3A = arith.cmpi slt, %add3A_164, %squeeze3A_7 : i32
        %and3A_166 = arith.andi %ge3A_165, %lt3A : i1
        %get3A_167 = arith.index_cast %scan3A_160 : i32 to index
        %get3A_168 = tpu.vector_load %arg11[%get3A_167] {strides = array<i32>} : memref<80xi32, #tpu.memory_space<vmem>>, vector<16xi32>,
        %slice3A_169 = vector.extract_strided_slice %get3A_168 {offsets = [0], sizes = [1], strides = [1]} : vector<16xi32> to vector<1xi32>
        %squeeze3A_170 = vector.extract %slice3A_169[0] : i32 from vector<1xi32>
        %sub3A_171 = arith.subi %squeeze3A_170, %mul3A_9 : i32
        %jit3A_172 = arith.constant 0 : i32
        %jit3A_173 = arith.constant 319 : i32
        %max3A = arith.maxsi %jit3A_172, %sub3A_171 : i32
        %min3A_174 = arith.minsi %jit3A_173, %max3A : i32
        %mul3A_175 = arith.constant 16 : i32
        %mul3A_176 = arith.muli %scan3A_160, %mul3A_175 : i32
        %get3A_177 = arith.index_cast %mul3A_176 : i32 to index
        %get3A_178 = tpu.vector_load %arg16[%get3A_177] {strides = array<i32>} : memref<1024xf32, #tpu.memory_space<vmem>>, vector<16xf32>,
        %ne3A_179 = arith.cmpi ne, %sub3A_171, %scan3A_161 : i32
        %and3A_180 = arith.andi %and3A_166, %ne3A_179 : i1
        %ge3A_181 = arith.constant 0 : i32
        %ge3A_182 = arith.cmpi sge, %scan3A_161, %ge3A_181 : i32
        %and3A_183 = arith.andi %and3A_180, %ge3A_182 : i1
        %convert_element_type3A_184 = arith.extui %and3A_183 : i1 to i32
        %cond3A_185 = arith.constant 0 : i32
        %cond3A_186 = arith.cmpi ne, %convert_element_type3A_184, %cond3A_185 : i32
        scf.if %cond3A_186 {
          %mul3A_197 = arith.constant 16 : i32
          %mul3A_198 = arith.muli %scan3A_161, %mul3A_197 : i32
          %swap3A = arith.index_cast %mul3A_198 : i32 to index
          %swap3A_199 = tpu.vector_load %arg18[%swap3A] {strides = array<i32>} : memref<5120xf32, #tpu.memory_space<vmem>>, vector<16xf32>,
          tpu.vector_store %arg18[%swap3A], %scan3A_162 {strides = array<i32>} : memref<5120xf32, #tpu.memory_space<vmem>>, vector<16xf32>,
        } else {
        }
        %mul3A_187 = arith.constant 16 : i32
        %mul3A_188 = arith.muli %min3A_174, %mul3A_187 : i32
        %get3A_189 = arith.index_cast %mul3A_188 : i32 to index
        %get3A_190 = tpu.vector_load %arg17[%get3A_189] {strides = array<i32>} : memref<5120xf32, #tpu.memory_space<vmem>>, vector<16xf32>,
        %select_n3A_191 = arith.select %and3A_180, %get3A_190, %scan3A_163 : vector<16xf32>
        %select_n3A_192 = arith.select %and3A_180, %broadcast_in_dim3A_60, %scan3A_162 : vector<16xf32>
        %sub3A_193 = arith.subf %get3A_178, %select_n3A_191 : vector<16xf32>
        %exp3A = math.exp %sub3A_193 : vector<16xf32>
        %add3A_194 = arith.addf %select_n3A_192, %exp3A : vector<16xf32>
        %select_n3A_195 = arith.select %and3A_166, %add3A_194, %select_n3A_192 : vector<16xf32>
        %select_n3A_196 = arith.select %and3A_166, %sub3A_171, %scan3A_161 : i32
        scf.yield %select_n3A_196, %select_n3A_195, %select_n3A_191 : i32, vector<16xf32>, vector<16xf32>
      }
      %scan3A_159 = arith.constant 64 : i32
      scf.yield %scan3A_158#0, %scan3A_158#1, %scan3A_158#2 : i32, vector<16xf32>, vector<16xf32>
    }
    %while3A_91 = arith.constant 1 : i32
    %while3A_92:3 = scf.for %while3A_145 = %while3A_88 to %while3A_84 step %while3A_91 iter_args(%while3A_146 = %while3A_90#0, %while3A_147 = %while3A_90#1, %while3A_148 = %while3A_90#2) -> (i32, vector<16xf32>, vector<16xf32>)  : i32 {
      %mul3A_149 = arith.constant 64 : i32
      %mul3A_150 = arith.muli %while3A_145, %mul3A_149 : i32
      %add3A_151 = arith.addi %mul3A_30, %mul3A_150 : i32
      "tpu.region"() ({
        %run_scoped3A = tpu.sem_alloc : memref<!tpu.dma_semaphore, #tpu.memory_space<semaphore_mem>>
        %dma_start3A = tpu.memref_slice %arg5[%add3A_151] : memref<160128xi32, #tpu.memory_space<hbm>> -> memref<80xi32, #tpu.memory_space<hbm>>
        %dma_start3A_160 = tpu.memref_slice %arg5[%add3A_151] : memref<160128xi32, #tpu.memory_space<hbm>> -> memref<80xi32, #tpu.memory_space<hbm>>
        tpu.enqueue_dma source(%dma_start3A_160 : memref<80xi32, #tpu.memory_space<hbm>>) target(%arg11 : memref<80xi32, #tpu.memory_space<vmem>>) target_semaphore(%run_scoped3A : memref<!tpu.dma_semaphore, #tpu.memory_space<semaphore_mem>>)
        %dma_wait3A = tpu.memref_slice %arg5[%add3A_151] : memref<160128xi32, #tpu.memory_space<hbm>> -> memref<80xi32, #tpu.memory_space<hbm>>
        %dma_wait3A_161 = tpu.memref_slice %arg5[%add3A_151] : memref<160128xi32, #tpu.memory_space<hbm>> -> memref<80xi32, #tpu.memory_space<hbm>>
        tpu.wait_dma2 semaphore(%run_scoped3A : memref<!tpu.dma_semaphore, #tpu.memory_space<semaphore_mem>>) src(%dma_wait3A_161 : memref<80xi32, #tpu.memory_space<hbm>>) dst(%arg11 : memref<80xi32, #tpu.memory_space<vmem>>)
        tpu.yield
      }) : () -> ()
      %mul3A_152 = arith.constant 16 : i32
      %mul3A_153 = arith.muli %add3A_151, %mul3A_152 : i32
      "tpu.region"() ({
        %run_scoped3A = tpu.sem_alloc : memref<!tpu.dma_semaphore, #tpu.memory_space<semaphore_mem>>
        %dma_start3A = tpu.memref_slice %arg9[%mul3A_153] : memref<2562048xf32, #tpu.memory_space<hbm>> -> memref<1024xf32, #tpu.memory_space<hbm>>
        %dma_start3A_160 = tpu.memref_slice %arg9[%mul3A_153] : memref<2562048xf32, #tpu.memory_space<hbm>> -> memref<1024xf32, #tpu.memory_space<hbm>>
        tpu.enqueue_dma source(%dma_start3A_160 : memref<1024xf32, #tpu.memory_space<hbm>>) target(%arg16 : memref<1024xf32, #tpu.memory_space<vmem>>) target_semaphore(%run_scoped3A : memref<!tpu.dma_semaphore, #tpu.memory_space<semaphore_mem>>)
        %dma_wait3A = tpu.memref_slice %arg9[%mul3A_153] : memref<2562048xf32, #tpu.memory_space<hbm>> -> memref<1024xf32, #tpu.memory_space<hbm>>
        %dma_wait3A_161 = tpu.memref_slice %arg9[%mul3A_153] : memref<2562048xf32, #tpu.memory_space<hbm>> -> memref<1024xf32, #tpu.memory_space<hbm>>
        tpu.wait_dma2 semaphore(%run_scoped3A : memref<!tpu.dma_semaphore, #tpu.memory_space<semaphore_mem>>) src(%dma_wait3A_161 : memref<1024xf32, #tpu.memory_space<hbm>>) dst(%arg16 : memref<1024xf32, #tpu.memory_space<vmem>>)
        tpu.yield
      }) : () -> ()
      %scan3A_154 = arith.constant 0 : i32
      %scan3A_155 = arith.constant 64 : i32
      %scan3A_156 = arith.addi %scan3A_154, %scan3A_155 : i32
      %scan3A_157 = arith.constant 1 : i32
      %scan3A_158:3 = scf.for %scan3A_160 = %scan3A_154 to %scan3A_156 step %scan3A_157 iter_args(%scan3A_161 = %while3A_146, %scan3A_162 = %while3A_147, %scan3A_163 = %while3A_148) -> (i32, vector<16xf32>, vector<16xf32>)  : i32 {
        %add3A_164 = arith.addi %add3A_151, %scan3A_160 : i32
        %ge3A_165 = arith.cmpi sge, %add3A_164, %squeeze3A : i32
        %lt3A = arith.cmpi slt, %add3A_164, %squeeze3A_7 : i32
        %and3A_166 = arith.andi %ge3A_165, %lt3A : i1
        %get3A_167 = arith.index_cast %scan3A_160 : i32 to index
        %get3A_168 = tpu.vector_load %arg11[%get3A_167] {strides = array<i32>} : memref<80xi32, #tpu.memory_space<vmem>>, vector<16xi32>,
        %slice3A_169 = vector.extract_strided_slice %get3A_168 {offsets = [0], sizes = [1], strides = [1]} : vector<16xi32> to vector<1xi32>
        %squeeze3A_170 = vector.extract %slice3A_169[0] : i32 from vector<1xi32>
        %sub3A_171 = arith.subi %squeeze3A_170, %mul3A_9 : i32
        %jit3A_172 = arith.constant 0 : i32
        %jit3A_173 = arith.constant 319 : i32
        %max3A = arith.maxsi %jit3A_172, %sub3A_171 : i32
        %min3A_174 = arith.minsi %jit3A_173, %max3A : i32
        %mul3A_175 = arith.constant 16 : i32
        %mul3A_176 = arith.muli %scan3A_160, %mul3A_175 : i32
        %get3A_177 = arith.index_cast %mul3A_176 : i32 to index
        %get3A_178 = tpu.vector_load %arg16[%get3A_177] {strides = array<i32>} : memref<1024xf32, #tpu.memory_space<vmem>>, vector<16xf32>,
        %ne3A_179 = arith.cmpi ne, %sub3A_171, %scan3A_161 : i32
        %and3A_180 = arith.andi %and3A_166, %ne3A_179 : i1
        %ge3A_181 = arith.constant 0 : i32
        %ge3A_182 = arith.cmpi sge, %scan3A_161, %ge3A_181 : i32
        %and3A_183 = arith.andi %and3A_180, %ge3A_182 : i1
        %convert_element_type3A_184 = arith.extui %and3A_183 : i1 to i32
        %cond3A_185 = arith.constant 0 : i32
        %cond3A_186 = arith.cmpi ne, %convert_element_type3A_184, %cond3A_185 : i32
        scf.if %cond3A_186 {
          %mul3A_197 = arith.constant 16 : i32
          %mul3A_198 = arith.muli %scan3A_161, %mul3A_197 : i32
          %swap3A = arith.index_cast %mul3A_198 : i32 to index
          %swap3A_199 = tpu.vector_load %arg18[%swap3A] {strides = array<i32>} : memref<5120xf32, #tpu.memory_space<vmem>>, vector<16xf32>,
          tpu.vector_store %arg18[%swap3A], %scan3A_162 {strides = array<i32>} : memref<5120xf32, #tpu.memory_space<vmem>>, vector<16xf32>,
        } else {
        }
        %mul3A_187 = arith.constant 16 : i32
        %mul3A_188 = arith.muli %min3A_174, %mul3A_187 : i32
        %get3A_189 = arith.index_cast %mul3A_188 : i32 to index
        %get3A_190 = tpu.vector_load %arg17[%get3A_189] {strides = array<i32>} : memref<5120xf32, #tpu.memory_space<vmem>>, vector<16xf32>,
        %select_n3A_191 = arith.select %and3A_180, %get3A_190, %scan3A_163 : vector<16xf32>
        %select_n3A_192 = arith.select %and3A_180, %broadcast_in_dim3A_60, %scan3A_162 : vector<16xf32>
        %sub3A_193 = arith.subf %get3A_178, %select_n3A_191 : vector<16xf32>
        %exp3A = math.exp %sub3A_193 : vector<16xf32>
        %add3A_194 = arith.addf %select_n3A_192, %exp3A : vector<16xf32>
        %select_n3A_195 = arith.select %and3A_166, %add3A_194, %select_n3A_192 : vector<16xf32>
        %select_n3A_196 = arith.select %and3A_166, %sub3A_171, %scan3A_161 : i32
        scf.yield %select_n3A_196, %select_n3A_195, %select_n3A_191 : i32, vector<16xf32>, vector<16xf32>
      }
      %scan3A_159 = arith.constant 64 : i32
      scf.yield %scan3A_158#0, %scan3A_158#1, %scan3A_158#2 : i32, vector<16xf32>, vector<16xf32>
    }
    %ge3A_93 = arith.constant 0 : i32
    %ge3A_94 = arith.cmpi sge, %while3A_92#0, %ge3A_93 : i32
    %convert_element_type3A_95 = arith.extui %ge3A_94 : i1 to i32
    %cond3A_96 = arith.constant 0 : i32
    %cond3A_97 = arith.cmpi ne, %convert_element_type3A_95, %cond3A_96 : i32
    scf.if %cond3A_97 {
      %mul3A_145 = arith.constant 16 : i32
      %mul3A_146 = arith.muli %while3A_92#0, %mul3A_145 : i32
      %swap3A = arith.index_cast %mul3A_146 : i32 to index
      %swap3A_147 = tpu.vector_load %arg18[%swap3A] {strides = array<i32>} : memref<5120xf32, #tpu.memory_space<vmem>>, vector<16xf32>,
      tpu.vector_store %arg18[%swap3A], %while3A_92#1 {strides = array<i32>} : memref<5120xf32, #tpu.memory_space<vmem>>, vector<16xf32>,
    } else {
    }
    %while3A_98 = arith.constant 0 : i32
    %while3A_99 = arith.constant -1 : i32
    %while3A_100 = arith.subi %select_n3A_59, %while3A_98 : i32
    %while3A_101 = arith.addi %while3A_98, %while3A_100 : i32
    %while3A_102 = arith.constant 1 : i32
    %while3A_103 = arith.divsi %while3A_100, %while3A_102 : i32
    %while3A_104 = arith.muli %while3A_103, %while3A_102 : i32
    %while3A_105 = arith.addi %while3A_98, %while3A_104 : i32
    %while3A_106 = arith.constant 1 : i32
    %while3A_107:19 = scf.for %while3A_145 = %while3A_98 to %while3A_105 step %while3A_106 iter_args(%while3A_146 = %while3A_99, %while3A_147 = %broadcast_in_dim3A_60, %while3A_148 = %broadcast_in_dim3A_60, %while3A_149 = %broadcast_in_dim3A_60, %while3A_150 = %broadcast_in_dim3A_60, %while3A_151 = %broadcast_in_dim3A_60, %while3A_152 = %broadcast_in_dim3A_60, %while3A_153 = %broadcast_in_dim3A_60, %while3A_154 = %broadcast_in_dim3A_60, %while3A_155 = %broadcast_in_dim3A_60, %while3A_156 = %broadcast_in_dim3A_60, %while3A_157 = %broadcast_in_dim3A_60, %while3A_158 = %broadcast_in_dim3A_60, %while3A_159 = %broadcast_in_dim3A_60, %while3A_160 = %broadcast_in_dim3A_60, %while3A_161 = %broadcast_in_dim3A_60, %while3A_162 = %broadcast_in_dim3A_60, %while3A_163 = %broadcast_in_dim3A_60, %while3A_164 = %broadcast_in_dim3A_60) -> (i32, vector<16xf32>, vector<16xf32>, vector<16xf32>, vector<16xf32>, vector<16xf32>, vector<16xf32>, vector<16xf32>, vector<16xf32>, vector<16xf32>, vector<16xf32>, vector<16xf32>, vector<16xf32>, vector<16xf32>, vector<16xf32>, vector<16xf32>, vector<16xf32>, vector<16xf32>, vector<16xf32>)  : i32 {
      %mul3A_165 = arith.constant 64 : i32
      %mul3A_166 = arith.muli %while3A_145, %mul3A_165 : i32
      %add3A_167 = arith.addi %mul3A_30, %mul3A_166 : i32
      "tpu.region"() ({
        %run_scoped3A = tpu.sem_alloc : memref<!tpu.dma_semaphore, #tpu.memory_space<semaphore_mem>>
        %dma_start3A_180 = tpu.memref_slice %arg5[%add3A_167] : memref<160128xi32, #tpu.memory_space<hbm>> -> memref<80xi32, #tpu.memory_space<hbm>>
        %dma_start3A_181 = tpu.memref_slice %arg5[%add3A_167] : memref<160128xi32, #tpu.memory_space<hbm>> -> memref<80xi32, #tpu.memory_space<hbm>>
        tpu.enqueue_dma source(%dma_start3A_181 : memref<80xi32, #tpu.memory_space<hbm>>) target(%arg11 : memref<80xi32, #tpu.memory_space<vmem>>) target_semaphore(%run_scoped3A : memref<!tpu.dma_semaphore, #tpu.memory_space<semaphore_mem>>)
        %dma_wait3A_182 = tpu.memref_slice %arg5[%add3A_167] : memref<160128xi32, #tpu.memory_space<hbm>> -> memref<80xi32, #tpu.memory_space<hbm>>
        %dma_wait3A_183 = tpu.memref_slice %arg5[%add3A_167] : memref<160128xi32, #tpu.memory_space<hbm>> -> memref<80xi32, #tpu.memory_space<hbm>>
        tpu.wait_dma2 semaphore(%run_scoped3A : memref<!tpu.dma_semaphore, #tpu.memory_space<semaphore_mem>>) src(%dma_wait3A_183 : memref<80xi32, #tpu.memory_space<hbm>>) dst(%arg11 : memref<80xi32, #tpu.memory_space<vmem>>)
        tpu.yield
      }) : () -> ()
      "tpu.region"() ({
        %run_scoped3A = tpu.sem_alloc : memref<!tpu.dma_semaphore, #tpu.memory_space<semaphore_mem>>
        %dma_start3A_180 = tpu.memref_slice %arg6[%add3A_167] : memref<160128xi32, #tpu.memory_space<hbm>> -> memref<64xi32, #tpu.memory_space<hbm>>
        %dma_start3A_181 = tpu.memref_slice %arg6[%add3A_167] : memref<160128xi32, #tpu.memory_space<hbm>> -> memref<64xi32, #tpu.memory_space<hbm>>
        tpu.enqueue_dma source(%dma_start3A_181 : memref<64xi32, #tpu.memory_space<hbm>>) target(%arg13 : memref<64xi32, #tpu.memory_space<vmem>>) target_semaphore(%run_scoped3A : memref<!tpu.dma_semaphore, #tpu.memory_space<semaphore_mem>>)
        %dma_wait3A_182 = tpu.memref_slice %arg6[%add3A_167] : memref<160128xi32, #tpu.memory_space<hbm>> -> memref<64xi32, #tpu.memory_space<hbm>>
        %dma_wait3A_183 = tpu.memref_slice %arg6[%add3A_167] : memref<160128xi32, #tpu.memory_space<hbm>> -> memref<64xi32, #tpu.memory_space<hbm>>
        tpu.wait_dma2 semaphore(%run_scoped3A : memref<!tpu.dma_semaphore, #tpu.memory_space<semaphore_mem>>) src(%dma_wait3A_183 : memref<64xi32, #tpu.memory_space<hbm>>) dst(%arg13 : memref<64xi32, #tpu.memory_space<vmem>>)
        tpu.yield
      }) : () -> ()
      %mul3A_168 = arith.constant 16 : i32
      %mul3A_169 = arith.muli %add3A_167, %mul3A_168 : i32
      "tpu.region"() ({
        %run_scoped3A = tpu.sem_alloc : memref<!tpu.dma_semaphore, #tpu.memory_space<semaphore_mem>>
        %dma_start3A_180 = tpu.memref_slice %arg9[%mul3A_169] : memref<2562048xf32, #tpu.memory_space<hbm>> -> memref<1024xf32, #tpu.memory_space<hbm>>
        %dma_start3A_181 = tpu.memref_slice %arg9[%mul3A_169] : memref<2562048xf32, #tpu.memory_space<hbm>> -> memref<1024xf32, #tpu.memory_space<hbm>>
        tpu.enqueue_dma source(%dma_start3A_181 : memref<1024xf32, #tpu.memory_space<hbm>>) target(%arg16 : memref<1024xf32, #tpu.memory_space<vmem>>) target_semaphore(%run_scoped3A : memref<!tpu.dma_semaphore, #tpu.memory_space<semaphore_mem>>)
        %dma_wait3A_182 = tpu.memref_slice %arg9[%mul3A_169] : memref<2562048xf32, #tpu.memory_space<hbm>> -> memref<1024xf32, #tpu.memory_space<hbm>>
        %dma_wait3A_183 = tpu.memref_slice %arg9[%mul3A_169] : memref<2562048xf32, #tpu.memory_space<hbm>> -> memref<1024xf32, #tpu.memory_space<hbm>>
        tpu.wait_dma2 semaphore(%run_scoped3A : memref<!tpu.dma_semaphore, #tpu.memory_space<semaphore_mem>>) src(%dma_wait3A_183 : memref<1024xf32, #tpu.memory_space<hbm>>) dst(%arg16 : memref<1024xf32, #tpu.memory_space<vmem>>)
        tpu.yield
      }) : () -> ()
      %dma_start3A = arith.constant 0 : i32
      %dma_start3A_170 = arith.constant 0 : i32
      %dma_start3A_171 = tpu.memref_slice %arg4[%dma_start3A, %dma_start3A_170] : memref<10000x256xf32, #tpu.memory_space<hbm>> -> memref<10000x256xf32, #tpu.memory_space<hbm>>
      tpu.enqueue_indirect_dma source(%dma_start3A_171 : memref<10000x256xf32, #tpu.memory_space<hbm>>) target(%arg15 : memref<64x256xf32, #tpu.memory_space<vmem>>) offsets(%arg13 : memref<64xi32, #tpu.memory_space<vmem>>) semaphore(%arg21 : memref<!tpu.dma_semaphore, #tpu.memory_space<semaphore_mem>>)
      %dma_wait3A = arith.constant 0 : i32
      %dma_wait3A_172 = arith.constant 0 : i32
      %dma_wait3A_173 = tpu.memref_slice %arg4[%dma_wait3A, %dma_wait3A_172] : memref<10000x256xf32, #tpu.memory_space<hbm>> -> memref<10000x256xf32, #tpu.memory_space<hbm>>
      tpu.wait_indirect_dma semaphore(%arg21 : memref<!tpu.dma_semaphore, #tpu.memory_space<semaphore_mem>>) src(%dma_wait3A_173 : memref<10000x256xf32, #tpu.memory_space<hbm>>) dst(%arg15 : memref<64x256xf32, #tpu.memory_space<vmem>>)
      %scan3A_174 = arith.constant 0 : i32
      %scan3A_175 = arith.constant 64 : i32
      %scan3A_176 = arith.addi %scan3A_174, %scan3A_175 : i32
      %scan3A_177 = arith.constant 1 : i32
      %scan3A_178:19 = scf.for %scan3A_180 = %scan3A_174 to %scan3A_176 step %scan3A_177 iter_args(%scan3A_181 = %while3A_146, %scan3A_182 = %while3A_147, %scan3A_183 = %while3A_148, %scan3A_184 = %while3A_149, %scan3A_185 = %while3A_150, %scan3A_186 = %while3A_151, %scan3A_187 = %while3A_152, %scan3A_188 = %while3A_153, %scan3A_189 = %while3A_154, %scan3A_190 = %while3A_155, %scan3A_191 = %while3A_156, %scan3A_192 = %while3A_157, %scan3A_193 = %while3A_158, %scan3A_194 = %while3A_159, %scan3A_195 = %while3A_160, %scan3A_196 = %while3A_161, %scan3A_197 = %while3A_162, %scan3A_198 = %while3A_163, %scan3A_199 = %while3A_164) -> (i32, vector<16xf32>, vector<16xf32>, vector<16xf32>, vector<16xf32>, vector<16xf32>, vector<16xf32>, vector<16xf32>, vector<16xf32>, vector<16xf32>, vector<16xf32>, vector<16xf32>, vector<16xf32>, vector<16xf32>, vector<16xf32>, vector<16xf32>, vector<16xf32>, vector<16xf32>, vector<16xf32>)  : i32 {
        %add3A_200 = arith.addi %add3A_167, %scan3A_180 : i32
        %ge3A_201 = arith.cmpi sge, %add3A_200, %squeeze3A : i32
        %lt3A = arith.cmpi slt, %add3A_200, %squeeze3A_7 : i32
        %and3A_202 = arith.andi %ge3A_201, %lt3A : i1
        %get3A_203 = arith.index_cast %scan3A_180 : i32 to index
        %get3A_204 = tpu.vector_load %arg11[%get3A_203] {strides = array<i32>} : memref<80xi32, #tpu.memory_space<vmem>>, vector<16xi32>,
        %slice3A_205 = vector.extract_strided_slice %get3A_204 {offsets = [0], sizes = [1], strides = [1]} : vector<16xi32> to vector<1xi32>
        %squeeze3A_206 = vector.extract %slice3A_205[0] : i32 from vector<1xi32>
        %sub3A_207 = arith.subi %squeeze3A_206, %mul3A_9 : i32
        %jit3A_208 = arith.constant 0 : i32
        %jit3A_209 = arith.constant 319 : i32
        %max3A = arith.maxsi %jit3A_208, %sub3A_207 : i32
        %min3A_210 = arith.minsi %jit3A_209, %max3A : i32
        %mul3A_211 = arith.constant 16 : i32
        %mul3A_212 = arith.muli %scan3A_180, %mul3A_211 : i32
        %get3A_213 = arith.index_cast %mul3A_212 : i32 to index
        %get3A_214 = tpu.vector_load %arg16[%get3A_213] {strides = array<i32>} : memref<1024xf32, #tpu.memory_space<vmem>>, vector<16xf32>,
        %ne3A_215 = arith.cmpi ne, %sub3A_207, %scan3A_181 : i32
        %and3A_216 = arith.andi %and3A_202, %ne3A_215 : i1
        %ge3A_217 = arith.constant 0 : i32
        %ge3A_218 = arith.cmpi sge, %scan3A_181, %ge3A_217 : i32
        %and3A_219 = arith.andi %and3A_216, %ge3A_218 : i1
        %convert_element_type3A_220 = arith.extui %and3A_219 : i1 to i32
        %cond3A_221 = arith.constant 0 : i32
        %cond3A_222 = arith.cmpi ne, %convert_element_type3A_220, %cond3A_221 : i32
        scf.if %cond3A_222 {
          %swap3A = arith.index_cast %scan3A_181 : i32 to index
          %swap3A_437 = arith.constant 0 : index
          %swap3A_438 = tpu.vector_load %arg19[%swap3A, %swap3A_437] {strides = array<i32>} : memref<320x256xf32, #tpu.memory_space<vmem>>, vector<16xf32>,
          tpu.vector_store %arg19[%swap3A, %swap3A_437], %scan3A_184 {strides = array<i32>} : memref<320x256xf32, #tpu.memory_space<vmem>>, vector<16xf32>,
          %swap3A_439 = arith.index_cast %scan3A_181 : i32 to index
          %swap3A_440 = arith.constant 16 : index
          %swap3A_441 = tpu.vector_load %arg19[%swap3A_439, %swap3A_440] {strides = array<i32>} : memref<320x256xf32, #tpu.memory_space<vmem>>, vector<16xf32>,
          tpu.vector_store %arg19[%swap3A_439, %swap3A_440], %scan3A_185 {strides = array<i32>} : memref<320x256xf32, #tpu.memory_space<vmem>>, vector<16xf32>,
          %swap3A_442 = arith.index_cast %scan3A_181 : i32 to index
          %swap3A_443 = arith.constant 32 : index
          %swap3A_444 = tpu.vector_load %arg19[%swap3A_442, %swap3A_443] {strides = array<i32>} : memref<320x256xf32, #tpu.memory_space<vmem>>, vector<16xf32>,
          tpu.vector_store %arg19[%swap3A_442, %swap3A_443], %scan3A_186 {strides = array<i32>} : memref<320x256xf32, #tpu.memory_space<vmem>>, vector<16xf32>,
          %swap3A_445 = arith.index_cast %scan3A_181 : i32 to index
          %swap3A_446 = arith.constant 48 : index
          %swap3A_447 = tpu.vector_load %arg19[%swap3A_445, %swap3A_446] {strides = array<i32>} : memref<320x256xf32, #tpu.memory_space<vmem>>, vector<16xf32>,
          tpu.vector_store %arg19[%swap3A_445, %swap3A_446], %scan3A_187 {strides = array<i32>} : memref<320x256xf32, #tpu.memory_space<vmem>>, vector<16xf32>,
          %swap3A_448 = arith.index_cast %scan3A_181 : i32 to index
          %swap3A_449 = arith.constant 64 : index
          %swap3A_450 = tpu.vector_load %arg19[%swap3A_448, %swap3A_449] {strides = array<i32>} : memref<320x256xf32, #tpu.memory_space<vmem>>, vector<16xf32>,
          tpu.vector_store %arg19[%swap3A_448, %swap3A_449], %scan3A_188 {strides = array<i32>} : memref<320x256xf32, #tpu.memory_space<vmem>>, vector<16xf32>,
          %swap3A_451 = arith.index_cast %scan3A_181 : i32 to index
          %swap3A_452 = arith.constant 80 : index
          %swap3A_453 = tpu.vector_load %arg19[%swap3A_451, %swap3A_452] {strides = array<i32>} : memref<320x256xf32, #tpu.memory_space<vmem>>, vector<16xf32>,
          tpu.vector_store %arg19[%swap3A_451, %swap3A_452], %scan3A_189 {strides = array<i32>} : memref<320x256xf32, #tpu.memory_space<vmem>>, vector<16xf32>,
          %swap3A_454 = arith.index_cast %scan3A_181 : i32 to index
          %swap3A_455 = arith.constant 96 : index
          %swap3A_456 = tpu.vector_load %arg19[%swap3A_454, %swap3A_455] {strides = array<i32>} : memref<320x256xf32, #tpu.memory_space<vmem>>, vector<16xf32>,
          tpu.vector_store %arg19[%swap3A_454, %swap3A_455], %scan3A_190 {strides = array<i32>} : memref<320x256xf32, #tpu.memory_space<vmem>>, vector<16xf32>,
          %swap3A_457 = arith.index_cast %scan3A_181 : i32 to index
          %swap3A_458 = arith.constant 112 : index
          %swap3A_459 = tpu.vector_load %arg19[%swap3A_457, %swap3A_458] {strides = array<i32>} : memref<320x256xf32, #tpu.memory_space<vmem>>, vector<16xf32>,
          tpu.vector_store %arg19[%swap3A_457, %swap3A_458], %scan3A_191 {strides = array<i32>} : memref<320x256xf32, #tpu.memory_space<vmem>>, vector<16xf32>,
          %swap3A_460 = arith.index_cast %scan3A_181 : i32 to index
          %swap3A_461 = arith.constant 128 : index
          %swap3A_462 = tpu.vector_load %arg19[%swap3A_460, %swap3A_461] {strides = array<i32>} : memref<320x256xf32, #tpu.memory_space<vmem>>, vector<16xf32>,
          tpu.vector_store %arg19[%swap3A_460, %swap3A_461], %scan3A_192 {strides = array<i32>} : memref<320x256xf32, #tpu.memory_space<vmem>>, vector<16xf32>,
          %swap3A_463 = arith.index_cast %scan3A_181 : i32 to index
          %swap3A_464 = arith.constant 144 : index
          %swap3A_465 = tpu.vector_load %arg19[%swap3A_463, %swap3A_464] {strides = array<i32>} : memref<320x256xf32, #tpu.memory_space<vmem>>, vector<16xf32>,
          tpu.vector_store %arg19[%swap3A_463, %swap3A_464], %scan3A_193 {strides = array<i32>} : memref<320x256xf32, #tpu.memory_space<vmem>>, vector<16xf32>,
          %swap3A_466 = arith.index_cast %scan3A_181 : i32 to index
          %swap3A_467 = arith.constant 160 : index
          %swap3A_468 = tpu.vector_load %arg19[%swap3A_466, %swap3A_467] {strides = array<i32>} : memref<320x256xf32, #tpu.memory_space<vmem>>, vector<16xf32>,
          tpu.vector_store %arg19[%swap3A_466, %swap3A_467], %scan3A_194 {strides = array<i32>} : memref<320x256xf32, #tpu.memory_space<vmem>>, vector<16xf32>,
          %swap3A_469 = arith.index_cast %scan3A_181 : i32 to index
          %swap3A_470 = arith.constant 176 : index
          %swap3A_471 = tpu.vector_load %arg19[%swap3A_469, %swap3A_470] {strides = array<i32>} : memref<320x256xf32, #tpu.memory_space<vmem>>, vector<16xf32>,
          tpu.vector_store %arg19[%swap3A_469, %swap3A_470], %scan3A_195 {strides = array<i32>} : memref<320x256xf32, #tpu.memory_space<vmem>>, vector<16xf32>,
          %swap3A_472 = arith.index_cast %scan3A_181 : i32 to index
          %swap3A_473 = arith.constant 192 : index
          %swap3A_474 = tpu.vector_load %arg19[%swap3A_472, %swap3A_473] {strides = array<i32>} : memref<320x256xf32, #tpu.memory_space<vmem>>, vector<16xf32>,
          tpu.vector_store %arg19[%swap3A_472, %swap3A_473], %scan3A_196 {strides = array<i32>} : memref<320x256xf32, #tpu.memory_space<vmem>>, vector<16xf32>,
          %swap3A_475 = arith.index_cast %scan3A_181 : i32 to index
          %swap3A_476 = arith.constant 208 : index
          %swap3A_477 = tpu.vector_load %arg19[%swap3A_475, %swap3A_476] {strides = array<i32>} : memref<320x256xf32, #tpu.memory_space<vmem>>, vector<16xf32>,
          tpu.vector_store %arg19[%swap3A_475, %swap3A_476], %scan3A_197 {strides = array<i32>} : memref<320x256xf32, #tpu.memory_space<vmem>>, vector<16xf32>,
          %swap3A_478 = arith.index_cast %scan3A_181 : i32 to index
          %swap3A_479 = arith.constant 224 : index
          %swap3A_480 = tpu.vector_load %arg19[%swap3A_478, %swap3A_479] {strides = array<i32>} : memref<320x256xf32, #tpu.memory_space<vmem>>, vector<16xf32>,
          tpu.vector_store %arg19[%swap3A_478, %swap3A_479], %scan3A_198 {strides = array<i32>} : memref<320x256xf32, #tpu.memory_space<vmem>>, vector<16xf32>,
          %swap3A_481 = arith.index_cast %scan3A_181 : i32 to index
          %swap3A_482 = arith.constant 240 : index
          %swap3A_483 = tpu.vector_load %arg19[%swap3A_481, %swap3A_482] {strides = array<i32>} : memref<320x256xf32, #tpu.memory_space<vmem>>, vector<16xf32>,
          tpu.vector_store %arg19[%swap3A_481, %swap3A_482], %scan3A_199 {strides = array<i32>} : memref<320x256xf32, #tpu.memory_space<vmem>>, vector<16xf32>,
        } else {
        }
        %mul3A_223 = arith.constant 16 : i32
        %mul3A_224 = arith.muli %min3A_210, %mul3A_223 : i32
        %get3A_225 = arith.index_cast %mul3A_224 : i32 to index
        %get3A_226 = tpu.vector_load %arg17[%get3A_225] {strides = array<i32>} : memref<5120xf32, #tpu.memory_space<vmem>>, vector<16xf32>,
        %select_n3A_227 = arith.select %and3A_216, %get3A_226, %scan3A_182 : vector<16xf32>
        %mul3A_228 = arith.constant 16 : i32
        %mul3A_229 = arith.muli %min3A_210, %mul3A_228 : i32
        %get3A_230 = arith.index_cast %mul3A_229 : i32 to index
        %get3A_231 = tpu.vector_load %arg18[%get3A_230] {strides = array<i32>} : memref<5120xf32, #tpu.memory_space<vmem>>, vector<16xf32>,
        %div3A_232 = arith.constant 1.000000e+00 : f32
        %div3A_233 = vector.broadcast %div3A_232 : f32 to vector<16xf32>
        %div3A_234 = arith.divf %div3A_233, %get3A_231 : vector<16xf32>
        %select_n3A_235 = arith.select %and3A_216, %div3A_234, %scan3A_183 : vector<16xf32>
        %sub3A_236 = arith.subf %get3A_214, %select_n3A_227 : vector<16xf32>
        %exp3A = math.exp %sub3A_236 : vector<16xf32>
        %mul3A_237 = arith.mulf %exp3A, %select_n3A_235 : vector<16xf32>
        %eq3A = arith.constant 0 : i32
        %eq3A_238 = vector.broadcast %eq3A : i32 to vector<16xi32>
        %eq3A_239 = arith.cmpi eq, %iota3A, %eq3A_238 : vector<16xi32>
        %jit3A_240 = arith.constant 0.000000e+00 : f32
        %broadcast_in_dim3A_241 = vector.broadcast %jit3A_240 : f32 to vector<16xf32>
        %select_n3A_242 = arith.select %eq3A_239, %mul3A_237, %broadcast_in_dim3A_241 : vector<16xi1>, vector<16xf32>
        %reduce_sum3A = arith.constant true
        %reduce_sum3A_243 = vector.broadcast %reduce_sum3A : i1 to vector<16xi1>
        %reduce_sum3A_244 = tpu.scan <sum>, %select_n3A_242 masked %reduce_sum3A_243 : vector<16xf32>, vector<16xi1> -> vector<16xf32>
        %reduce_sum3A_245 = vector.extract %reduce_sum3A_244[15] : f32 from vector<16xf32>
        %broadcast_in_dim3A_246 = vector.broadcast %reduce_sum3A_245 : f32 to vector<16xf32>
        %eq3A_247 = arith.constant 1 : i32
        %eq3A_248 = vector.broadcast %eq3A_247 : i32 to vector<16xi32>
        %eq3A_249 = arith.cmpi eq, %iota3A, %eq3A_248 : vector<16xi32>
        %jit3A_250 = arith.constant 0.000000e+00 : f32
        %broadcast_in_dim3A_251 = vector.broadcast %jit3A_250 : f32 to vector<16xf32>
        %select_n3A_252 = arith.select %eq3A_249, %mul3A_237, %broadcast_in_dim3A_251 : vector<16xi1>, vector<16xf32>
        %reduce_sum3A_253 = arith.constant true
        %reduce_sum3A_254 = vector.broadcast %reduce_sum3A_253 : i1 to vector<16xi1>
        %reduce_sum3A_255 = tpu.scan <sum>, %select_n3A_252 masked %reduce_sum3A_254 : vector<16xf32>, vector<16xi1> -> vector<16xf32>
        %reduce_sum3A_256 = vector.extract %reduce_sum3A_255[15] : f32 from vector<16xf32>
        %broadcast_in_dim3A_257 = vector.broadcast %reduce_sum3A_256 : f32 to vector<16xf32>
        %eq3A_258 = arith.constant 2 : i32
        %eq3A_259 = vector.broadcast %eq3A_258 : i32 to vector<16xi32>
        %eq3A_260 = arith.cmpi eq, %iota3A, %eq3A_259 : vector<16xi32>
        %jit3A_261 = arith.constant 0.000000e+00 : f32
        %broadcast_in_dim3A_262 = vector.broadcast %jit3A_261 : f32 to vector<16xf32>
        %select_n3A_263 = arith.select %eq3A_260, %mul3A_237, %broadcast_in_dim3A_262 : vector<16xi1>, vector<16xf32>
        %reduce_sum3A_264 = arith.constant true
        %reduce_sum3A_265 = vector.broadcast %reduce_sum3A_264 : i1 to vector<16xi1>
        %reduce_sum3A_266 = tpu.scan <sum>, %select_n3A_263 masked %reduce_sum3A_265 : vector<16xf32>, vector<16xi1> -> vector<16xf32>
        %reduce_sum3A_267 = vector.extract %reduce_sum3A_266[15] : f32 from vector<16xf32>
        %broadcast_in_dim3A_268 = vector.broadcast %reduce_sum3A_267 : f32 to vector<16xf32>
        %eq3A_269 = arith.constant 3 : i32
        %eq3A_270 = vector.broadcast %eq3A_269 : i32 to vector<16xi32>
        %eq3A_271 = arith.cmpi eq, %iota3A, %eq3A_270 : vector<16xi32>
        %jit3A_272 = arith.constant 0.000000e+00 : f32
        %broadcast_in_dim3A_273 = vector.broadcast %jit3A_272 : f32 to vector<16xf32>
        %select_n3A_274 = arith.select %eq3A_271, %mul3A_237, %broadcast_in_dim3A_273 : vector<16xi1>, vector<16xf32>
        %reduce_sum3A_275 = arith.constant true
        %reduce_sum3A_276 = vector.broadcast %reduce_sum3A_275 : i1 to vector<16xi1>
        %reduce_sum3A_277 = tpu.scan <sum>, %select_n3A_274 masked %reduce_sum3A_276 : vector<16xf32>, vector<16xi1> -> vector<16xf32>
        %reduce_sum3A_278 = vector.extract %reduce_sum3A_277[15] : f32 from vector<16xf32>
        %broadcast_in_dim3A_279 = vector.broadcast %reduce_sum3A_278 : f32 to vector<16xf32>
        %eq3A_280 = arith.constant 4 : i32
        %eq3A_281 = vector.broadcast %eq3A_280 : i32 to vector<16xi32>
        %eq3A_282 = arith.cmpi eq, %iota3A, %eq3A_281 : vector<16xi32>
        %jit3A_283 = arith.constant 0.000000e+00 : f32
        %broadcast_in_dim3A_284 = vector.broadcast %jit3A_283 : f32 to vector<16xf32>
        %select_n3A_285 = arith.select %eq3A_282, %mul3A_237, %broadcast_in_dim3A_284 : vector<16xi1>, vector<16xf32>
        %reduce_sum3A_286 = arith.constant true
        %reduce_sum3A_287 = vector.broadcast %reduce_sum3A_286 : i1 to vector<16xi1>
        %reduce_sum3A_288 = tpu.scan <sum>, %select_n3A_285 masked %reduce_sum3A_287 : vector<16xf32>, vector<16xi1> -> vector<16xf32>
        %reduce_sum3A_289 = vector.extract %reduce_sum3A_288[15] : f32 from vector<16xf32>
        %broadcast_in_dim3A_290 = vector.broadcast %reduce_sum3A_289 : f32 to vector<16xf32>
        %eq3A_291 = arith.constant 5 : i32
        %eq3A_292 = vector.broadcast %eq3A_291 : i32 to vector<16xi32>
        %eq3A_293 = arith.cmpi eq, %iota3A, %eq3A_292 : vector<16xi32>
        %jit3A_294 = arith.constant 0.000000e+00 : f32
        %broadcast_in_dim3A_295 = vector.broadcast %jit3A_294 : f32 to vector<16xf32>
        %select_n3A_296 = arith.select %eq3A_293, %mul3A_237, %broadcast_in_dim3A_295 : vector<16xi1>, vector<16xf32>
        %reduce_sum3A_297 = arith.constant true
        %reduce_sum3A_298 = vector.broadcast %reduce_sum3A_297 : i1 to vector<16xi1>
        %reduce_sum3A_299 = tpu.scan <sum>, %select_n3A_296 masked %reduce_sum3A_298 : vector<16xf32>, vector<16xi1> -> vector<16xf32>
        %reduce_sum3A_300 = vector.extract %reduce_sum3A_299[15] : f32 from vector<16xf32>
        %broadcast_in_dim3A_301 = vector.broadcast %reduce_sum3A_300 : f32 to vector<16xf32>
        %eq3A_302 = arith.constant 6 : i32
        %eq3A_303 = vector.broadcast %eq3A_302 : i32 to vector<16xi32>
        %eq3A_304 = arith.cmpi eq, %iota3A, %eq3A_303 : vector<16xi32>
        %jit3A_305 = arith.constant 0.000000e+00 : f32
        %broadcast_in_dim3A_306 = vector.broadcast %jit3A_305 : f32 to vector<16xf32>
        %select_n3A_307 = arith.select %eq3A_304, %mul3A_237, %broadcast_in_dim3A_306 : vector<16xi1>, vector<16xf32>
        %reduce_sum3A_308 = arith.constant true
        %reduce_sum3A_309 = vector.broadcast %reduce_sum3A_308 : i1 to vector<16xi1>
        %reduce_sum3A_310 = tpu.scan <sum>, %select_n3A_307 masked %reduce_sum3A_309 : vector<16xf32>, vector<16xi1> -> vector<16xf32>
        %reduce_sum3A_311 = vector.extract %reduce_sum3A_310[15] : f32 from vector<16xf32>
        %broadcast_in_dim3A_312 = vector.broadcast %reduce_sum3A_311 : f32 to vector<16xf32>
        %eq3A_313 = arith.constant 7 : i32
        %eq3A_314 = vector.broadcast %eq3A_313 : i32 to vector<16xi32>
        %eq3A_315 = arith.cmpi eq, %iota3A, %eq3A_314 : vector<16xi32>
        %jit3A_316 = arith.constant 0.000000e+00 : f32
        %broadcast_in_dim3A_317 = vector.broadcast %jit3A_316 : f32 to vector<16xf32>
        %select_n3A_318 = arith.select %eq3A_315, %mul3A_237, %broadcast_in_dim3A_317 : vector<16xi1>, vector<16xf32>
        %reduce_sum3A_319 = arith.constant true
        %reduce_sum3A_320 = vector.broadcast %reduce_sum3A_319 : i1 to vector<16xi1>
        %reduce_sum3A_321 = tpu.scan <sum>, %select_n3A_318 masked %reduce_sum3A_320 : vector<16xf32>, vector<16xi1> -> vector<16xf32>
        %reduce_sum3A_322 = vector.extract %reduce_sum3A_321[15] : f32 from vector<16xf32>
        %broadcast_in_dim3A_323 = vector.broadcast %reduce_sum3A_322 : f32 to vector<16xf32>
        %select_n3A_324 = arith.select %and3A_216, %broadcast_in_dim3A_60, %scan3A_184 : vector<16xf32>
        %get3A_325 = arith.index_cast %scan3A_180 : i32 to index
        %get3A_326 = arith.constant 0 : index
        %get3A_327 = tpu.vector_load %arg15[%get3A_325, %get3A_326] {strides = array<i32>} : memref<64x256xf32, #tpu.memory_space<vmem>>, vector<16xf32>,
        %mul3A_328 = arith.mulf %broadcast_in_dim3A_246, %get3A_327 : vector<16xf32>
        %add3A_329 = arith.addf %select_n3A_324, %mul3A_328 : vector<16xf32>
        %select_n3A_330 = arith.select %and3A_202, %add3A_329, %select_n3A_324 : vector<16xf32>
        %select_n3A_331 = arith.select %and3A_216, %broadcast_in_dim3A_60, %scan3A_185 : vector<16xf32>
        %get3A_332 = arith.index_cast %scan3A_180 : i32 to index
        %get3A_333 = arith.constant 16 : index
        %get3A_334 = tpu.vector_load %arg15[%get3A_332, %get3A_333] {strides = array<i32>} : memref<64x256xf32, #tpu.memory_space<vmem>>, vector<16xf32>,
        %mul3A_335 = arith.mulf %broadcast_in_dim3A_246, %get3A_334 : vector<16xf32>
        %add3A_336 = arith.addf %select_n3A_331, %mul3A_335 : vector<16xf32>
        %select_n3A_337 = arith.select %and3A_202, %add3A_336, %select_n3A_331 : vector<16xf32>
        %select_n3A_338 = arith.select %and3A_216, %broadcast_in_dim3A_60, %scan3A_186 : vector<16xf32>
        %get3A_339 = arith.index_cast %scan3A_180 : i32 to index
        %get3A_340 = arith.constant 32 : index
        %get3A_341 = tpu.vector_load %arg15[%get3A_339, %get3A_340] {strides = array<i32>} : memref<64x256xf32, #tpu.memory_space<vmem>>, vector<16xf32>,
        %mul3A_342 = arith.mulf %broadcast_in_dim3A_257, %get3A_341 : vector<16xf32>
        %add3A_343 = arith.addf %select_n3A_338, %mul3A_342 : vector<16xf32>
        %select_n3A_344 = arith.select %and3A_202, %add3A_343, %select_n3A_338 : vector<16xf32>
        %select_n3A_345 = arith.select %and3A_216, %broadcast_in_dim3A_60, %scan3A_187 : vector<16xf32>
        %get3A_346 = arith.index_cast %scan3A_180 : i32 to index
        %get3A_347 = arith.constant 48 : index
        %get3A_348 = tpu.vector_load %arg15[%get3A_346, %get3A_347] {strides = array<i32>} : memref<64x256xf32, #tpu.memory_space<vmem>>, vector<16xf32>,
        %mul3A_349 = arith.mulf %broadcast_in_dim3A_257, %get3A_348 : vector<16xf32>
        %add3A_350 = arith.addf %select_n3A_345, %mul3A_349 : vector<16xf32>
        %select_n3A_351 = arith.select %and3A_202, %add3A_350, %select_n3A_345 : vector<16xf32>
        %select_n3A_352 = arith.select %and3A_216, %broadcast_in_dim3A_60, %scan3A_188 : vector<16xf32>
        %get3A_353 = arith.index_cast %scan3A_180 : i32 to index
        %get3A_354 = arith.constant 64 : index
        %get3A_355 = tpu.vector_load %arg15[%get3A_353, %get3A_354] {strides = array<i32>} : memref<64x256xf32, #tpu.memory_space<vmem>>, vector<16xf32>,
        %mul3A_356 = arith.mulf %broadcast_in_dim3A_268, %get3A_355 : vector<16xf32>
        %add3A_357 = arith.addf %select_n3A_352, %mul3A_356 : vector<16xf32>
        %select_n3A_358 = arith.select %and3A_202, %add3A_357, %select_n3A_352 : vector<16xf32>
        %select_n3A_359 = arith.select %and3A_216, %broadcast_in_dim3A_60, %scan3A_189 : vector<16xf32>
        %get3A_360 = arith.index_cast %scan3A_180 : i32 to index
        %get3A_361 = arith.constant 80 : index
        %get3A_362 = tpu.vector_load %arg15[%get3A_360, %get3A_361] {strides = array<i32>} : memref<64x256xf32, #tpu.memory_space<vmem>>, vector<16xf32>,
        %mul3A_363 = arith.mulf %broadcast_in_dim3A_268, %get3A_362 : vector<16xf32>
        %add3A_364 = arith.addf %select_n3A_359, %mul3A_363 : vector<16xf32>
        %select_n3A_365 = arith.select %and3A_202, %add3A_364, %select_n3A_359 : vector<16xf32>
        %select_n3A_366 = arith.select %and3A_216, %broadcast_in_dim3A_60, %scan3A_190 : vector<16xf32>
        %get3A_367 = arith.index_cast %scan3A_180 : i32 to index
        %get3A_368 = arith.constant 96 : index
        %get3A_369 = tpu.vector_load %arg15[%get3A_367, %get3A_368] {strides = array<i32>} : memref<64x256xf32, #tpu.memory_space<vmem>>, vector<16xf32>,
        %mul3A_370 = arith.mulf %broadcast_in_dim3A_279, %get3A_369 : vector<16xf32>
        %add3A_371 = arith.addf %select_n3A_366, %mul3A_370 : vector<16xf32>
        %select_n3A_372 = arith.select %and3A_202, %add3A_371, %select_n3A_366 : vector<16xf32>
        %select_n3A_373 = arith.select %and3A_216, %broadcast_in_dim3A_60, %scan3A_191 : vector<16xf32>
        %get3A_374 = arith.index_cast %scan3A_180 : i32 to index
        %get3A_375 = arith.constant 112 : index
        %get3A_376 = tpu.vector_load %arg15[%get3A_374, %get3A_375] {strides = array<i32>} : memref<64x256xf32, #tpu.memory_space<vmem>>, vector<16xf32>,
        %mul3A_377 = arith.mulf %broadcast_in_dim3A_279, %get3A_376 : vector<16xf32>
        %add3A_378 = arith.addf %select_n3A_373, %mul3A_377 : vector<16xf32>
        %select_n3A_379 = arith.select %and3A_202, %add3A_378, %select_n3A_373 : vector<16xf32>
        %select_n3A_380 = arith.select %and3A_216, %broadcast_in_dim3A_60, %scan3A_192 : vector<16xf32>
        %get3A_381 = arith.index_cast %scan3A_180 : i32 to index
        %get3A_382 = arith.constant 128 : index
        %get3A_383 = tpu.vector_load %arg15[%get3A_381, %get3A_382] {strides = array<i32>} : memref<64x256xf32, #tpu.memory_space<vmem>>, vector<16xf32>,
        %mul3A_384 = arith.mulf %broadcast_in_dim3A_290, %get3A_383 : vector<16xf32>
        %add3A_385 = arith.addf %select_n3A_380, %mul3A_384 : vector<16xf32>
        %select_n3A_386 = arith.select %and3A_202, %add3A_385, %select_n3A_380 : vector<16xf32>
        %select_n3A_387 = arith.select %and3A_216, %broadcast_in_dim3A_60, %scan3A_193 : vector<16xf32>
        %get3A_388 = arith.index_cast %scan3A_180 : i32 to index
        %get3A_389 = arith.constant 144 : index
        %get3A_390 = tpu.vector_load %arg15[%get3A_388, %get3A_389] {strides = array<i32>} : memref<64x256xf32, #tpu.memory_space<vmem>>, vector<16xf32>,
        %mul3A_391 = arith.mulf %broadcast_in_dim3A_290, %get3A_390 : vector<16xf32>
        %add3A_392 = arith.addf %select_n3A_387, %mul3A_391 : vector<16xf32>
        %select_n3A_393 = arith.select %and3A_202, %add3A_392, %select_n3A_387 : vector<16xf32>
        %select_n3A_394 = arith.select %and3A_216, %broadcast_in_dim3A_60, %scan3A_194 : vector<16xf32>
        %get3A_395 = arith.index_cast %scan3A_180 : i32 to index
        %get3A_396 = arith.constant 160 : index
        %get3A_397 = tpu.vector_load %arg15[%get3A_395, %get3A_396] {strides = array<i32>} : memref<64x256xf32, #tpu.memory_space<vmem>>, vector<16xf32>,
        %mul3A_398 = arith.mulf %broadcast_in_dim3A_301, %get3A_397 : vector<16xf32>
        %add3A_399 = arith.addf %select_n3A_394, %mul3A_398 : vector<16xf32>
        %select_n3A_400 = arith.select %and3A_202, %add3A_399, %select_n3A_394 : vector<16xf32>
        %select_n3A_401 = arith.select %and3A_216, %broadcast_in_dim3A_60, %scan3A_195 : vector<16xf32>
        %get3A_402 = arith.index_cast %scan3A_180 : i32 to index
        %get3A_403 = arith.constant 176 : index
        %get3A_404 = tpu.vector_load %arg15[%get3A_402, %get3A_403] {strides = array<i32>} : memref<64x256xf32, #tpu.memory_space<vmem>>, vector<16xf32>,
        %mul3A_405 = arith.mulf %broadcast_in_dim3A_301, %get3A_404 : vector<16xf32>
        %add3A_406 = arith.addf %select_n3A_401, %mul3A_405 : vector<16xf32>
        %select_n3A_407 = arith.select %and3A_202, %add3A_406, %select_n3A_401 : vector<16xf32>
        %select_n3A_408 = arith.select %and3A_216, %broadcast_in_dim3A_60, %scan3A_196 : vector<16xf32>
        %get3A_409 = arith.index_cast %scan3A_180 : i32 to index
        %get3A_410 = arith.constant 192 : index
        %get3A_411 = tpu.vector_load %arg15[%get3A_409, %get3A_410] {strides = array<i32>} : memref<64x256xf32, #tpu.memory_space<vmem>>, vector<16xf32>,
        %mul3A_412 = arith.mulf %broadcast_in_dim3A_312, %get3A_411 : vector<16xf32>
        %add3A_413 = arith.addf %select_n3A_408, %mul3A_412 : vector<16xf32>
        %select_n3A_414 = arith.select %and3A_202, %add3A_413, %select_n3A_408 : vector<16xf32>
        %select_n3A_415 = arith.select %and3A_216, %broadcast_in_dim3A_60, %scan3A_197 : vector<16xf32>
        %get3A_416 = arith.index_cast %scan3A_180 : i32 to index
        %get3A_417 = arith.constant 208 : index
        %get3A_418 = tpu.vector_load %arg15[%get3A_416, %get3A_417] {strides = array<i32>} : memref<64x256xf32, #tpu.memory_space<vmem>>, vector<16xf32>,
        %mul3A_419 = arith.mulf %broadcast_in_dim3A_312, %get3A_418 : vector<16xf32>
        %add3A_420 = arith.addf %select_n3A_415, %mul3A_419 : vector<16xf32>
        %select_n3A_421 = arith.select %and3A_202, %add3A_420, %select_n3A_415 : vector<16xf32>
        %select_n3A_422 = arith.select %and3A_216, %broadcast_in_dim3A_60, %scan3A_198 : vector<16xf32>
        %get3A_423 = arith.index_cast %scan3A_180 : i32 to index
        %get3A_424 = arith.constant 224 : index
        %get3A_425 = tpu.vector_load %arg15[%get3A_423, %get3A_424] {strides = array<i32>} : memref<64x256xf32, #tpu.memory_space<vmem>>, vector<16xf32>,
        %mul3A_426 = arith.mulf %broadcast_in_dim3A_323, %get3A_425 : vector<16xf32>
        %add3A_427 = arith.addf %select_n3A_422, %mul3A_426 : vector<16xf32>
        %select_n3A_428 = arith.select %and3A_202, %add3A_427, %select_n3A_422 : vector<16xf32>
        %select_n3A_429 = arith.select %and3A_216, %broadcast_in_dim3A_60, %scan3A_199 : vector<16xf32>
        %get3A_430 = arith.index_cast %scan3A_180 : i32 to index
        %get3A_431 = arith.constant 240 : index
        %get3A_432 = tpu.vector_load %arg15[%get3A_430, %get3A_431] {strides = array<i32>} : memref<64x256xf32, #tpu.memory_space<vmem>>, vector<16xf32>,
        %mul3A_433 = arith.mulf %broadcast_in_dim3A_323, %get3A_432 : vector<16xf32>
        %add3A_434 = arith.addf %select_n3A_429, %mul3A_433 : vector<16xf32>
        %select_n3A_435 = arith.select %and3A_202, %add3A_434, %select_n3A_429 : vector<16xf32>
        %select_n3A_436 = arith.select %and3A_202, %sub3A_207, %scan3A_181 : i32
        scf.yield %select_n3A_436, %select_n3A_227, %select_n3A_235, %select_n3A_330, %select_n3A_337, %select_n3A_344, %select_n3A_351, %select_n3A_358, %select_n3A_365, %select_n3A_372, %select_n3A_379, %select_n3A_386, %select_n3A_393, %select_n3A_400, %select_n3A_407, %select_n3A_414, %select_n3A_421, %select_n3A_428, %select_n3A_435 : i32, vector<16xf32>, vector<16xf32>, vector<16xf32>, vector<16xf32>, vector<16xf32>, vector<16xf32>, vector<16xf32>, vector<16xf32>, vector<16xf32>, vector<16xf32>, vector<16xf32>, vector<16xf32>, vector<16xf32>, vector<16xf32>, vector<16xf32>, vector<16xf32>, vector<16xf32>, vector<16xf32>
      }
      %scan3A_179 = arith.constant 64 : i32
      scf.yield %scan3A_178#0, %scan3A_178#1, %scan3A_178#2, %scan3A_178#3, %scan3A_178#4, %scan3A_178#5, %scan3A_178#6, %scan3A_178#7, %scan3A_178#8, %scan3A_178#9, %scan3A_178#10, %scan3A_178#11, %scan3A_178#12, %scan3A_178#13, %scan3A_178#14, %scan3A_178#15, %scan3A_178#16, %scan3A_178#17, %scan3A_178#18 : i32, vector<16xf32>, vector<16xf32>, vector<16xf32>, vector<16xf32>, vector<16xf32>, vector<16xf32>, vector<16xf32>, vector<16xf32>, vector<16xf32>, vector<16xf32>, vector<16xf32>, vector<16xf32>, vector<16xf32>, vector<16xf32>, vector<16xf32>, vector<16xf32>, vector<16xf32>, vector<16xf32>
    }
    %while3A_108 = arith.constant 1 : i32
    %while3A_109:19 = scf.for %while3A_145 = %while3A_105 to %while3A_101 step %while3A_108 iter_args(%while3A_146 = %while3A_107#0, %while3A_147 = %while3A_107#1, %while3A_148 = %while3A_107#2, %while3A_149 = %while3A_107#3, %while3A_150 = %while3A_107#4, %while3A_151 = %while3A_107#5, %while3A_152 = %while3A_107#6, %while3A_153 = %while3A_107#7, %while3A_154 = %while3A_107#8, %while3A_155 = %while3A_107#9, %while3A_156 = %while3A_107#10, %while3A_157 = %while3A_107#11, %while3A_158 = %while3A_107#12, %while3A_159 = %while3A_107#13, %while3A_160 = %while3A_107#14, %while3A_161 = %while3A_107#15, %while3A_162 = %while3A_107#16, %while3A_163 = %while3A_107#17, %while3A_164 = %while3A_107#18) -> (i32, vector<16xf32>, vector<16xf32>, vector<16xf32>, vector<16xf32>, vector<16xf32>, vector<16xf32>, vector<16xf32>, vector<16xf32>, vector<16xf32>, vector<16xf32>, vector<16xf32>, vector<16xf32>, vector<16xf32>, vector<16xf32>, vector<16xf32>, vector<16xf32>, vector<16xf32>, vector<16xf32>)  : i32 {
      %mul3A_165 = arith.constant 64 : i32
      %mul3A_166 = arith.muli %while3A_145, %mul3A_165 : i32
      %add3A_167 = arith.addi %mul3A_30, %mul3A_166 : i32
      "tpu.region"() ({
        %run_scoped3A = tpu.sem_alloc : memref<!tpu.dma_semaphore, #tpu.memory_space<semaphore_mem>>
        %dma_start3A_180 = tpu.memref_slice %arg5[%add3A_167] : memref<160128xi32, #tpu.memory_space<hbm>> -> memref<80xi32, #tpu.memory_space<hbm>>
        %dma_start3A_181 = tpu.memref_slice %arg5[%add3A_167] : memref<160128xi32, #tpu.memory_space<hbm>> -> memref<80xi32, #tpu.memory_space<hbm>>
        tpu.enqueue_dma source(%dma_start3A_181 : memref<80xi32, #tpu.memory_space<hbm>>) target(%arg11 : memref<80xi32, #tpu.memory_space<vmem>>) target_semaphore(%run_scoped3A : memref<!tpu.dma_semaphore, #tpu.memory_space<semaphore_mem>>)
        %dma_wait3A_182 = tpu.memref_slice %arg5[%add3A_167] : memref<160128xi32, #tpu.memory_space<hbm>> -> memref<80xi32, #tpu.memory_space<hbm>>
        %dma_wait3A_183 = tpu.memref_slice %arg5[%add3A_167] : memref<160128xi32, #tpu.memory_space<hbm>> -> memref<80xi32, #tpu.memory_space<hbm>>
        tpu.wait_dma2 semaphore(%run_scoped3A : memref<!tpu.dma_semaphore, #tpu.memory_space<semaphore_mem>>) src(%dma_wait3A_183 : memref<80xi32, #tpu.memory_space<hbm>>) dst(%arg11 : memref<80xi32, #tpu.memory_space<vmem>>)
        tpu.yield
      }) : () -> ()
      "tpu.region"() ({
        %run_scoped3A = tpu.sem_alloc : memref<!tpu.dma_semaphore, #tpu.memory_space<semaphore_mem>>
        %dma_start3A_180 = tpu.memref_slice %arg6[%add3A_167] : memref<160128xi32, #tpu.memory_space<hbm>> -> memref<64xi32, #tpu.memory_space<hbm>>
        %dma_start3A_181 = tpu.memref_slice %arg6[%add3A_167] : memref<160128xi32, #tpu.memory_space<hbm>> -> memref<64xi32, #tpu.memory_space<hbm>>
        tpu.enqueue_dma source(%dma_start3A_181 : memref<64xi32, #tpu.memory_space<hbm>>) target(%arg13 : memref<64xi32, #tpu.memory_space<vmem>>) target_semaphore(%run_scoped3A : memref<!tpu.dma_semaphore, #tpu.memory_space<semaphore_mem>>)
        %dma_wait3A_182 = tpu.memref_slice %arg6[%add3A_167] : memref<160128xi32, #tpu.memory_space<hbm>> -> memref<64xi32, #tpu.memory_space<hbm>>
        %dma_wait3A_183 = tpu.memref_slice %arg6[%add3A_167] : memref<160128xi32, #tpu.memory_space<hbm>> -> memref<64xi32, #tpu.memory_space<hbm>>
        tpu.wait_dma2 semaphore(%run_scoped3A : memref<!tpu.dma_semaphore, #tpu.memory_space<semaphore_mem>>) src(%dma_wait3A_183 : memref<64xi32, #tpu.memory_space<hbm>>) dst(%arg13 : memref<64xi32, #tpu.memory_space<vmem>>)
        tpu.yield
      }) : () -> ()
      %mul3A_168 = arith.constant 16 : i32
      %mul3A_169 = arith.muli %add3A_167, %mul3A_168 : i32
      "tpu.region"() ({
        %run_scoped3A = tpu.sem_alloc : memref<!tpu.dma_semaphore, #tpu.memory_space<semaphore_mem>>
        %dma_start3A_180 = tpu.memref_slice %arg9[%mul3A_169] : memref<2562048xf32, #tpu.memory_space<hbm>> -> memref<1024xf32, #tpu.memory_space<hbm>>
        %dma_start3A_181 = tpu.memref_slice %arg9[%mul3A_169] : memref<2562048xf32, #tpu.memory_space<hbm>> -> memref<1024xf32, #tpu.memory_space<hbm>>
        tpu.enqueue_dma source(%dma_start3A_181 : memref<1024xf32, #tpu.memory_space<hbm>>) target(%arg16 : memref<1024xf32, #tpu.memory_space<vmem>>) target_semaphore(%run_scoped3A : memref<!tpu.dma_semaphore, #tpu.memory_space<semaphore_mem>>)
        %dma_wait3A_182 = tpu.memref_slice %arg9[%mul3A_169] : memref<2562048xf32, #tpu.memory_space<hbm>> -> memref<1024xf32, #tpu.memory_space<hbm>>
        %dma_wait3A_183 = tpu.memref_slice %arg9[%mul3A_169] : memref<2562048xf32, #tpu.memory_space<hbm>> -> memref<1024xf32, #tpu.memory_space<hbm>>
        tpu.wait_dma2 semaphore(%run_scoped3A : memref<!tpu.dma_semaphore, #tpu.memory_space<semaphore_mem>>) src(%dma_wait3A_183 : memref<1024xf32, #tpu.memory_space<hbm>>) dst(%arg16 : memref<1024xf32, #tpu.memory_space<vmem>>)
        tpu.yield
      }) : () -> ()
      %dma_start3A = arith.constant 0 : i32
      %dma_start3A_170 = arith.constant 0 : i32
      %dma_start3A_171 = tpu.memref_slice %arg4[%dma_start3A, %dma_start3A_170] : memref<10000x256xf32, #tpu.memory_space<hbm>> -> memref<10000x256xf32, #tpu.memory_space<hbm>>
      tpu.enqueue_indirect_dma source(%dma_start3A_171 : memref<10000x256xf32, #tpu.memory_space<hbm>>) target(%arg15 : memref<64x256xf32, #tpu.memory_space<vmem>>) offsets(%arg13 : memref<64xi32, #tpu.memory_space<vmem>>) semaphore(%arg21 : memref<!tpu.dma_semaphore, #tpu.memory_space<semaphore_mem>>)
      %dma_wait3A = arith.constant 0 : i32
      %dma_wait3A_172 = arith.constant 0 : i32
      %dma_wait3A_173 = tpu.memref_slice %arg4[%dma_wait3A, %dma_wait3A_172] : memref<10000x256xf32, #tpu.memory_space<hbm>> -> memref<10000x256xf32, #tpu.memory_space<hbm>>
      tpu.wait_indirect_dma semaphore(%arg21 : memref<!tpu.dma_semaphore, #tpu.memory_space<semaphore_mem>>) src(%dma_wait3A_173 : memref<10000x256xf32, #tpu.memory_space<hbm>>) dst(%arg15 : memref<64x256xf32, #tpu.memory_space<vmem>>)
      %scan3A_174 = arith.constant 0 : i32
      %scan3A_175 = arith.constant 64 : i32
      %scan3A_176 = arith.addi %scan3A_174, %scan3A_175 : i32
      %scan3A_177 = arith.constant 1 : i32
      %scan3A_178:19 = scf.for %scan3A_180 = %scan3A_174 to %scan3A_176 step %scan3A_177 iter_args(%scan3A_181 = %while3A_146, %scan3A_182 = %while3A_147, %scan3A_183 = %while3A_148, %scan3A_184 = %while3A_149, %scan3A_185 = %while3A_150, %scan3A_186 = %while3A_151, %scan3A_187 = %while3A_152, %scan3A_188 = %while3A_153, %scan3A_189 = %while3A_154, %scan3A_190 = %while3A_155, %scan3A_191 = %while3A_156, %scan3A_192 = %while3A_157, %scan3A_193 = %while3A_158, %scan3A_194 = %while3A_159, %scan3A_195 = %while3A_160, %scan3A_196 = %while3A_161, %scan3A_197 = %while3A_162, %scan3A_198 = %while3A_163, %scan3A_199 = %while3A_164) -> (i32, vector<16xf32>, vector<16xf32>, vector<16xf32>, vector<16xf32>, vector<16xf32>, vector<16xf32>, vector<16xf32>, vector<16xf32>, vector<16xf32>, vector<16xf32>, vector<16xf32>, vector<16xf32>, vector<16xf32>, vector<16xf32>, vector<16xf32>, vector<16xf32>, vector<16xf32>, vector<16xf32>)  : i32 {
        %add3A_200 = arith.addi %add3A_167, %scan3A_180 : i32
        %ge3A_201 = arith.cmpi sge, %add3A_200, %squeeze3A : i32
        %lt3A = arith.cmpi slt, %add3A_200, %squeeze3A_7 : i32
        %and3A_202 = arith.andi %ge3A_201, %lt3A : i1
        %get3A_203 = arith.index_cast %scan3A_180 : i32 to index
        %get3A_204 = tpu.vector_load %arg11[%get3A_203] {strides = array<i32>} : memref<80xi32, #tpu.memory_space<vmem>>, vector<16xi32>,
        %slice3A_205 = vector.extract_strided_slice %get3A_204 {offsets = [0], sizes = [1], strides = [1]} : vector<16xi32> to vector<1xi32>
        %squeeze3A_206 = vector.extract %slice3A_205[0] : i32 from vector<1xi32>
        %sub3A_207 = arith.subi %squeeze3A_206, %mul3A_9 : i32
        %jit3A_208 = arith.constant 0 : i32
        %jit3A_209 = arith.constant 319 : i32
        %max3A = arith.maxsi %jit3A_208, %sub3A_207 : i32
        %min3A_210 = arith.minsi %jit3A_209, %max3A : i32
        %mul3A_211 = arith.constant 16 : i32
        %mul3A_212 = arith.muli %scan3A_180, %mul3A_211 : i32
        %get3A_213 = arith.index_cast %mul3A_212 : i32 to index
        %get3A_214 = tpu.vector_load %arg16[%get3A_213] {strides = array<i32>} : memref<1024xf32, #tpu.memory_space<vmem>>, vector<16xf32>,
        %ne3A_215 = arith.cmpi ne, %sub3A_207, %scan3A_181 : i32
        %and3A_216 = arith.andi %and3A_202, %ne3A_215 : i1
        %ge3A_217 = arith.constant 0 : i32
        %ge3A_218 = arith.cmpi sge, %scan3A_181, %ge3A_217 : i32
        %and3A_219 = arith.andi %and3A_216, %ge3A_218 : i1
        %convert_element_type3A_220 = arith.extui %and3A_219 : i1 to i32
        %cond3A_221 = arith.constant 0 : i32
        %cond3A_222 = arith.cmpi ne, %convert_element_type3A_220, %cond3A_221 : i32
        scf.if %cond3A_222 {
          %swap3A = arith.index_cast %scan3A_181 : i32 to index
          %swap3A_437 = arith.constant 0 : index
          %swap3A_438 = tpu.vector_load %arg19[%swap3A, %swap3A_437] {strides = array<i32>} : memref<320x256xf32, #tpu.memory_space<vmem>>, vector<16xf32>,
          tpu.vector_store %arg19[%swap3A, %swap3A_437], %scan3A_184 {strides = array<i32>} : memref<320x256xf32, #tpu.memory_space<vmem>>, vector<16xf32>,
          %swap3A_439 = arith.index_cast %scan3A_181 : i32 to index
          %swap3A_440 = arith.constant 16 : index
          %swap3A_441 = tpu.vector_load %arg19[%swap3A_439, %swap3A_440] {strides = array<i32>} : memref<320x256xf32, #tpu.memory_space<vmem>>, vector<16xf32>,
          tpu.vector_store %arg19[%swap3A_439, %swap3A_440], %scan3A_185 {strides = array<i32>} : memref<320x256xf32, #tpu.memory_space<vmem>>, vector<16xf32>,
          %swap3A_442 = arith.index_cast %scan3A_181 : i32 to index
          %swap3A_443 = arith.constant 32 : index
          %swap3A_444 = tpu.vector_load %arg19[%swap3A_442, %swap3A_443] {strides = array<i32>} : memref<320x256xf32, #tpu.memory_space<vmem>>, vector<16xf32>,
          tpu.vector_store %arg19[%swap3A_442, %swap3A_443], %scan3A_186 {strides = array<i32>} : memref<320x256xf32, #tpu.memory_space<vmem>>, vector<16xf32>,
          %swap3A_445 = arith.index_cast %scan3A_181 : i32 to index
          %swap3A_446 = arith.constant 48 : index
          %swap3A_447 = tpu.vector_load %arg19[%swap3A_445, %swap3A_446] {strides = array<i32>} : memref<320x256xf32, #tpu.memory_space<vmem>>, vector<16xf32>,
          tpu.vector_store %arg19[%swap3A_445, %swap3A_446], %scan3A_187 {strides = array<i32>} : memref<320x256xf32, #tpu.memory_space<vmem>>, vector<16xf32>,
          %swap3A_448 = arith.index_cast %scan3A_181 : i32 to index
          %swap3A_449 = arith.constant 64 : index
          %swap3A_450 = tpu.vector_load %arg19[%swap3A_448, %swap3A_449] {strides = array<i32>} : memref<320x256xf32, #tpu.memory_space<vmem>>, vector<16xf32>,
          tpu.vector_store %arg19[%swap3A_448, %swap3A_449], %scan3A_188 {strides = array<i32>} : memref<320x256xf32, #tpu.memory_space<vmem>>, vector<16xf32>,
          %swap3A_451 = arith.index_cast %scan3A_181 : i32 to index
          %swap3A_452 = arith.constant 80 : index
          %swap3A_453 = tpu.vector_load %arg19[%swap3A_451, %swap3A_452] {strides = array<i32>} : memref<320x256xf32, #tpu.memory_space<vmem>>, vector<16xf32>,
          tpu.vector_store %arg19[%swap3A_451, %swap3A_452], %scan3A_189 {strides = array<i32>} : memref<320x256xf32, #tpu.memory_space<vmem>>, vector<16xf32>,
          %swap3A_454 = arith.index_cast %scan3A_181 : i32 to index
          %swap3A_455 = arith.constant 96 : index
          %swap3A_456 = tpu.vector_load %arg19[%swap3A_454, %swap3A_455] {strides = array<i32>} : memref<320x256xf32, #tpu.memory_space<vmem>>, vector<16xf32>,
          tpu.vector_store %arg19[%swap3A_454, %swap3A_455], %scan3A_190 {strides = array<i32>} : memref<320x256xf32, #tpu.memory_space<vmem>>, vector<16xf32>,
          %swap3A_457 = arith.index_cast %scan3A_181 : i32 to index
          %swap3A_458 = arith.constant 112 : index
          %swap3A_459 = tpu.vector_load %arg19[%swap3A_457, %swap3A_458] {strides = array<i32>} : memref<320x256xf32, #tpu.memory_space<vmem>>, vector<16xf32>,
          tpu.vector_store %arg19[%swap3A_457, %swap3A_458], %scan3A_191 {strides = array<i32>} : memref<320x256xf32, #tpu.memory_space<vmem>>, vector<16xf32>,
          %swap3A_460 = arith.index_cast %scan3A_181 : i32 to index
          %swap3A_461 = arith.constant 128 : index
          %swap3A_462 = tpu.vector_load %arg19[%swap3A_460, %swap3A_461] {strides = array<i32>} : memref<320x256xf32, #tpu.memory_space<vmem>>, vector<16xf32>,
          tpu.vector_store %arg19[%swap3A_460, %swap3A_461], %scan3A_192 {strides = array<i32>} : memref<320x256xf32, #tpu.memory_space<vmem>>, vector<16xf32>,
          %swap3A_463 = arith.index_cast %scan3A_181 : i32 to index
          %swap3A_464 = arith.constant 144 : index
          %swap3A_465 = tpu.vector_load %arg19[%swap3A_463, %swap3A_464] {strides = array<i32>} : memref<320x256xf32, #tpu.memory_space<vmem>>, vector<16xf32>,
          tpu.vector_store %arg19[%swap3A_463, %swap3A_464], %scan3A_193 {strides = array<i32>} : memref<320x256xf32, #tpu.memory_space<vmem>>, vector<16xf32>,
          %swap3A_466 = arith.index_cast %scan3A_181 : i32 to index
          %swap3A_467 = arith.constant 160 : index
          %swap3A_468 = tpu.vector_load %arg19[%swap3A_466, %swap3A_467] {strides = array<i32>} : memref<320x256xf32, #tpu.memory_space<vmem>>, vector<16xf32>,
          tpu.vector_store %arg19[%swap3A_466, %swap3A_467], %scan3A_194 {strides = array<i32>} : memref<320x256xf32, #tpu.memory_space<vmem>>, vector<16xf32>,
          %swap3A_469 = arith.index_cast %scan3A_181 : i32 to index
          %swap3A_470 = arith.constant 176 : index
          %swap3A_471 = tpu.vector_load %arg19[%swap3A_469, %swap3A_470] {strides = array<i32>} : memref<320x256xf32, #tpu.memory_space<vmem>>, vector<16xf32>,
          tpu.vector_store %arg19[%swap3A_469, %swap3A_470], %scan3A_195 {strides = array<i32>} : memref<320x256xf32, #tpu.memory_space<vmem>>, vector<16xf32>,
          %swap3A_472 = arith.index_cast %scan3A_181 : i32 to index
          %swap3A_473 = arith.constant 192 : index
          %swap3A_474 = tpu.vector_load %arg19[%swap3A_472, %swap3A_473] {strides = array<i32>} : memref<320x256xf32, #tpu.memory_space<vmem>>, vector<16xf32>,
          tpu.vector_store %arg19[%swap3A_472, %swap3A_473], %scan3A_196 {strides = array<i32>} : memref<320x256xf32, #tpu.memory_space<vmem>>, vector<16xf32>,
          %swap3A_475 = arith.index_cast %scan3A_181 : i32 to index
          %swap3A_476 = arith.constant 208 : index
          %swap3A_477 = tpu.vector_load %arg19[%swap3A_475, %swap3A_476] {strides = array<i32>} : memref<320x256xf32, #tpu.memory_space<vmem>>, vector<16xf32>,
          tpu.vector_store %arg19[%swap3A_475, %swap3A_476], %scan3A_197 {strides = array<i32>} : memref<320x256xf32, #tpu.memory_space<vmem>>, vector<16xf32>,
          %swap3A_478 = arith.index_cast %scan3A_181 : i32 to index
          %swap3A_479 = arith.constant 224 : index
          %swap3A_480 = tpu.vector_load %arg19[%swap3A_478, %swap3A_479] {strides = array<i32>} : memref<320x256xf32, #tpu.memory_space<vmem>>, vector<16xf32>,
          tpu.vector_store %arg19[%swap3A_478, %swap3A_479], %scan3A_198 {strides = array<i32>} : memref<320x256xf32, #tpu.memory_space<vmem>>, vector<16xf32>,
          %swap3A_481 = arith.index_cast %scan3A_181 : i32 to index
          %swap3A_482 = arith.constant 240 : index
          %swap3A_483 = tpu.vector_load %arg19[%swap3A_481, %swap3A_482] {strides = array<i32>} : memref<320x256xf32, #tpu.memory_space<vmem>>, vector<16xf32>,
          tpu.vector_store %arg19[%swap3A_481, %swap3A_482], %scan3A_199 {strides = array<i32>} : memref<320x256xf32, #tpu.memory_space<vmem>>, vector<16xf32>,
        } else {
        }
        %mul3A_223 = arith.constant 16 : i32
        %mul3A_224 = arith.muli %min3A_210, %mul3A_223 : i32
        %get3A_225 = arith.index_cast %mul3A_224 : i32 to index
        %get3A_226 = tpu.vector_load %arg17[%get3A_225] {strides = array<i32>} : memref<5120xf32, #tpu.memory_space<vmem>>, vector<16xf32>,
        %select_n3A_227 = arith.select %and3A_216, %get3A_226, %scan3A_182 : vector<16xf32>
        %mul3A_228 = arith.constant 16 : i32
        %mul3A_229 = arith.muli %min3A_210, %mul3A_228 : i32
        %get3A_230 = arith.index_cast %mul3A_229 : i32 to index
        %get3A_231 = tpu.vector_load %arg18[%get3A_230] {strides = array<i32>} : memref<5120xf32, #tpu.memory_space<vmem>>, vector<16xf32>,
        %div3A_232 = arith.constant 1.000000e+00 : f32
        %div3A_233 = vector.broadcast %div3A_232 : f32 to vector<16xf32>
        %div3A_234 = arith.divf %div3A_233, %get3A_231 : vector<16xf32>
        %select_n3A_235 = arith.select %and3A_216, %div3A_234, %scan3A_183 : vector<16xf32>
        %sub3A_236 = arith.subf %get3A_214, %select_n3A_227 : vector<16xf32>
        %exp3A = math.exp %sub3A_236 : vector<16xf32>
        %mul3A_237 = arith.mulf %exp3A, %select_n3A_235 : vector<16xf32>
        %eq3A = arith.constant 0 : i32
        %eq3A_238 = vector.broadcast %eq3A : i32 to vector<16xi32>
        %eq3A_239 = arith.cmpi eq, %iota3A, %eq3A_238 : vector<16xi32>
        %jit3A_240 = arith.constant 0.000000e+00 : f32
        %broadcast_in_dim3A_241 = vector.broadcast %jit3A_240 : f32 to vector<16xf32>
        %select_n3A_242 = arith.select %eq3A_239, %mul3A_237, %broadcast_in_dim3A_241 : vector<16xi1>, vector<16xf32>
        %reduce_sum3A = arith.constant true
        %reduce_sum3A_243 = vector.broadcast %reduce_sum3A : i1 to vector<16xi1>
        %reduce_sum3A_244 = tpu.scan <sum>, %select_n3A_242 masked %reduce_sum3A_243 : vector<16xf32>, vector<16xi1> -> vector<16xf32>
        %reduce_sum3A_245 = vector.extract %reduce_sum3A_244[15] : f32 from vector<16xf32>
        %broadcast_in_dim3A_246 = vector.broadcast %reduce_sum3A_245 : f32 to vector<16xf32>
        %eq3A_247 = arith.constant 1 : i32
        %eq3A_248 = vector.broadcast %eq3A_247 : i32 to vector<16xi32>
        %eq3A_249 = arith.cmpi eq, %iota3A, %eq3A_248 : vector<16xi32>
        %jit3A_250 = arith.constant 0.000000e+00 : f32
        %broadcast_in_dim3A_251 = vector.broadcast %jit3A_250 : f32 to vector<16xf32>
        %select_n3A_252 = arith.select %eq3A_249, %mul3A_237, %broadcast_in_dim3A_251 : vector<16xi1>, vector<16xf32>
        %reduce_sum3A_253 = arith.constant true
        %reduce_sum3A_254 = vector.broadcast %reduce_sum3A_253 : i1 to vector<16xi1>
        %reduce_sum3A_255 = tpu.scan <sum>, %select_n3A_252 masked %reduce_sum3A_254 : vector<16xf32>, vector<16xi1> -> vector<16xf32>
        %reduce_sum3A_256 = vector.extract %reduce_sum3A_255[15] : f32 from vector<16xf32>
        %broadcast_in_dim3A_257 = vector.broadcast %reduce_sum3A_256 : f32 to vector<16xf32>
        %eq3A_258 = arith.constant 2 : i32
        %eq3A_259 = vector.broadcast %eq3A_258 : i32 to vector<16xi32>
        %eq3A_260 = arith.cmpi eq, %iota3A, %eq3A_259 : vector<16xi32>
        %jit3A_261 = arith.constant 0.000000e+00 : f32
        %broadcast_in_dim3A_262 = vector.broadcast %jit3A_261 : f32 to vector<16xf32>
        %select_n3A_263 = arith.select %eq3A_260, %mul3A_237, %broadcast_in_dim3A_262 : vector<16xi1>, vector<16xf32>
        %reduce_sum3A_264 = arith.constant true
        %reduce_sum3A_265 = vector.broadcast %reduce_sum3A_264 : i1 to vector<16xi1>
        %reduce_sum3A_266 = tpu.scan <sum>, %select_n3A_263 masked %reduce_sum3A_265 : vector<16xf32>, vector<16xi1> -> vector<16xf32>
        %reduce_sum3A_267 = vector.extract %reduce_sum3A_266[15] : f32 from vector<16xf32>
        %broadcast_in_dim3A_268 = vector.broadcast %reduce_sum3A_267 : f32 to vector<16xf32>
        %eq3A_269 = arith.constant 3 : i32
        %eq3A_270 = vector.broadcast %eq3A_269 : i32 to vector<16xi32>
        %eq3A_271 = arith.cmpi eq, %iota3A, %eq3A_270 : vector<16xi32>
        %jit3A_272 = arith.constant 0.000000e+00 : f32
        %broadcast_in_dim3A_273 = vector.broadcast %jit3A_272 : f32 to vector<16xf32>
        %select_n3A_274 = arith.select %eq3A_271, %mul3A_237, %broadcast_in_dim3A_273 : vector<16xi1>, vector<16xf32>
        %reduce_sum3A_275 = arith.constant true
        %reduce_sum3A_276 = vector.broadcast %reduce_sum3A_275 : i1 to vector<16xi1>
        %reduce_sum3A_277 = tpu.scan <sum>, %select_n3A_274 masked %reduce_sum3A_276 : vector<16xf32>, vector<16xi1> -> vector<16xf32>
        %reduce_sum3A_278 = vector.extract %reduce_sum3A_277[15] : f32 from vector<16xf32>
        %broadcast_in_dim3A_279 = vector.broadcast %reduce_sum3A_278 : f32 to vector<16xf32>
        %eq3A_280 = arith.constant 4 : i32
        %eq3A_281 = vector.broadcast %eq3A_280 : i32 to vector<16xi32>
        %eq3A_282 = arith.cmpi eq, %iota3A, %eq3A_281 : vector<16xi32>
        %jit3A_283 = arith.constant 0.000000e+00 : f32
        %broadcast_in_dim3A_284 = vector.broadcast %jit3A_283 : f32 to vector<16xf32>
        %select_n3A_285 = arith.select %eq3A_282, %mul3A_237, %broadcast_in_dim3A_284 : vector<16xi1>, vector<16xf32>
        %reduce_sum3A_286 = arith.constant true
        %reduce_sum3A_287 = vector.broadcast %reduce_sum3A_286 : i1 to vector<16xi1>
        %reduce_sum3A_288 = tpu.scan <sum>, %select_n3A_285 masked %reduce_sum3A_287 : vector<16xf32>, vector<16xi1> -> vector<16xf32>
        %reduce_sum3A_289 = vector.extract %reduce_sum3A_288[15] : f32 from vector<16xf32>
        %broadcast_in_dim3A_290 = vector.broadcast %reduce_sum3A_289 : f32 to vector<16xf32>
        %eq3A_291 = arith.constant 5 : i32
        %eq3A_292 = vector.broadcast %eq3A_291 : i32 to vector<16xi32>
        %eq3A_293 = arith.cmpi eq, %iota3A, %eq3A_292 : vector<16xi32>
        %jit3A_294 = arith.constant 0.000000e+00 : f32
        %broadcast_in_dim3A_295 = vector.broadcast %jit3A_294 : f32 to vector<16xf32>
        %select_n3A_296 = arith.select %eq3A_293, %mul3A_237, %broadcast_in_dim3A_295 : vector<16xi1>, vector<16xf32>
        %reduce_sum3A_297 = arith.constant true
        %reduce_sum3A_298 = vector.broadcast %reduce_sum3A_297 : i1 to vector<16xi1>
        %reduce_sum3A_299 = tpu.scan <sum>, %select_n3A_296 masked %reduce_sum3A_298 : vector<16xf32>, vector<16xi1> -> vector<16xf32>
        %reduce_sum3A_300 = vector.extract %reduce_sum3A_299[15] : f32 from vector<16xf32>
        %broadcast_in_dim3A_301 = vector.broadcast %reduce_sum3A_300 : f32 to vector<16xf32>
        %eq3A_302 = arith.constant 6 : i32
        %eq3A_303 = vector.broadcast %eq3A_302 : i32 to vector<16xi32>
        %eq3A_304 = arith.cmpi eq, %iota3A, %eq3A_303 : vector<16xi32>
        %jit3A_305 = arith.constant 0.000000e+00 : f32
        %broadcast_in_dim3A_306 = vector.broadcast %jit3A_305 : f32 to vector<16xf32>
        %select_n3A_307 = arith.select %eq3A_304, %mul3A_237, %broadcast_in_dim3A_306 : vector<16xi1>, vector<16xf32>
        %reduce_sum3A_308 = arith.constant true
        %reduce_sum3A_309 = vector.broadcast %reduce_sum3A_308 : i1 to vector<16xi1>
        %reduce_sum3A_310 = tpu.scan <sum>, %select_n3A_307 masked %reduce_sum3A_309 : vector<16xf32>, vector<16xi1> -> vector<16xf32>
        %reduce_sum3A_311 = vector.extract %reduce_sum3A_310[15] : f32 from vector<16xf32>
        %broadcast_in_dim3A_312 = vector.broadcast %reduce_sum3A_311 : f32 to vector<16xf32>
        %eq3A_313 = arith.constant 7 : i32
        %eq3A_314 = vector.broadcast %eq3A_313 : i32 to vector<16xi32>
        %eq3A_315 = arith.cmpi eq, %iota3A, %eq3A_314 : vector<16xi32>
        %jit3A_316 = arith.constant 0.000000e+00 : f32
        %broadcast_in_dim3A_317 = vector.broadcast %jit3A_316 : f32 to vector<16xf32>
        %select_n3A_318 = arith.select %eq3A_315, %mul3A_237, %broadcast_in_dim3A_317 : vector<16xi1>, vector<16xf32>
        %reduce_sum3A_319 = arith.constant true
        %reduce_sum3A_320 = vector.broadcast %reduce_sum3A_319 : i1 to vector<16xi1>
        %reduce_sum3A_321 = tpu.scan <sum>, %select_n3A_318 masked %reduce_sum3A_320 : vector<16xf32>, vector<16xi1> -> vector<16xf32>
        %reduce_sum3A_322 = vector.extract %reduce_sum3A_321[15] : f32 from vector<16xf32>
        %broadcast_in_dim3A_323 = vector.broadcast %reduce_sum3A_322 : f32 to vector<16xf32>
        %select_n3A_324 = arith.select %and3A_216, %broadcast_in_dim3A_60, %scan3A_184 : vector<16xf32>
        %get3A_325 = arith.index_cast %scan3A_180 : i32 to index
        %get3A_326 = arith.constant 0 : index
        %get3A_327 = tpu.vector_load %arg15[%get3A_325, %get3A_326] {strides = array<i32>} : memref<64x256xf32, #tpu.memory_space<vmem>>, vector<16xf32>,
        %mul3A_328 = arith.mulf %broadcast_in_dim3A_246, %get3A_327 : vector<16xf32>
        %add3A_329 = arith.addf %select_n3A_324, %mul3A_328 : vector<16xf32>
        %select_n3A_330 = arith.select %and3A_202, %add3A_329, %select_n3A_324 : vector<16xf32>
        %select_n3A_331 = arith.select %and3A_216, %broadcast_in_dim3A_60, %scan3A_185 : vector<16xf32>
        %get3A_332 = arith.index_cast %scan3A_180 : i32 to index
        %get3A_333 = arith.constant 16 : index
        %get3A_334 = tpu.vector_load %arg15[%get3A_332, %get3A_333] {strides = array<i32>} : memref<64x256xf32, #tpu.memory_space<vmem>>, vector<16xf32>,
        %mul3A_335 = arith.mulf %broadcast_in_dim3A_246, %get3A_334 : vector<16xf32>
        %add3A_336 = arith.addf %select_n3A_331, %mul3A_335 : vector<16xf32>
        %select_n3A_337 = arith.select %and3A_202, %add3A_336, %select_n3A_331 : vector<16xf32>
        %select_n3A_338 = arith.select %and3A_216, %broadcast_in_dim3A_60, %scan3A_186 : vector<16xf32>
        %get3A_339 = arith.index_cast %scan3A_180 : i32 to index
        %get3A_340 = arith.constant 32 : index
        %get3A_341 = tpu.vector_load %arg15[%get3A_339, %get3A_340] {strides = array<i32>} : memref<64x256xf32, #tpu.memory_space<vmem>>, vector<16xf32>,
        %mul3A_342 = arith.mulf %broadcast_in_dim3A_257, %get3A_341 : vector<16xf32>
        %add3A_343 = arith.addf %select_n3A_338, %mul3A_342 : vector<16xf32>
        %select_n3A_344 = arith.select %and3A_202, %add3A_343, %select_n3A_338 : vector<16xf32>
        %select_n3A_345 = arith.select %and3A_216, %broadcast_in_dim3A_60, %scan3A_187 : vector<16xf32>
        %get3A_346 = arith.index_cast %scan3A_180 : i32 to index
        %get3A_347 = arith.constant 48 : index
        %get3A_348 = tpu.vector_load %arg15[%get3A_346, %get3A_347] {strides = array<i32>} : memref<64x256xf32, #tpu.memory_space<vmem>>, vector<16xf32>,
        %mul3A_349 = arith.mulf %broadcast_in_dim3A_257, %get3A_348 : vector<16xf32>
        %add3A_350 = arith.addf %select_n3A_345, %mul3A_349 : vector<16xf32>
        %select_n3A_351 = arith.select %and3A_202, %add3A_350, %select_n3A_345 : vector<16xf32>
        %select_n3A_352 = arith.select %and3A_216, %broadcast_in_dim3A_60, %scan3A_188 : vector<16xf32>
        %get3A_353 = arith.index_cast %scan3A_180 : i32 to index
        %get3A_354 = arith.constant 64 : index
        %get3A_355 = tpu.vector_load %arg15[%get3A_353, %get3A_354] {strides = array<i32>} : memref<64x256xf32, #tpu.memory_space<vmem>>, vector<16xf32>,
        %mul3A_356 = arith.mulf %broadcast_in_dim3A_268, %get3A_355 : vector<16xf32>
        %add3A_357 = arith.addf %select_n3A_352, %mul3A_356 : vector<16xf32>
        %select_n3A_358 = arith.select %and3A_202, %add3A_357, %select_n3A_352 : vector<16xf32>
        %select_n3A_359 = arith.select %and3A_216, %broadcast_in_dim3A_60, %scan3A_189 : vector<16xf32>
        %get3A_360 = arith.index_cast %scan3A_180 : i32 to index
        %get3A_361 = arith.constant 80 : index
        %get3A_362 = tpu.vector_load %arg15[%get3A_360, %get3A_361] {strides = array<i32>} : memref<64x256xf32, #tpu.memory_space<vmem>>, vector<16xf32>,
        %mul3A_363 = arith.mulf %broadcast_in_dim3A_268, %get3A_362 : vector<16xf32>
        %add3A_364 = arith.addf %select_n3A_359, %mul3A_363 : vector<16xf32>
        %select_n3A_365 = arith.select %and3A_202, %add3A_364, %select_n3A_359 : vector<16xf32>
        %select_n3A_366 = arith.select %and3A_216, %broadcast_in_dim3A_60, %scan3A_190 : vector<16xf32>
        %get3A_367 = arith.index_cast %scan3A_180 : i32 to index
        %get3A_368 = arith.constant 96 : index
        %get3A_369 = tpu.vector_load %arg15[%get3A_367, %get3A_368] {strides = array<i32>} : memref<64x256xf32, #tpu.memory_space<vmem>>, vector<16xf32>,
        %mul3A_370 = arith.mulf %broadcast_in_dim3A_279, %get3A_369 : vector<16xf32>
        %add3A_371 = arith.addf %select_n3A_366, %mul3A_370 : vector<16xf32>
        %select_n3A_372 = arith.select %and3A_202, %add3A_371, %select_n3A_366 : vector<16xf32>
        %select_n3A_373 = arith.select %and3A_216, %broadcast_in_dim3A_60, %scan3A_191 : vector<16xf32>
        %get3A_374 = arith.index_cast %scan3A_180 : i32 to index
        %get3A_375 = arith.constant 112 : index
        %get3A_376 = tpu.vector_load %arg15[%get3A_374, %get3A_375] {strides = array<i32>} : memref<64x256xf32, #tpu.memory_space<vmem>>, vector<16xf32>,
        %mul3A_377 = arith.mulf %broadcast_in_dim3A_279, %get3A_376 : vector<16xf32>
        %add3A_378 = arith.addf %select_n3A_373, %mul3A_377 : vector<16xf32>
        %select_n3A_379 = arith.select %and3A_202, %add3A_378, %select_n3A_373 : vector<16xf32>
        %select_n3A_380 = arith.select %and3A_216, %broadcast_in_dim3A_60, %scan3A_192 : vector<16xf32>
        %get3A_381 = arith.index_cast %scan3A_180 : i32 to index
        %get3A_382 = arith.constant 128 : index
        %get3A_383 = tpu.vector_load %arg15[%get3A_381, %get3A_382] {strides = array<i32>} : memref<64x256xf32, #tpu.memory_space<vmem>>, vector<16xf32>,
        %mul3A_384 = arith.mulf %broadcast_in_dim3A_290, %get3A_383 : vector<16xf32>
        %add3A_385 = arith.addf %select_n3A_380, %mul3A_384 : vector<16xf32>
        %select_n3A_386 = arith.select %and3A_202, %add3A_385, %select_n3A_380 : vector<16xf32>
        %select_n3A_387 = arith.select %and3A_216, %broadcast_in_dim3A_60, %scan3A_193 : vector<16xf32>
        %get3A_388 = arith.index_cast %scan3A_180 : i32 to index
        %get3A_389 = arith.constant 144 : index
        %get3A_390 = tpu.vector_load %arg15[%get3A_388, %get3A_389] {strides = array<i32>} : memref<64x256xf32, #tpu.memory_space<vmem>>, vector<16xf32>,
        %mul3A_391 = arith.mulf %broadcast_in_dim3A_290, %get3A_390 : vector<16xf32>
        %add3A_392 = arith.addf %select_n3A_387, %mul3A_391 : vector<16xf32>
        %select_n3A_393 = arith.select %and3A_202, %add3A_392, %select_n3A_387 : vector<16xf32>
        %select_n3A_394 = arith.select %and3A_216, %broadcast_in_dim3A_60, %scan3A_194 : vector<16xf32>
        %get3A_395 = arith.index_cast %scan3A_180 : i32 to index
        %get3A_396 = arith.constant 160 : index
        %get3A_397 = tpu.vector_load %arg15[%get3A_395, %get3A_396] {strides = array<i32>} : memref<64x256xf32, #tpu.memory_space<vmem>>, vector<16xf32>,
        %mul3A_398 = arith.mulf %broadcast_in_dim3A_301, %get3A_397 : vector<16xf32>
        %add3A_399 = arith.addf %select_n3A_394, %mul3A_398 : vector<16xf32>
        %select_n3A_400 = arith.select %and3A_202, %add3A_399, %select_n3A_394 : vector<16xf32>
        %select_n3A_401 = arith.select %and3A_216, %broadcast_in_dim3A_60, %scan3A_195 : vector<16xf32>
        %get3A_402 = arith.index_cast %scan3A_180 : i32 to index
        %get3A_403 = arith.constant 176 : index
        %get3A_404 = tpu.vector_load %arg15[%get3A_402, %get3A_403] {strides = array<i32>} : memref<64x256xf32, #tpu.memory_space<vmem>>, vector<16xf32>,
        %mul3A_405 = arith.mulf %broadcast_in_dim3A_301, %get3A_404 : vector<16xf32>
        %add3A_406 = arith.addf %select_n3A_401, %mul3A_405 : vector<16xf32>
        %select_n3A_407 = arith.select %and3A_202, %add3A_406, %select_n3A_401 : vector<16xf32>
        %select_n3A_408 = arith.select %and3A_216, %broadcast_in_dim3A_60, %scan3A_196 : vector<16xf32>
        %get3A_409 = arith.index_cast %scan3A_180 : i32 to index
        %get3A_410 = arith.constant 192 : index
        %get3A_411 = tpu.vector_load %arg15[%get3A_409, %get3A_410] {strides = array<i32>} : memref<64x256xf32, #tpu.memory_space<vmem>>, vector<16xf32>,
        %mul3A_412 = arith.mulf %broadcast_in_dim3A_312, %get3A_411 : vector<16xf32>
        %add3A_413 = arith.addf %select_n3A_408, %mul3A_412 : vector<16xf32>
        %select_n3A_414 = arith.select %and3A_202, %add3A_413, %select_n3A_408 : vector<16xf32>
        %select_n3A_415 = arith.select %and3A_216, %broadcast_in_dim3A_60, %scan3A_197 : vector<16xf32>
        %get3A_416 = arith.index_cast %scan3A_180 : i32 to index
        %get3A_417 = arith.constant 208 : index
        %get3A_418 = tpu.vector_load %arg15[%get3A_416, %get3A_417] {strides = array<i32>} : memref<64x256xf32, #tpu.memory_space<vmem>>, vector<16xf32>,
        %mul3A_419 = arith.mulf %broadcast_in_dim3A_312, %get3A_418 : vector<16xf32>
        %add3A_420 = arith.addf %select_n3A_415, %mul3A_419 : vector<16xf32>
        %select_n3A_421 = arith.select %and3A_202, %add3A_420, %select_n3A_415 : vector<16xf32>
        %select_n3A_422 = arith.select %and3A_216, %broadcast_in_dim3A_60, %scan3A_198 : vector<16xf32>
        %get3A_423 = arith.index_cast %scan3A_180 : i32 to index
        %get3A_424 = arith.constant 224 : index
        %get3A_425 = tpu.vector_load %arg15[%get3A_423, %get3A_424] {strides = array<i32>} : memref<64x256xf32, #tpu.memory_space<vmem>>, vector<16xf32>,
        %mul3A_426 = arith.mulf %broadcast_in_dim3A_323, %get3A_425 : vector<16xf32>
        %add3A_427 = arith.addf %select_n3A_422, %mul3A_426 : vector<16xf32>
        %select_n3A_428 = arith.select %and3A_202, %add3A_427, %select_n3A_422 : vector<16xf32>
        %select_n3A_429 = arith.select %and3A_216, %broadcast_in_dim3A_60, %scan3A_199 : vector<16xf32>
        %get3A_430 = arith.index_cast %scan3A_180 : i32 to index
        %get3A_431 = arith.constant 240 : index
        %get3A_432 = tpu.vector_load %arg15[%get3A_430, %get3A_431] {strides = array<i32>} : memref<64x256xf32, #tpu.memory_space<vmem>>, vector<16xf32>,
        %mul3A_433 = arith.mulf %broadcast_in_dim3A_323, %get3A_432 : vector<16xf32>
        %add3A_434 = arith.addf %select_n3A_429, %mul3A_433 : vector<16xf32>
        %select_n3A_435 = arith.select %and3A_202, %add3A_434, %select_n3A_429 : vector<16xf32>
        %select_n3A_436 = arith.select %and3A_202, %sub3A_207, %scan3A_181 : i32
        scf.yield %select_n3A_436, %select_n3A_227, %select_n3A_235, %select_n3A_330, %select_n3A_337, %select_n3A_344, %select_n3A_351, %select_n3A_358, %select_n3A_365, %select_n3A_372, %select_n3A_379, %select_n3A_386, %select_n3A_393, %select_n3A_400, %select_n3A_407, %select_n3A_414, %select_n3A_421, %select_n3A_428, %select_n3A_435 : i32, vector<16xf32>, vector<16xf32>, vector<16xf32>, vector<16xf32>, vector<16xf32>, vector<16xf32>, vector<16xf32>, vector<16xf32>, vector<16xf32>, vector<16xf32>, vector<16xf32>, vector<16xf32>, vector<16xf32>, vector<16xf32>, vector<16xf32>, vector<16xf32>, vector<16xf32>, vector<16xf32>
      }
      %scan3A_179 = arith.constant 64 : i32
      scf.yield %scan3A_178#0, %scan3A_178#1, %scan3A_178#2, %scan3A_178#3, %scan3A_178#4, %scan3A_178#5, %scan3A_178#6, %scan3A_178#7, %scan3A_178#8, %scan3A_178#9, %scan3A_178#10, %scan3A_178#11, %scan3A_178#12, %scan3A_178#13, %scan3A_178#14, %scan3A_178#15, %scan3A_178#16, %scan3A_178#17, %scan3A_178#18 : i32, vector<16xf32>, vector<16xf32>, vector<16xf32>, vector<16xf32>, vector<16xf32>, vector<16xf32>, vector<16xf32>, vector<16xf32>, vector<16xf32>, vector<16xf32>, vector<16xf32>, vector<16xf32>, vector<16xf32>, vector<16xf32>, vector<16xf32>, vector<16xf32>, vector<16xf32>, vector<16xf32>
    }
    %ge3A_110 = arith.constant 0 : i32
    %ge3A_111 = arith.cmpi sge, %while3A_109#0, %ge3A_110 : i32
    %convert_element_type3A_112 = arith.extui %ge3A_111 : i1 to i32
    %cond3A_113 = arith.constant 0 : i32
    %cond3A_114 = arith.cmpi ne, %convert_element_type3A_112, %cond3A_113 : i32
    scf.if %cond3A_114 {
      %swap3A = arith.index_cast %while3A_109#0 : i32 to index
      %swap3A_145 = arith.constant 0 : index
      %swap3A_146 = tpu.vector_load %arg19[%swap3A, %swap3A_145] {strides = array<i32>} : memref<320x256xf32, #tpu.memory_space<vmem>>, vector<16xf32>,
      tpu.vector_store %arg19[%swap3A, %swap3A_145], %while3A_109#3 {strides = array<i32>} : memref<320x256xf32, #tpu.memory_space<vmem>>, vector<16xf32>,
      %swap3A_147 = arith.index_cast %while3A_109#0 : i32 to index
      %swap3A_148 = arith.constant 16 : index
      %swap3A_149 = tpu.vector_load %arg19[%swap3A_147, %swap3A_148] {strides = array<i32>} : memref<320x256xf32, #tpu.memory_space<vmem>>, vector<16xf32>,
      tpu.vector_store %arg19[%swap3A_147, %swap3A_148], %while3A_109#4 {strides = array<i32>} : memref<320x256xf32, #tpu.memory_space<vmem>>, vector<16xf32>,
      %swap3A_150 = arith.index_cast %while3A_109#0 : i32 to index
      %swap3A_151 = arith.constant 32 : index
      %swap3A_152 = tpu.vector_load %arg19[%swap3A_150, %swap3A_151] {strides = array<i32>} : memref<320x256xf32, #tpu.memory_space<vmem>>, vector<16xf32>,
      tpu.vector_store %arg19[%swap3A_150, %swap3A_151], %while3A_109#5 {strides = array<i32>} : memref<320x256xf32, #tpu.memory_space<vmem>>, vector<16xf32>,
      %swap3A_153 = arith.index_cast %while3A_109#0 : i32 to index
      %swap3A_154 = arith.constant 48 : index
      %swap3A_155 = tpu.vector_load %arg19[%swap3A_153, %swap3A_154] {strides = array<i32>} : memref<320x256xf32, #tpu.memory_space<vmem>>, vector<16xf32>,
      tpu.vector_store %arg19[%swap3A_153, %swap3A_154], %while3A_109#6 {strides = array<i32>} : memref<320x256xf32, #tpu.memory_space<vmem>>, vector<16xf32>,
      %swap3A_156 = arith.index_cast %while3A_109#0 : i32 to index
      %swap3A_157 = arith.constant 64 : index
      %swap3A_158 = tpu.vector_load %arg19[%swap3A_156, %swap3A_157] {strides = array<i32>} : memref<320x256xf32, #tpu.memory_space<vmem>>, vector<16xf32>,
      tpu.vector_store %arg19[%swap3A_156, %swap3A_157], %while3A_109#7 {strides = array<i32>} : memref<320x256xf32, #tpu.memory_space<vmem>>, vector<16xf32>,
      %swap3A_159 = arith.index_cast %while3A_109#0 : i32 to index
      %swap3A_160 = arith.constant 80 : index
      %swap3A_161 = tpu.vector_load %arg19[%swap3A_159, %swap3A_160] {strides = array<i32>} : memref<320x256xf32, #tpu.memory_space<vmem>>, vector<16xf32>,
      tpu.vector_store %arg19[%swap3A_159, %swap3A_160], %while3A_109#8 {strides = array<i32>} : memref<320x256xf32, #tpu.memory_space<vmem>>, vector<16xf32>,
      %swap3A_162 = arith.index_cast %while3A_109#0 : i32 to index
      %swap3A_163 = arith.constant 96 : index
      %swap3A_164 = tpu.vector_load %arg19[%swap3A_162, %swap3A_163] {strides = array<i32>} : memref<320x256xf32, #tpu.memory_space<vmem>>, vector<16xf32>,
      tpu.vector_store %arg19[%swap3A_162, %swap3A_163], %while3A_109#9 {strides = array<i32>} : memref<320x256xf32, #tpu.memory_space<vmem>>, vector<16xf32>,
      %swap3A_165 = arith.index_cast %while3A_109#0 : i32 to index
      %swap3A_166 = arith.constant 112 : index
      %swap3A_167 = tpu.vector_load %arg19[%swap3A_165, %swap3A_166] {strides = array<i32>} : memref<320x256xf32, #tpu.memory_space<vmem>>, vector<16xf32>,
      tpu.vector_store %arg19[%swap3A_165, %swap3A_166], %while3A_109#10 {strides = array<i32>} : memref<320x256xf32, #tpu.memory_space<vmem>>, vector<16xf32>,
      %swap3A_168 = arith.index_cast %while3A_109#0 : i32 to index
      %swap3A_169 = arith.constant 128 : index
      %swap3A_170 = tpu.vector_load %arg19[%swap3A_168, %swap3A_169] {strides = array<i32>} : memref<320x256xf32, #tpu.memory_space<vmem>>, vector<16xf32>,
      tpu.vector_store %arg19[%swap3A_168, %swap3A_169], %while3A_109#11 {strides = array<i32>} : memref<320x256xf32, #tpu.memory_space<vmem>>, vector<16xf32>,
      %swap3A_171 = arith.index_cast %while3A_109#0 : i32 to index
      %swap3A_172 = arith.constant 144 : index
      %swap3A_173 = tpu.vector_load %arg19[%swap3A_171, %swap3A_172] {strides = array<i32>} : memref<320x256xf32, #tpu.memory_space<vmem>>, vector<16xf32>,
      tpu.vector_store %arg19[%swap3A_171, %swap3A_172], %while3A_109#12 {strides = array<i32>} : memref<320x256xf32, #tpu.memory_space<vmem>>, vector<16xf32>,
      %swap3A_174 = arith.index_cast %while3A_109#0 : i32 to index
      %swap3A_175 = arith.constant 160 : index
      %swap3A_176 = tpu.vector_load %arg19[%swap3A_174, %swap3A_175] {strides = array<i32>} : memref<320x256xf32, #tpu.memory_space<vmem>>, vector<16xf32>,
      tpu.vector_store %arg19[%swap3A_174, %swap3A_175], %while3A_109#13 {strides = array<i32>} : memref<320x256xf32, #tpu.memory_space<vmem>>, vector<16xf32>,
      %swap3A_177 = arith.index_cast %while3A_109#0 : i32 to index
      %swap3A_178 = arith.constant 176 : index
      %swap3A_179 = tpu.vector_load %arg19[%swap3A_177, %swap3A_178] {strides = array<i32>} : memref<320x256xf32, #tpu.memory_space<vmem>>, vector<16xf32>,
      tpu.vector_store %arg19[%swap3A_177, %swap3A_178], %while3A_109#14 {strides = array<i32>} : memref<320x256xf32, #tpu.memory_space<vmem>>, vector<16xf32>,
      %swap3A_180 = arith.index_cast %while3A_109#0 : i32 to index
      %swap3A_181 = arith.constant 192 : index
      %swap3A_182 = tpu.vector_load %arg19[%swap3A_180, %swap3A_181] {strides = array<i32>} : memref<320x256xf32, #tpu.memory_space<vmem>>, vector<16xf32>,
      tpu.vector_store %arg19[%swap3A_180, %swap3A_181], %while3A_109#15 {strides = array<i32>} : memref<320x256xf32, #tpu.memory_space<vmem>>, vector<16xf32>,
      %swap3A_183 = arith.index_cast %while3A_109#0 : i32 to index
      %swap3A_184 = arith.constant 208 : index
      %swap3A_185 = tpu.vector_load %arg19[%swap3A_183, %swap3A_184] {strides = array<i32>} : memref<320x256xf32, #tpu.memory_space<vmem>>, vector<16xf32>,
      tpu.vector_store %arg19[%swap3A_183, %swap3A_184], %while3A_109#16 {strides = array<i32>} : memref<320x256xf32, #tpu.memory_space<vmem>>, vector<16xf32>,
      %swap3A_186 = arith.index_cast %while3A_109#0 : i32 to index
      %swap3A_187 = arith.constant 224 : index
      %swap3A_188 = tpu.vector_load %arg19[%swap3A_186, %swap3A_187] {strides = array<i32>} : memref<320x256xf32, #tpu.memory_space<vmem>>, vector<16xf32>,
      tpu.vector_store %arg19[%swap3A_186, %swap3A_187], %while3A_109#17 {strides = array<i32>} : memref<320x256xf32, #tpu.memory_space<vmem>>, vector<16xf32>,
      %swap3A_189 = arith.index_cast %while3A_109#0 : i32 to index
      %swap3A_190 = arith.constant 240 : index
      %swap3A_191 = tpu.vector_load %arg19[%swap3A_189, %swap3A_190] {strides = array<i32>} : memref<320x256xf32, #tpu.memory_space<vmem>>, vector<16xf32>,
      tpu.vector_store %arg19[%swap3A_189, %swap3A_190], %while3A_109#18 {strides = array<i32>} : memref<320x256xf32, #tpu.memory_space<vmem>>, vector<16xf32>,
    } else {
    }
    %add3A_115 = arith.constant 0 : i32
    %add3A_116 = arith.addi %mul3A_9, %add3A_115 : i32
    %sub3A_117 = arith.constant 64 : i32
    %sub3A_118 = arith.subi %min3A_12, %sub3A_117 : i32
    %min3A_119 = arith.minsi %add3A_116, %sub3A_118 : i32
    %sub3A_120 = arith.subi %min3A_119, %mul3A_9 : i32
    "tpu.region"() ({
      %run_scoped3A = tpu.sem_alloc : memref<!tpu.dma_semaphore, #tpu.memory_space<semaphore_mem>>
      %dma_start3A = arith.constant 0 : i32
      %dma_start3A_145 = tpu.memref_slice %arg19[%sub3A_120, %dma_start3A] : memref<320x256xf32, #tpu.memory_space<vmem>> -> memref<64x256xf32, #tpu.memory_space<vmem>>
      %dma_start3A_146 = arith.constant 0 : i32
      %dma_start3A_147 = tpu.memref_slice %arg8[%min3A_119, %dma_start3A_146] : memref<10000x256xf32, #tpu.memory_space<hbm>> -> memref<64x256xf32, #tpu.memory_space<hbm>>
      %dma_start3A_148 = arith.constant 0 : i32
      %dma_start3A_149 = tpu.memref_slice %arg8[%min3A_119, %dma_start3A_148] : memref<10000x256xf32, #tpu.memory_space<hbm>> -> memref<64x256xf32, #tpu.memory_space<hbm>>
      %dma_start3A_150 = arith.constant 0 : i32
      %dma_start3A_151 = tpu.memref_slice %arg19[%sub3A_120, %dma_start3A_150] : memref<320x256xf32, #tpu.memory_space<vmem>> -> memref<64x256xf32, #tpu.memory_space<vmem>>
      tpu.enqueue_dma source(%dma_start3A_151 : memref<64x256xf32, #tpu.memory_space<vmem>>) target(%dma_start3A_149 : memref<64x256xf32, #tpu.memory_space<hbm>>) target_semaphore(%run_scoped3A : memref<!tpu.dma_semaphore, #tpu.memory_space<semaphore_mem>>)
      %dma_wait3A = arith.constant 0 : i32
      %dma_wait3A_152 = tpu.memref_slice %arg19[%sub3A_120, %dma_wait3A] : memref<320x256xf32, #tpu.memory_space<vmem>> -> memref<64x256xf32, #tpu.memory_space<vmem>>
      %dma_wait3A_153 = arith.constant 0 : i32
      %dma_wait3A_154 = tpu.memref_slice %arg8[%min3A_119, %dma_wait3A_153] : memref<10000x256xf32, #tpu.memory_space<hbm>> -> memref<64x256xf32, #tpu.memory_space<hbm>>
      %dma_wait3A_155 = arith.constant 0 : i32
      %dma_wait3A_156 = tpu.memref_slice %arg8[%min3A_119, %dma_wait3A_155] : memref<10000x256xf32, #tpu.memory_space<hbm>> -> memref<64x256xf32, #tpu.memory_space<hbm>>
      %dma_wait3A_157 = arith.constant 0 : i32
      %dma_wait3A_158 = tpu.memref_slice %arg19[%sub3A_120, %dma_wait3A_157] : memref<320x256xf32, #tpu.memory_space<vmem>> -> memref<64x256xf32, #tpu.memory_space<vmem>>
      tpu.wait_dma2 semaphore(%run_scoped3A : memref<!tpu.dma_semaphore, #tpu.memory_space<semaphore_mem>>) src(%dma_wait3A_158 : memref<64x256xf32, #tpu.memory_space<vmem>>) dst(%dma_wait3A_156 : memref<64x256xf32, #tpu.memory_space<hbm>>)
      tpu.yield
    }) : () -> ()
    %add3A_121 = arith.constant 64 : i32
    %add3A_122 = arith.addi %mul3A_9, %add3A_121 : i32
    %sub3A_123 = arith.constant 64 : i32
    %sub3A_124 = arith.subi %min3A_12, %sub3A_123 : i32
    %min3A_125 = arith.minsi %add3A_122, %sub3A_124 : i32
    %sub3A_126 = arith.subi %min3A_125, %mul3A_9 : i32
    "tpu.region"() ({
      %run_scoped3A = tpu.sem_alloc : memref<!tpu.dma_semaphore, #tpu.memory_space<semaphore_mem>>
      %dma_start3A = arith.constant 0 : i32
      %dma_start3A_145 = tpu.memref_slice %arg19[%sub3A_126, %dma_start3A] : memref<320x256xf32, #tpu.memory_space<vmem>> -> memref<64x256xf32, #tpu.memory_space<vmem>>
      %dma_start3A_146 = arith.constant 0 : i32
      %dma_start3A_147 = tpu.memref_slice %arg8[%min3A_125, %dma_start3A_146] : memref<10000x256xf32, #tpu.memory_space<hbm>> -> memref<64x256xf32, #tpu.memory_space<hbm>>
      %dma_start3A_148 = arith.constant 0 : i32
      %dma_start3A_149 = tpu.memref_slice %arg8[%min3A_125, %dma_start3A_148] : memref<10000x256xf32, #tpu.memory_space<hbm>> -> memref<64x256xf32, #tpu.memory_space<hbm>>
      %dma_start3A_150 = arith.constant 0 : i32
      %dma_start3A_151 = tpu.memref_slice %arg19[%sub3A_126, %dma_start3A_150] : memref<320x256xf32, #tpu.memory_space<vmem>> -> memref<64x256xf32, #tpu.memory_space<vmem>>
      tpu.enqueue_dma source(%dma_start3A_151 : memref<64x256xf32, #tpu.memory_space<vmem>>) target(%dma_start3A_149 : memref<64x256xf32, #tpu.memory_space<hbm>>) target_semaphore(%run_scoped3A : memref<!tpu.dma_semaphore, #tpu.memory_space<semaphore_mem>>)
      %dma_wait3A = arith.constant 0 : i32
      %dma_wait3A_152 = tpu.memref_slice %arg19[%sub3A_126, %dma_wait3A] : memref<320x256xf32, #tpu.memory_space<vmem>> -> memref<64x256xf32, #tpu.memory_space<vmem>>
      %dma_wait3A_153 = arith.constant 0 : i32
      %dma_wait3A_154 = tpu.memref_slice %arg8[%min3A_125, %dma_wait3A_153] : memref<10000x256xf32, #tpu.memory_space<hbm>> -> memref<64x256xf32, #tpu.memory_space<hbm>>
      %dma_wait3A_155 = arith.constant 0 : i32
      %dma_wait3A_156 = tpu.memref_slice %arg8[%min3A_125, %dma_wait3A_155] : memref<10000x256xf32, #tpu.memory_space<hbm>> -> memref<64x256xf32, #tpu.memory_space<hbm>>
      %dma_wait3A_157 = arith.constant 0 : i32
      %dma_wait3A_158 = tpu.memref_slice %arg19[%sub3A_126, %dma_wait3A_157] : memref<320x256xf32, #tpu.memory_space<vmem>> -> memref<64x256xf32, #tpu.memory_space<vmem>>
      tpu.wait_dma2 semaphore(%run_scoped3A : memref<!tpu.dma_semaphore, #tpu.memory_space<semaphore_mem>>) src(%dma_wait3A_158 : memref<64x256xf32, #tpu.memory_space<vmem>>) dst(%dma_wait3A_156 : memref<64x256xf32, #tpu.memory_space<hbm>>)
      tpu.yield
    }) : () -> ()
    %add3A_127 = arith.constant 128 : i32
    %add3A_128 = arith.addi %mul3A_9, %add3A_127 : i32
    %sub3A_129 = arith.constant 64 : i32
    %sub3A_130 = arith.subi %min3A_12, %sub3A_129 : i32
    %min3A_131 = arith.minsi %add3A_128, %sub3A_130 : i32
    %sub3A_132 = arith.subi %min3A_131, %mul3A_9 : i32
    "tpu.region"() ({
      %run_scoped3A = tpu.sem_alloc : memref<!tpu.dma_semaphore, #tpu.memory_space<semaphore_mem>>
      %dma_start3A = arith.constant 0 : i32
      %dma_start3A_145 = tpu.memref_slice %arg19[%sub3A_132, %dma_start3A] : memref<320x256xf32, #tpu.memory_space<vmem>> -> memref<64x256xf32, #tpu.memory_space<vmem>>
      %dma_start3A_146 = arith.constant 0 : i32
      %dma_start3A_147 = tpu.memref_slice %arg8[%min3A_131, %dma_start3A_146] : memref<10000x256xf32, #tpu.memory_space<hbm>> -> memref<64x256xf32, #tpu.memory_space<hbm>>
      %dma_start3A_148 = arith.constant 0 : i32
      %dma_start3A_149 = tpu.memref_slice %arg8[%min3A_131, %dma_start3A_148] : memref<10000x256xf32, #tpu.memory_space<hbm>> -> memref<64x256xf32, #tpu.memory_space<hbm>>
      %dma_start3A_150 = arith.constant 0 : i32
      %dma_start3A_151 = tpu.memref_slice %arg19[%sub3A_132, %dma_start3A_150] : memref<320x256xf32, #tpu.memory_space<vmem>> -> memref<64x256xf32, #tpu.memory_space<vmem>>
      tpu.enqueue_dma source(%dma_start3A_151 : memref<64x256xf32, #tpu.memory_space<vmem>>) target(%dma_start3A_149 : memref<64x256xf32, #tpu.memory_space<hbm>>) target_semaphore(%run_scoped3A : memref<!tpu.dma_semaphore, #tpu.memory_space<semaphore_mem>>)
      %dma_wait3A = arith.constant 0 : i32
      %dma_wait3A_152 = tpu.memref_slice %arg19[%sub3A_132, %dma_wait3A] : memref<320x256xf32, #tpu.memory_space<vmem>> -> memref<64x256xf32, #tpu.memory_space<vmem>>
      %dma_wait3A_153 = arith.constant 0 : i32
      %dma_wait3A_154 = tpu.memref_slice %arg8[%min3A_131, %dma_wait3A_153] : memref<10000x256xf32, #tpu.memory_space<hbm>> -> memref<64x256xf32, #tpu.memory_space<hbm>>
      %dma_wait3A_155 = arith.constant 0 : i32
      %dma_wait3A_156 = tpu.memref_slice %arg8[%min3A_131, %dma_wait3A_155] : memref<10000x256xf32, #tpu.memory_space<hbm>> -> memref<64x256xf32, #tpu.memory_space<hbm>>
      %dma_wait3A_157 = arith.constant 0 : i32
      %dma_wait3A_158 = tpu.memref_slice %arg19[%sub3A_132, %dma_wait3A_157] : memref<320x256xf32, #tpu.memory_space<vmem>> -> memref<64x256xf32, #tpu.memory_space<vmem>>
      tpu.wait_dma2 semaphore(%run_scoped3A : memref<!tpu.dma_semaphore, #tpu.memory_space<semaphore_mem>>) src(%dma_wait3A_158 : memref<64x256xf32, #tpu.memory_space<vmem>>) dst(%dma_wait3A_156 : memref<64x256xf32, #tpu.memory_space<hbm>>)
      tpu.yield
    }) : () -> ()
    %add3A_133 = arith.constant 192 : i32
    %add3A_134 = arith.addi %mul3A_9, %add3A_133 : i32
    %sub3A_135 = arith.constant 64 : i32
    %sub3A_136 = arith.subi %min3A_12, %sub3A_135 : i32
    %min3A_137 = arith.minsi %add3A_134, %sub3A_136 : i32
    %sub3A_138 = arith.subi %min3A_137, %mul3A_9 : i32
    "tpu.region"() ({
      %run_scoped3A = tpu.sem_alloc : memref<!tpu.dma_semaphore, #tpu.memory_space<semaphore_mem>>
      %dma_start3A = arith.constant 0 : i32
      %dma_start3A_145 = tpu.memref_slice %arg19[%sub3A_138, %dma_start3A] : memref<320x256xf32, #tpu.memory_space<vmem>> -> memref<64x256xf32, #tpu.memory_space<vmem>>
      %dma_start3A_146 = arith.constant 0 : i32
      %dma_start3A_147 = tpu.memref_slice %arg8[%min3A_137, %dma_start3A_146] : memref<10000x256xf32, #tpu.memory_space<hbm>> -> memref<64x256xf32, #tpu.memory_space<hbm>>
      %dma_start3A_148 = arith.constant 0 : i32
      %dma_start3A_149 = tpu.memref_slice %arg8[%min3A_137, %dma_start3A_148] : memref<10000x256xf32, #tpu.memory_space<hbm>> -> memref<64x256xf32, #tpu.memory_space<hbm>>
      %dma_start3A_150 = arith.constant 0 : i32
      %dma_start3A_151 = tpu.memref_slice %arg19[%sub3A_138, %dma_start3A_150] : memref<320x256xf32, #tpu.memory_space<vmem>> -> memref<64x256xf32, #tpu.memory_space<vmem>>
      tpu.enqueue_dma source(%dma_start3A_151 : memref<64x256xf32, #tpu.memory_space<vmem>>) target(%dma_start3A_149 : memref<64x256xf32, #tpu.memory_space<hbm>>) target_semaphore(%run_scoped3A : memref<!tpu.dma_semaphore, #tpu.memory_space<semaphore_mem>>)
      %dma_wait3A = arith.constant 0 : i32
      %dma_wait3A_152 = tpu.memref_slice %arg19[%sub3A_138, %dma_wait3A] : memref<320x256xf32, #tpu.memory_space<vmem>> -> memref<64x256xf32, #tpu.memory_space<vmem>>
      %dma_wait3A_153 = arith.constant 0 : i32
      %dma_wait3A_154 = tpu.memref_slice %arg8[%min3A_137, %dma_wait3A_153] : memref<10000x256xf32, #tpu.memory_space<hbm>> -> memref<64x256xf32, #tpu.memory_space<hbm>>
      %dma_wait3A_155 = arith.constant 0 : i32
      %dma_wait3A_156 = tpu.memref_slice %arg8[%min3A_137, %dma_wait3A_155] : memref<10000x256xf32, #tpu.memory_space<hbm>> -> memref<64x256xf32, #tpu.memory_space<hbm>>
      %dma_wait3A_157 = arith.constant 0 : i32
      %dma_wait3A_158 = tpu.memref_slice %arg19[%sub3A_138, %dma_wait3A_157] : memref<320x256xf32, #tpu.memory_space<vmem>> -> memref<64x256xf32, #tpu.memory_space<vmem>>
      tpu.wait_dma2 semaphore(%run_scoped3A : memref<!tpu.dma_semaphore, #tpu.memory_space<semaphore_mem>>) src(%dma_wait3A_158 : memref<64x256xf32, #tpu.memory_space<vmem>>) dst(%dma_wait3A_156 : memref<64x256xf32, #tpu.memory_space<hbm>>)
      tpu.yield
    }) : () -> ()
    %add3A_139 = arith.constant 256 : i32
    %add3A_140 = arith.addi %mul3A_9, %add3A_139 : i32
    %sub3A_141 = arith.constant 64 : i32
    %sub3A_142 = arith.subi %min3A_12, %sub3A_141 : i32
    %min3A_143 = arith.minsi %add3A_140, %sub3A_142 : i32
    %sub3A_144 = arith.subi %min3A_143, %mul3A_9 : i32
    "tpu.region"() ({
      %run_scoped3A = tpu.sem_alloc : memref<!tpu.dma_semaphore, #tpu.memory_space<semaphore_mem>>
      %dma_start3A = arith.constant 0 : i32
      %dma_start3A_145 = tpu.memref_slice %arg19[%sub3A_144, %dma_start3A] : memref<320x256xf32, #tpu.memory_space<vmem>> -> memref<64x256xf32, #tpu.memory_space<vmem>>
      %dma_start3A_146 = arith.constant 0 : i32
      %dma_start3A_147 = tpu.memref_slice %arg8[%min3A_143, %dma_start3A_146] : memref<10000x256xf32, #tpu.memory_space<hbm>> -> memref<64x256xf32, #tpu.memory_space<hbm>>
      %dma_start3A_148 = arith.constant 0 : i32
      %dma_start3A_149 = tpu.memref_slice %arg8[%min3A_143, %dma_start3A_148] : memref<10000x256xf32, #tpu.memory_space<hbm>> -> memref<64x256xf32, #tpu.memory_space<hbm>>
      %dma_start3A_150 = arith.constant 0 : i32
      %dma_start3A_151 = tpu.memref_slice %arg19[%sub3A_144, %dma_start3A_150] : memref<320x256xf32, #tpu.memory_space<vmem>> -> memref<64x256xf32, #tpu.memory_space<vmem>>
      tpu.enqueue_dma source(%dma_start3A_151 : memref<64x256xf32, #tpu.memory_space<vmem>>) target(%dma_start3A_149 : memref<64x256xf32, #tpu.memory_space<hbm>>) target_semaphore(%run_scoped3A : memref<!tpu.dma_semaphore, #tpu.memory_space<semaphore_mem>>)
      %dma_wait3A = arith.constant 0 : i32
      %dma_wait3A_152 = tpu.memref_slice %arg19[%sub3A_144, %dma_wait3A] : memref<320x256xf32, #tpu.memory_space<vmem>> -> memref<64x256xf32, #tpu.memory_space<vmem>>
      %dma_wait3A_153 = arith.constant 0 : i32
      %dma_wait3A_154 = tpu.memref_slice %arg8[%min3A_143, %dma_wait3A_153] : memref<10000x256xf32, #tpu.memory_space<hbm>> -> memref<64x256xf32, #tpu.memory_space<hbm>>
      %dma_wait3A_155 = arith.constant 0 : i32
      %dma_wait3A_156 = tpu.memref_slice %arg8[%min3A_143, %dma_wait3A_155] : memref<10000x256xf32, #tpu.memory_space<hbm>> -> memref<64x256xf32, #tpu.memory_space<hbm>>
      %dma_wait3A_157 = arith.constant 0 : i32
      %dma_wait3A_158 = tpu.memref_slice %arg19[%sub3A_144, %dma_wait3A_157] : memref<320x256xf32, #tpu.memory_space<vmem>> -> memref<64x256xf32, #tpu.memory_space<vmem>>
      tpu.wait_dma2 semaphore(%run_scoped3A : memref<!tpu.dma_semaphore, #tpu.memory_space<semaphore_mem>>) src(%dma_wait3A_158 : memref<64x256xf32, #tpu.memory_space<vmem>>) dst(%dma_wait3A_156 : memref<64x256xf32, #tpu.memory_space<hbm>>)
      tpu.yield
    }) : () -> ()
    return
  }
}

module attributes {stable_mosaic.version = 14 : i64} {
  func.func @body(%arg0: i32, %arg1: memref<1000x256xf32, #tpu.memory_space<vmem>>, %arg2: memref<1000x256xf32, #tpu.memory_space<vmem>>, %arg3: memref<256x256xf32, #tpu.memory_space<vmem>>, %arg4: memref<1000x256xf32, #tpu.memory_space<vmem>>) attributes {dimension_semantics = [#tpu.dimension_semantics<arbitrary>], iteration_bounds = array<i64: 10>, scalar_prefetch = 0 : i64, scratch_operands = 0 : i64, tpu.core_type = #tpu.core_type<tc>, window_params = [{transform_indices = @transform_0, window_bounds = array<i64: 1000, 256>}, {transform_indices = @transform_1, window_bounds = array<i64: 1000, 256>}, {pipeline_mode = #tpu.pipeline_mode<synchronous>, transform_indices = @transform_2, window_bounds = array<i64: 256, 256>}, {transform_indices = @transform_3, window_bounds = array<i64: 1000, 256>}]} {
    %get3A = arith.constant 0 : index
    %get3A_0 = arith.constant 0 : index
    %get3A_1 = vector.load %arg1[%get3A, %get3A_0] : memref<1000x256xf32, #tpu.memory_space<vmem>>, vector<1000x256xf32>
    %get3A_2 = arith.constant 0 : index
    %get3A_3 = arith.constant 0 : index
    %get3A_4 = vector.load %arg2[%get3A_2, %get3A_3] : memref<1000x256xf32, #tpu.memory_space<vmem>>, vector<1000x256xf32>
    %get3A_5 = arith.constant 0 : index
    %get3A_6 = arith.constant 0 : index
    %get3A_7 = vector.load %arg3[%get3A_5, %get3A_6] : memref<256x256xf32, #tpu.memory_space<vmem>>, vector<256x256xf32>
    %dot_general3A = arith.constant dense<0.000000e+00> : vector<1000x256xf32>
    %dot_general3A_8 = tpu.matmul %get3A_4, %get3A_7, %dot_general3A {dimension_numbers = #tpu.dot_dimension_numbers<[1], [0], [0], [1], [0, 0, 1, 1], [], []>, transpose_lhs_hint = false} : vector<1000x256xf32>, vector<256x256xf32>, vector<1000x256xf32> -> vector<1000x256xf32>
    %add3A = arith.addf %get3A_1, %dot_general3A_8 : vector<1000x256xf32>
    %swap3A = arith.constant 0 : index
    %swap3A_9 = arith.constant 0 : index
    %swap3A_10 = vector.load %arg4[%swap3A, %swap3A_9] : memref<1000x256xf32, #tpu.memory_space<vmem>>, vector<1000x256xf32>
    tpu.vector_store %arg4[%swap3A, %swap3A_9], %add3A {strides = array<i32>} : memref<1000x256xf32, #tpu.memory_space<vmem>>, vector<1000x256xf32>,
    return
  }
  func.func @transform_0(%arg0: i32) -> (i32, i32) {
    %c0_i32 = arith.constant 0 : i32
    %c0_i32_0 = arith.constant 0 : i32
    return %arg0, %c0_i32 : i32, i32
  }
  func.func @transform_1(%arg0: i32) -> (i32, i32) {
    %c0_i32 = arith.constant 0 : i32
    %c0_i32_0 = arith.constant 0 : i32
    return %arg0, %c0_i32 : i32, i32
  }
  func.func @transform_2(%arg0: i32) -> (i32, i32) {
    %c0_i32 = arith.constant 0 : i32
    %c0_i32_0 = arith.constant 0 : i32
    %c0_i32_1 = arith.constant 0 : i32
    return %c0_i32, %c0_i32_0 : i32, i32
  }
  func.func @transform_3(%arg0: i32) -> (i32, i32) {
    %c0_i32 = arith.constant 0 : i32
    %c0_i32_0 = arith.constant 0 : i32
    return %arg0, %c0_i32 : i32, i32
  }
}

module attributes {stable_mosaic.version = 14 : i64} {
  func.func @body(%arg0: i32, %arg1: memref<1000x256xf32, #tpu.memory_space<vmem>>, %arg2: memref<1000x256xf32, #tpu.memory_space<vmem>>, %arg3: memref<256x256xf32, #tpu.memory_space<vmem>>, %arg4: memref<256x256xf32, #tpu.memory_space<vmem>>, %arg5: memref<256x256xf32, #tpu.memory_space<vmem>>, %arg6: memref<1000x256xf32, #tpu.memory_space<vmem>>, %arg7: memref<1000x256xf32, #tpu.memory_space<vmem>>, %arg8: memref<1000x256xf32, #tpu.memory_space<vmem>>) attributes {dimension_semantics = [#tpu.dimension_semantics<arbitrary>], iteration_bounds = array<i64: 10>, scalar_prefetch = 0 : i64, scratch_operands = 0 : i64, tpu.core_type = #tpu.core_type<tc>, window_params = [{transform_indices = @transform_0, window_bounds = array<i64: 1000, 256>}, {transform_indices = @transform_1, window_bounds = array<i64: 1000, 256>}, {pipeline_mode = #tpu.pipeline_mode<synchronous>, transform_indices = @transform_2, window_bounds = array<i64: 256, 256>}, {pipeline_mode = #tpu.pipeline_mode<synchronous>, transform_indices = @transform_3, window_bounds = array<i64: 256, 256>}, {pipeline_mode = #tpu.pipeline_mode<synchronous>, transform_indices = @transform_4, window_bounds = array<i64: 256, 256>}, {transform_indices = @transform_5, window_bounds = array<i64: 1000, 256>}, {transform_indices = @transform_6, window_bounds = array<i64: 1000, 256>}, {transform_indices = @transform_7, window_bounds = array<i64: 1000, 256>}]} {
    %get3A = arith.constant 0 : index
    %get3A_0 = arith.constant 0 : index
    %get3A_1 = vector.load %arg1[%get3A, %get3A_0] : memref<1000x256xf32, #tpu.memory_space<vmem>>, vector<1000x256xf32>
    %get3A_2 = arith.constant 0 : index
    %get3A_3 = arith.constant 0 : index
    %get3A_4 = vector.load %arg3[%get3A_2, %get3A_3] : memref<256x256xf32, #tpu.memory_space<vmem>>, vector<256x256xf32>
    %dot_general3A = arith.constant dense<0.000000e+00> : vector<1000x256xf32>
    %dot_general3A_5 = tpu.matmul %get3A_1, %get3A_4, %dot_general3A {dimension_numbers = #tpu.dot_dimension_numbers<[1], [0], [0], [1], [0, 0, 1, 1], [], []>, transpose_lhs_hint = false} : vector<1000x256xf32>, vector<256x256xf32>, vector<1000x256xf32> -> vector<1000x256xf32>
    %swap3A = arith.constant 0 : index
    %swap3A_6 = arith.constant 0 : index
    %swap3A_7 = vector.load %arg6[%swap3A, %swap3A_6] : memref<1000x256xf32, #tpu.memory_space<vmem>>, vector<1000x256xf32>
    tpu.vector_store %arg6[%swap3A, %swap3A_6], %dot_general3A_5 {strides = array<i32>} : memref<1000x256xf32, #tpu.memory_space<vmem>>, vector<1000x256xf32>,
    %get3A_8 = arith.constant 0 : index
    %get3A_9 = arith.constant 0 : index
    %get3A_10 = vector.load %arg2[%get3A_8, %get3A_9] : memref<1000x256xf32, #tpu.memory_space<vmem>>, vector<1000x256xf32>
    %get3A_11 = arith.constant 0 : index
    %get3A_12 = arith.constant 0 : index
    %get3A_13 = vector.load %arg4[%get3A_11, %get3A_12] : memref<256x256xf32, #tpu.memory_space<vmem>>, vector<256x256xf32>
    %dot_general3A_14 = arith.constant dense<0.000000e+00> : vector<1000x256xf32>
    %dot_general3A_15 = tpu.matmul %get3A_10, %get3A_13, %dot_general3A_14 {dimension_numbers = #tpu.dot_dimension_numbers<[1], [0], [0], [1], [0, 0, 1, 1], [], []>, transpose_lhs_hint = false} : vector<1000x256xf32>, vector<256x256xf32>, vector<1000x256xf32> -> vector<1000x256xf32>
    %swap3A_16 = arith.constant 0 : index
    %swap3A_17 = arith.constant 0 : index
    %swap3A_18 = vector.load %arg7[%swap3A_16, %swap3A_17] : memref<1000x256xf32, #tpu.memory_space<vmem>>, vector<1000x256xf32>
    tpu.vector_store %arg7[%swap3A_16, %swap3A_17], %dot_general3A_15 {strides = array<i32>} : memref<1000x256xf32, #tpu.memory_space<vmem>>, vector<1000x256xf32>,
    %get3A_19 = arith.constant 0 : index
    %get3A_20 = arith.constant 0 : index
    %get3A_21 = vector.load %arg2[%get3A_19, %get3A_20] : memref<1000x256xf32, #tpu.memory_space<vmem>>, vector<1000x256xf32>
    %get3A_22 = arith.constant 0 : index
    %get3A_23 = arith.constant 0 : index
    %get3A_24 = vector.load %arg5[%get3A_22, %get3A_23] : memref<256x256xf32, #tpu.memory_space<vmem>>, vector<256x256xf32>
    %dot_general3A_25 = arith.constant dense<0.000000e+00> : vector<1000x256xf32>
    %dot_general3A_26 = tpu.matmul %get3A_21, %get3A_24, %dot_general3A_25 {dimension_numbers = #tpu.dot_dimension_numbers<[1], [0], [0], [1], [0, 0, 1, 1], [], []>, transpose_lhs_hint = false} : vector<1000x256xf32>, vector<256x256xf32>, vector<1000x256xf32> -> vector<1000x256xf32>
    %swap3A_27 = arith.constant 0 : index
    %swap3A_28 = arith.constant 0 : index
    %swap3A_29 = vector.load %arg8[%swap3A_27, %swap3A_28] : memref<1000x256xf32, #tpu.memory_space<vmem>>, vector<1000x256xf32>
    tpu.vector_store %arg8[%swap3A_27, %swap3A_28], %dot_general3A_26 {strides = array<i32>} : memref<1000x256xf32, #tpu.memory_space<vmem>>, vector<1000x256xf32>,
    return
  }
  func.func @transform_0(%arg0: i32) -> (i32, i32) {
    %c0_i32 = arith.constant 0 : i32
    %c0_i32_0 = arith.constant 0 : i32
    return %arg0, %c0_i32 : i32, i32
  }
  func.func @transform_1(%arg0: i32) -> (i32, i32) {
    %c0_i32 = arith.constant 0 : i32
    %c0_i32_0 = arith.constant 0 : i32
    return %arg0, %c0_i32 : i32, i32
  }
  func.func @transform_2(%arg0: i32) -> (i32, i32) {
    %c0_i32 = arith.constant 0 : i32
    %c0_i32_0 = arith.constant 0 : i32
    %c0_i32_1 = arith.constant 0 : i32
    return %c0_i32, %c0_i32_0 : i32, i32
  }
  func.func @transform_3(%arg0: i32) -> (i32, i32) {
    %c0_i32 = arith.constant 0 : i32
    %c0_i32_0 = arith.constant 0 : i32
    %c0_i32_1 = arith.constant 0 : i32
    return %c0_i32, %c0_i32_0 : i32, i32
  }
  func.func @transform_4(%arg0: i32) -> (i32, i32) {
    %c0_i32 = arith.constant 0 : i32
    %c0_i32_0 = arith.constant 0 : i32
    %c0_i32_1 = arith.constant 0 : i32
    return %c0_i32, %c0_i32_0 : i32, i32
  }
  func.func @transform_5(%arg0: i32) -> (i32, i32) {
    %c0_i32 = arith.constant 0 : i32
    %c0_i32_0 = arith.constant 0 : i32
    return %arg0, %c0_i32 : i32, i32
  }
  func.func @transform_6(%arg0: i32) -> (i32, i32) {
    %c0_i32 = arith.constant 0 : i32
    %c0_i32_0 = arith.constant 0 : i32
    return %arg0, %c0_i32 : i32, i32
  }
  func.func @transform_7(%arg0: i32) -> (i32, i32) {
    %c0_i32 = arith.constant 0 : i32
    %c0_i32_0 = arith.constant 0 : i32
    return %arg0, %c0_i32 : i32, i32
  }
}

</mosaic_0001>

<sc_bundles>
// kernel: kernel.5.cloned.1.call-start
scs
__scs_entry_jumppad:
0x0: {  	(pc) =	sbr.rel $0x88, $3  }
0x1: {  	(tag) =	ssettag $0x0;
	lr =	simm.s32 $0x1  }
0x2: {  	[smem:$0x3F99] =	sst lr;
	_ =	strace $0xD0000000  }
0x3: {  	_ = 	snop  }
0x4: {  	_ = 	snop  }
0x5: {  	_ = 	snop  }
0x6: {  	_ = 	snop  }
0x7: {  	_ = 	snop  }
__scs_overlays_trampoline_lowered:
0x8: {  	[smem:$0x3FA8] =	sst s0  }
0x9: {  	[smem:$0x3FA9] =	sst s1  }
0xa: {  	[smem:$0x3FAA] =	sst s2  }
0xb: {  	[smem:$0x3FAB] =	sst s3  }
0xc: {  	[smem:$0x3FAC] =	sst s4  }
0xd: {  	[smem:$0x3FAD] =	sst s5  }
0xe: {  	[smem:$0x3FAE] =	sst s6  }
0xf: {  	[smem:$0x3FAF] =	sst s7  }
0x10: {  	[smem:$0x3FB0] =	sst s8  }
0x11: {  	[smem:$0x3FB1] =	sst s9;
	s0 =	simm.s32 @!p0 $0x0  }
0x12: {  	s1 =	sld [smem:$0x3F97];
	s0 =	simm.s32 @p0 $0x1  }
0x13: {  	[smem:$0x3FB2] =	sst s0;
	s0 =	simm.s32 @!p1 $0x0  }
0x14: {  	s2 =	sld [smem:$0x3F96];
	s0 =	simm.s32 @p1 $0x1  }
0x15: {  	[smem:$0x3FB3] =	sst s0;
	s0 =	simm.s32 @!p2 $0x0  }
0x16: {  	s3 =	sld [smem:$0x3FDB];
	s0 =	simm.s32 @p2 $0x1  }
0x17: {  	s4 =	simm.s32 $0x1BF5;
	[smem:$0x3FB5] =	sst s0  }
0x18: {  	s0 =	sld [smem:$0x3F98];
	_ =	swait.ge [sflag:s4], $0x0  }
0x19: {  	s7 =	sld [smem:$0x3F99]  }
0x1a: {  	s8 =	sadd.s32 $0xFFFFE003, lr  }
0x1b: {  	s9 =	sadd.s32 $0xFFFFFEF7, lr;
	s5 =	simm.s32 $0xFFFFFFFF;
	p2 =	slt.u32 s8, $0xFFFFF086  }
0x1c: {  	p1 =	slt.u32 s9, $0xF7A;
	s5 =	simm.s32 @!p2 $0x0  }
0x1d: {  	s5 =	simm.s32 @p1 $0x1;
	p0 =	seq.s32 s7, s2  }
0x1e: {  	s7 =	smul.u32 @!p0 $0xF7A, s2;
	p2 =	seq.s32 @!p0 s5, $0x0  }
0x1f: {  	s9 =	smul.u32 $0xF7A, s1;
	s8 =	simm.s32 @!p0 $0x1BF5;
	p2 =	por !p2, p0  }
0x20: {  	[sflag:s8] =	ssyncset.s32 @!p0 $0xFFFFF086;
	s6 =	sadd.s32 @!p0 s3, s7;
	s7 =	simm.s32 @!p0 $0x108  }
0x21: {  	s3 =	sadd.s32 s3, s9;
	s6 =	sadd.s32 @!p0 $0x88, s6;
	s7 =	simm.s32 @p2 $0x1082  }
0x22: {  	[simem:s7], [sflag:s8] =	dma.local @!p0 [hbm:s6], $0xF7A  }
0x23: {  	s9 =	sor.u32 $0xD0000000, s2;
	s6 =	simm.s32 $0x108;
	_ =	swait.ge @!p0 [sflag:s8], $0x0  }
0x24: {  	s3 =	sadd.s32 $0x88, s3;
	s6 =	simm.s32 @!p1 $0x1082;
	[sflag:s4] =	ssyncset.s32 $0xFFFFF086  }
0x25: {  	[simem:s6], [sflag:s4] =	dma.local [hbm:s3], $0xF7A  }
0x26: {  	[smem:$0x3F99] =	sst s1;
	(tag) =	ssettag s2;
	_ =	strace s9  }
0x27: {  	s1 =	sld [smem:$0x3FA9]  }
0x28: {  	s2 =	sld [smem:$0x3FAA]  }
0x29: {  	s4 =	sld [smem:$0x3FAC]  }
0x2a: {  	p0 =	seq.s32 s5, $0x0;
	s5 =	sld [smem:$0x3FAD]  }
0x2b: {  	s6 =	sld [smem:$0x3FAE]  }
0x2c: {  	s7 =	sld [smem:$0x3FAF]  }
0x2d: {  	s3 =	simm.s32 $0x108;
	s8 =	sld [smem:$0x3FB0]  }
0x2e: {  	s3 =	simm.s32 @!p0 $0x1082;
	s9 =	sld [smem:$0x3FB1]  }
0x2f: {  	lr =	sadd.s32 s0, s3;
	s0 =	sld [smem:$0x3FA8]  }
0x30: {  	s3 =	sld [smem:$0x3FAB]  }
0x31: {  	[smem:$0x3FB4] =	sst s10  }
0x32: {  	s10 =	sld [smem:$0x3FB2];
	_ =	sdelay $0x3  }
0x33: {  	p0 =	seq.s32 s10, $0x1;
	s10 =	sld [smem:$0x3FB4];
	_ =	sdelay $0x3  }
0x34: {  	[smem:$0x3FB4] =	sst s10  }
0x35: {  	s10 =	sld [smem:$0x3FB3];
	_ =	sdelay $0x3  }
0x36: {  	p1 =	seq.s32 s10, $0x1;
	s10 =	sld [smem:$0x3FB4];
	_ =	sdelay $0x3  }
0x37: {  	[smem:$0x3FB4] =	sst s10  }
0x38: {  	s10 =	sld [smem:$0x3FB5]  }
0x39: {  	_ = 	snop;
	(pc) =	sbr.ind lr, $3  }
0x3a: {  	_ = 	snop  }
0x3b: {  	_ = 	snop  }
0x3c: {  	p2 =	seq.s32 s10, $0x1;
	s10 =	sld [smem:$0x3FB4]  }
0x3d: {  	_ =	shalt  }
0x3e: {  	_ =	shalt  }
0x3f: {  	_ =	shalt  }
0x40: {  	_ =	shalt  }
0x41: {  	_ =	shalt  }
0x42: {  	_ =	shalt  }
0x43: {  	_ =	shalt  }
0x44: {  	_ =	shalt  }
0x45: {  	_ =	shalt  }
0x46: {  	_ =	shalt  }
0x47: {  	_ =	shalt  }
0x48: {  	_ =	shalt  }
0x49: {  	_ =	shalt  }
0x4a: {  	_ =	shalt  }
0x4b: {  	_ =	shalt  }
0x4c: {  	_ =	shalt  }
0x4d: {  	_ =	shalt  }
0x4e: {  	_ =	shalt  }
0x4f: {  	_ =	shalt  }
0x50: {  	_ =	shalt  }
0x51: {  	_ =	shalt  }
0x52: {  	_ =	shalt  }
0x53: {  	_ =	shalt  }
0x54: {  	_ =	shalt  }
0x55: {  	_ =	shalt  }
0x56: {  	_ =	shalt  }
0x57: {  	_ =	shalt  }
0x58: {  	_ =	shalt  }
0x59: {  	_ =	shalt  }
0x5a: {  	_ =	shalt  }
0x5b: {  	_ =	shalt  }
0x5c: {  	_ =	shalt  }
0x5d: {  	_ =	shalt  }
0x5e: {  	_ =	shalt  }
0x5f: {  	_ =	shalt  }
0x60: {  	_ =	shalt  }
0x61: {  	_ =	shalt  }
0x62: {  	_ =	shalt  }
0x63: {  	_ =	shalt  }
0x64: {  	_ =	shalt  }
0x65: {  	_ =	shalt  }
0x66: {  	_ =	shalt  }
0x67: {  	_ =	shalt  }
0x68: {  	_ =	shalt  }
0x69: {  	_ =	shalt  }
0x6a: {  	_ =	shalt  }
0x6b: {  	_ =	shalt  }
0x6c: {  	_ =	shalt  }
0x6d: {  	_ =	shalt  }
0x6e: {  	_ =	shalt  }
0x6f: {  	_ =	shalt  }
0x70: {  	_ =	shalt  }
0x71: {  	_ =	shalt  }
0x72: {  	_ =	shalt  }
0x73: {  	_ =	shalt  }
0x74: {  	_ =	shalt  }
0x75: {  	_ =	shalt  }
0x76: {  	_ =	shalt  }
0x77: {  	_ =	shalt  }
0x78: {  	_ =	shalt  }
0x79: {  	_ =	shalt  }
0x7a: {  	_ =	shalt  }
0x7b: {  	_ =	shalt  }
0x7c: {  	_ =	shalt  }
0x7d: {  	_ =	shalt  }
0x7e: {  	_ =	shalt  }
0x7f: {  	_ =	shalt  }
0x80: {  	_ =	shalt  }
0x81: {  	_ =	shalt  }
0x82: {  	_ =	shalt  }
0x83: {  	_ =	shalt  }
0x84: {  	_ =	shalt  }
0x85: {  	_ =	shalt  }
0x86: {  	_ =	shalt  }
0x87: {  	_ =	shalt  }
.Lfunc_end0:
.L_simem_size_0:
called_computation_lowered:
.L_overlay_start_0:
0x88: {  	s2 =	sld [smem:$0x3FD9]  }
0x89: {  	s3 =	sld [smem:$0x3FFE];
	_ =	sdelay $0x1  }
0x8a: {  	s1 =	srdreg.scid  }
0x8b: {  	s0 =	sand.u32 $0x1, s1  }
0x8c: {  	s17 =	sshll.u32 s0, $0xA;
	s2 =	sadd.s32 s3, s2  }
0x8d: {  	s2 =	sadd.s32 s2, s17  }
0x8e: {  	[smem:$0x3FC0] =	sst s2  }
0x8f: {  	_ = 	snop  }
0x90: {  	s2 =	sld [smem:$0x3FD0];
	(tm) =	ssettm $0x1  }
0x91: {  	s18 =	sld [smem:$0x3FFB];
	_ =	sdelay $0x3  }
0x92: {  	_ =	strace s18  }
0x93: {  	s3 =	sld [smem:$0x3FFC];
	_ =	sdelay $0x3  }
0x94: {  	_ =	strace s3  }
0x95: {  	s3 =	sld [smem:$0x3FFD];
	_ =	sdelay $0x3  }
0x96: {  	_ =	strace s3  }
0x97: {  	_ =	strace $0x8FFFFFFF  }
0x98: {  	s19 =	sld [smem:$0x3FDB];
	_ =	sdelay $0x1  }
0x99: {  	s4 =	simm.s32 $_scs_section_size  }
0x9a: {  	s5 =	simm.s32 $_size__tile_overlayer_lowered;
	s6 =	simm.s32 $_tile_overlayer_lowered  }
0x9b: {  	s22 =	simm.s32 $0x1BFF;
	s21 =	sshll.u32 s6, $0x1;
	s3 =	sadd.s32 s4, s19  }
0x9c: {  	s7 =	simm.s32 $0x0;
	s20 =	sshll.u32 s5, $0x1;
	s5 =	sadd.s32 s21, s3  }
0x9d: {  	[timem:s7], [sflag:s22] =	dma.local [hbm:s5], s20  }
0x9e: {  	_ =	swait.ge [sflag:s22], s20  }
0x9f: {  	s4 =	ssub.s32 $0x0, s20;
	[sflag:s22] =	ssyncset.done $0x0  }
0xa0: {  	[sflag:s22] =	ssyncadd.s32 s4;
	_ =	sdelay $0x1  }
0xa1: {  	s23 =	simm.s32 $0x1B8B  }
0xa2: {  	_ =	swait.ge [sflag:s23], $0x1  }
0xa3: {  	[sflag:s23] =	ssyncset.done $0x0  }
0xa4: {  	s25 =	simm.s32 $0x1B8E;
	s24 =	sld [smem:$0x3FFE];
	[sflag:s23] =	ssyncadd.s32 $0xFFFFFFFF  }
0xa5: {  	s26 =	simm.s32 $execute0_lowered;
	[smem:$0x3FD2] =	sst s25  }
0xa6: {  	s5 =	sshll.u32 s26, $0x1;
	_ =	strace $0x80000046;
	[dreg:$0x1] =	wrdreg $0xFFFFFFFF  }
0xa7: {  	s28 =	simm.s32 $_size_execute0_lowered;
	s3 =	sadd.s32 s3, s5;
	[dreg:$0x0] =	wrdreg $0x0  }
0xa8: {  	s5 =	sshll.u32 s28, $0x1;
	[dreg:$0x2] =	wrdreg s3  }
0xa9: {  	[dreg:$0x3] =	wrdreg s5  }
0xaa: {  	[dreg:$0x4] =	wrdreg $0xC0  }
0xab: {  	_ =	task [dreg:s7], $0x5FFFF  }
0xac: {  	[dreg:$0x1] =	wrdreg $0xFFFFFFFF  }
0xad: {  	[dreg:$0x0] =	wrdreg $0x60  }
0xae: {  	[dreg:$0x2] =	wrdreg s24  }
0xaf: {  	[dreg:$0x3] =	wrdreg s2  }
0xb0: {  	[dreg:$0x4] =	wrdreg $0x9  }
0xb1: {  	_ =	task.clear_ibuf [dreg:s7], $0x5FFFF;
	_ =	strace $0x90000046  }
0xb2: {  	s29 =	simm.s32 $0x9;
	_ =	strace $0x80000048  }
0xb3: {  	_ =	swait.ge [sflag:s29], $0x1  }
0xb4: {  	[sflag:s29] =	ssyncadd.s32 $0xFFFFFFFF  }
0xb5: {  	_ =	strace $0x90000048  }
0xb6: {  	_ =	sfence  }
0xb7: {  	s30 =	sld [smem:$0x0];
	_ =	sdelay $0x2  }
0xb8: {  	s31 =	sshll.u32 s1, $0xD;
	s1 =	sshrl.u32 s1, $0x2  }
0xb9: {  	s3 =	sand.u32 $0x4000, s31;
	s1 =	sadd.s32 s1, s30  }
0xba: {  	s0 =	sor.u32 s3, s0;
	s1 =	sshll.u32 s1, $0x11  }
0xbb: {  	s0 =	sor.u32 s1, s0  }
0xbc: {  	s0 =	sadd.s32 $0x8F2B, s0  }
0xbd: {  	[sflag:s0] =	ssyncadd.remote.s32 $0x1  }
0xbe: {  	_ =	sfence.sel $0xFFFF  }
0xbf: {  	[dreg:$0x0] =	wrdreg $0xFFFFFFFF;
	(pc) =	sbr.abs _section_cstart, $3  }
0xc0: {  	[dreg:$0x1] =	wrdreg $0xFFFFFFFF  }
0xc1: {  	_ =	task.clear_ibuf [dreg:s7], $0x2FFFF;
	_ =	strace $0x9FFFFFFF  }
0xc2: {  	(tm) =	ssettm $0x7FFFFFFF  }
0xc3: {  	_ =	shalt  }
tec
execute0_lowered:
.L_overlay_start_1:
0x0: {  	(tag) =	ssettag $0x1  }
0x1: {  	s0 =	srdreg.scid  }
0x2: {  	s2 =	stileid.u32;
	s1 =	rddreg [dreg:$0x0]  }
0x3: {  	s19 =	simm.s32 $0x0;
	s3 =	sshll.u32 s2, $0x1;
	s2 =	rddreg [dreg:$0x1]  }
0x4: {  	s0 =	sand.u32 $0x1, s0;
	[smem:$0x7FF] =	sst s19  }
0x5: {  	s6 =	sadd.s32 $0xCA00, s1;
	s7 =	sadd.s32 $0x5AC00, s1;
	s8 =	sadd.s32 $0x7800, s1  }
0x6: {  	s9 =	sadd.s32 $0x2800, s1;
	s4 =	sadd.s32 $0xC800, s1;
	s10 =	sadd.s32 $0xF7200, s1  }
0x7: {  	s11 =	sadd.s32 $0xA8E00, s1;
	s3 =	sor.u32 s0, s3;
	s0 =	ssub.s32 $0x2, s0  }
0x8: {  	[dreg:$0x3] =	wrdreg s3;
	s5 =	smul.u32 $0x140, s3;
	s13 =	sshrl.u32 s0, $0x1  }
0x9: {  	_ =	strace $0x80000047;
	[dreg:$0x4] =	wrdreg s4;
	s0 =	ssub.s32 s0, s13  }
0xa: {  	s3 =	smin.u32 s5, $0x25D0;
	s12 =	sadd.s32 $0x40, s5;
	s18 =	sadd.s32 $0x80, s5  }
0xb: {  	s22 =	sadd.s32 $0xC0, s5;
	s0 =	smax.u32 s0, $0x1;
	s3 =	sadd.s32 $0x100, s3  }
0xc: {  	[dreg:$0xf] =	wrdreg s0;
	s15 =	smin.u32 s5, s3;
	s12 =	smin.u32 s12, s3  }
0xd: {  	s20 =	smin.u32 s18, s3;
	s13 =	smin.u32 s22, s3;
	s28 =	ssub.s32 s3, s5  }
0xe: {  	s3 =	sshll.u32 s3, $0x5;
	s16 =	ssub.s32 s15, s5;
	s17 =	ssub.s32 s12, s5  }
0xf: {  	s4 =	sshll.u32 s15, $0x5;
	s21 =	ssub.s32 s20, s5;
	s1 =	sshll.u32 s16, $0xA  }
0x10: {  	s12 =	sshll.u32 s12, $0x5;
	s23 =	ssub.s32 s13, s5;
	s1 =	sshra.s32 s1, $0x2  }
0x11: {  	s24 =	sshll.u32 s20, $0x5;
	s29 =	sshll.u32 s13, $0x5;
	s1 =	sadd.s32 $0xAE00, s1  }
0x12: {  	s31 =	sadd.s32 s10, s3;
	[dreg:$0x5] =	wrdreg s1;
	s1 =	sshll.u32 s17, $0xA  }
0x13: {  	s20 =	simm.s32 $0x7A00;
	s4 =	sadd.s32 s10, s4;
	s1 =	sshra.s32 s1, $0x2  }
0x14: {  	s12 =	sadd.s32 s10, s12;
	[dreg:$0xe] =	wrdreg s31;
	s1 =	sadd.s32 $0xAE00, s1  }
0x15: {  	s25 =	sshll.u32 s23, $0xA;
	[dreg:$0x7] =	wrdreg s1;
	s1 =	sshll.u32 s21, $0xA  }
0x16: {  	v3 =	vlaneseq.u32;
	v0 =	vimm.f32 $0.0e+00;
	vm0 =	vmmov $0xffff;
	s23 =	simm.s32 $0x3;
	[dreg:$0x6] =	wrdreg s4;
	s1 =	sshra.s32 s1, $0x2  }
0x17: {  	vm1 =	vmmov $0x1;
	vm2 =	vcmask $0x320;
	vm3 =	vcmask $0x720;
	[dreg:$0x8] =	wrdreg s12;
	s26 =	sshra.s32 s25, $0x2;
	s1 =	sadd.s32 $0xAE00, s1  }
.Ltmp0:
0x18: {  	vm4 =	vcmask $0xB20;
	vm5 =	vcmask $0xF20;
	vm6 =	vcmask $0x1320;
	[dreg:$0x9] =	wrdreg s1;
	s1 =	sadd.s32 s10, s24;
	(pc) =	sbr.rel .LBB2_1-.Ltmp0, $4  }
0x19: {  	vm7 =	vcmask $0x1720;
	vm8 =	vcmask $0x1B20;
	vm9 =	vcmask $0x308;
	s4 =	sshll.u32 s28, $0xA;
	[dreg:$0xa] =	wrdreg s1;
	s1 =	sadd.s32 $0xAE00, s26  }
0x1a: {  	vm10 =	vcmask $0x70C;
	vm11 =	vcmask $0xB10;
	vm12 =	vcmask $0xF14;
	s30 =	sshra.s32 s4, $0x2;
	[dreg:$0xb] =	wrdreg s1;
	s1 =	sadd.s32 s10, s29  }
0x1b: {  	vm13 =	vcmask $0x1318;
	vm14 =	vcmask $0x171C;
	v2 =	vshrl.u32 v3, $0x3;
	s12 =	simm.s32 $0x0;
	[dreg:$0xc] =	wrdreg s1;
	s1 =	sadd.s32 $0xAE00, s30  }
0x1c: {  	v1 =	vand.u32 $0x7, v3;
	v3 =	vor.u32 $0x8, v3;
	v2 =	vmul.u32 $0x8, v2;
	s21 =	simm.s32 $0x2;
	s24 =	simm.s32 $0x1;
	[dreg:$0xd] =	wrdreg s1  }
.LBB2_17:
0x1d: {  	s0 =	rddreg [dreg:$0x5]  }
0x1e: {  	s1 =	rddreg [dreg:$0x6]  }
0x1f: {  	[hbm4b:s1+s19] =	stream.linear.scatter [tilespmem:s0], [sflag:$0x3], $0x4000, $0x38;
	[tilespmem:$0x1EE00] =	vst v63  }
0x20: {  	_ =	swait.ge [sflag:s23], $0x4000  }
0x21: {  	[sflag:s23] =	ssyncset.done $0x0;
	s17 =	rddreg [dreg:$0x7]  }
0x22: {  	s18 =	rddreg [dreg:$0x8];
	[sflag:s23] =	ssyncadd.s32 $0xFFFFC000  }
0x23: {  	[hbm4b:s18+s19] =	stream.linear.scatter [tilespmem:s17], [sflag:$0x3], $0x4000, $0x38;
	[tilespmem:$0x1EE00] =	vst v63  }
0x24: {  	_ =	swait.ge [sflag:s23], $0x4000  }
0x25: {  	[sflag:s23] =	ssyncset.done $0x0;
	s22 =	rddreg [dreg:$0x9]  }
0x26: {  	s25 =	rddreg [dreg:$0xa];
	[sflag:s23] =	ssyncadd.s32 $0xFFFFC000  }
0x27: {  	[hbm4b:s25+s19] =	stream.linear.scatter [tilespmem:s22], [sflag:$0x3], $0x4000, $0x38;
	[tilespmem:$0x1EE00] =	vst v63  }
0x28: {  	_ =	swait.ge [sflag:s23], $0x4000  }
0x29: {  	[sflag:s23] =	ssyncset.done $0x0;
	s26 =	rddreg [dreg:$0xb]  }
0x2a: {  	s28 =	rddreg [dreg:$0xc];
	[sflag:s23] =	ssyncadd.s32 $0xFFFFC000  }
0x2b: {  	[hbm4b:s28+s19] =	stream.linear.scatter [tilespmem:s26], [sflag:$0x3], $0x4000, $0x38;
	[tilespmem:$0x1EE00] =	vst v63  }
0x2c: {  	_ =	swait.ge [sflag:s23], $0x4000  }
0x2d: {  	[sflag:s23] =	ssyncset.done $0x0;
	s29 =	rddreg [dreg:$0xd]  }
0x2e: {  	s30 =	rddreg [dreg:$0xe];
	[sflag:s23] =	ssyncadd.s32 $0xFFFFC000  }
0x2f: {  	[hbm4b:s30+s19] =	stream.linear.scatter [tilespmem:s29], [sflag:$0x3], $0x4000, $0x38;
	[tilespmem:$0x1EE00] =	vst v63  }
0x30: {  	_ =	swait.ge [sflag:s23], $0x4000  }
0x31: {  	s12 =	sadd.s32 $0x1, s12;
	s31 =	rddreg [dreg:$0xf]  }
0x32: {  	p0 =	sne.s32 s12, s31  }
.Ltmp1:
0x33: {  	_ = 	snop;
	(pc) =	sbr.rel @!p0 .LBB2_18-.Ltmp1, $3  }
0x34: {  	_ =	sdelay $0x1  }
0x35: {  	[sflag:s23] =	ssyncset.done $0x0  }
0x36: {  	[sflag:s23] =	ssyncadd.s32 $0xFFFFC000  }
.LBB2_1:
0x37: {  	s0 =	rddreg [dreg:$0x4]  }
0x38: {  	[tilespmem:s19], [sflag:$0x3] =	stream.linear.gather [hbm4b:s0+s19], $0x80, $0x38;
	[tilespmem:$0x1EE00] =	vst v63  }
0x39: {  	_ =	swait.ge [sflag:s23], $0x80  }
0x3a: {  	s31 =	sand.u32 $0x1F800, s19;
	[sflag:s23] =	ssyncset.done $0x0  }
0x3b: {  	s1 =	sand.u32 $0x380, s19;
	s30 =	rddreg [dreg:$0x3];
	[sflag:s23] =	ssyncadd.s32 $0xFFFFFF80  }
0x3c: {  	s0 =	sor.u32 s1, s31;
	v4 =	vld [tilespmem:s30+$0x0]  }
0x3d: {  	v5 =	vld [tilespmem:s30+$0x1];
	[tilespmem:s0+$0xB270] =	vst v0  }
0x3e: {  	[tilespmem:s0+$0xAE00] =	vst v0  }
0x3f: {  	[tilespmem:s0+$0xAE10] =	vst v0  }
0x40: {  	[tilespmem:s0+$0xAE20] =	vst v0  }
0x41: {  	[tilespmem:s0+$0xAE30] =	vst v0  }
0x42: {  	[tilespmem:s0+$0xAE40] =	vst v0  }
0x43: {  	[tilespmem:s0+$0xAE50] =	vst v0  }
0x44: {  	[tilespmem:s0+$0xAE60] =	vst v0  }
0x45: {  	[tilespmem:s0+$0xAE70] =	vst v0  }
0x46: {  	[tilespmem:s0+$0xB200] =	vst v0  }
0x47: {  	[tilespmem:s0+$0xB210] =	vst v0  }
0x48: {  	[tilespmem:s0+$0xB220] =	vst v0  }
0x49: {  	[tilespmem:s0+$0xB230] =	vst v0  }
0x4a: {  	s3 =	simm.s32 $0x100;
	s1 =	simm.s32 $0x80;
	[tilespmem:s0+$0xB240] =	vst v0  }
0x4b: {  	s4 =	sand.u32 $0x1F800, s3;
	s3 =	simm.s32 $0x200;
	s10 =	sand.u32 $0x380, s1;
	[tilespmem:s0+$0xB250] =	vst v0  }
.LBB2_2:
0x4c: {  	p0 =	seq.s32 s3, $0x13F00;
	[tilespmem:s0+$0xB260] =	vst v0;
	s0 =	sor.u32 s10, s4  }
0x4d: {  	[tilespmem:s0+$0xB270] =	vst v0  }
0x4e: {  	[tilespmem:s0+$0xAE00] =	vst v0  }
0x4f: {  	[tilespmem:s0+$0xAE10] =	vst v0  }
0x50: {  	[tilespmem:s0+$0xAE20] =	vst v0  }
0x51: {  	[tilespmem:s0+$0xAE30] =	vst v0  }
0x52: {  	[tilespmem:s0+$0xAE40] =	vst v0  }
0x53: {  	[tilespmem:s0+$0xAE50] =	vst v0  }
0x54: {  	[tilespmem:s0+$0xAE60] =	vst v0  }
0x55: {  	[tilespmem:s0+$0xAE70] =	vst v0  }
0x56: {  	[tilespmem:s0+$0xB200] =	vst v0  }
.Ltmp2:
0x57: {  	[tilespmem:s0+$0xB210] =	vst v0;
	(pc) =	sbr.rel @!p0 .LBB2_2-.Ltmp2, $4  }
0x58: {  	[tilespmem:s0+$0xB220] =	vst v0  }
0x59: {  	[tilespmem:s0+$0xB230] =	vst v0  }
0x5a: {  	s1 =	sadd.s32 $0x80, s1;
	[tilespmem:s0+$0xB240] =	vst v0  }
0x5b: {  	s4 =	sand.u32 $0x1F800, s3;
	s3 =	sadd.s32 $0x100, s3;
	s10 =	sand.u32 $0x380, s1;
	[tilespmem:s0+$0xB250] =	vst v0  }
0x5c: {  	(v2sf) =	vpush v4, $0x0;
	_ =	sdelay $0x2  }
0x5d: {  	s1 =	sor.u32 s10, s4;
	[tilespmem:s0+$0xB260] =	vst v0  }
0x5e: {  	[tilespmem:s1+$0xB270] =	vst v0  }
0x5f: {  	[tilespmem:s1+$0xAE00] =	vst v0  }
0x60: {  	[tilespmem:s1+$0xAE10] =	vst v0  }
0x61: {  	[tilespmem:s1+$0xAE20] =	vst v0;
	(v2sf) =	vpush v5, $0x0  }
0x62: {  	[tilespmem:s1+$0xAE30] =	vst v0  }
0x63: {  	[tilespmem:s1+$0xAE40] =	vst v0  }
0x64: {  	[tilespmem:s1+$0xAE50] =	vst v0  }
0x65: {  	[tilespmem:s1+$0xAE60] =	vst v0  }
0x66: {  	[tilespmem:s1+$0xAE70] =	vst v0  }
0x67: {  	[tilespmem:s1+$0xB200] =	vst v0  }
0x68: {  	[tilespmem:s1+$0xB210] =	vst v0  }
0x69: {  	[tilespmem:s1+$0xB220] =	vst v0;
	s25 =	spop (v2sf)  }
0x6a: {  	[tilespmem:s1+$0xB230] =	vst v0;
	s22 =	sand.u32 $0x7, s25  }
0x6b: {  	[tilespmem:s1+$0xB240] =	vst v0;
	s26 =	sshra.s32 s25, $0x1F;
	p0 =	slt.s32 s25, $0x1;
	p1 =	sne.s32 s22, $0x0  }
0x6c: {  	[tilespmem:s1+$0xB250] =	vst v0;
	s29 =	sshrl.u32 s26, $0x1D;
	p0 =	por !p0, !p1  }
0x6d: {  	[tilespmem:s1+$0xB260] =	vst v0;
	s1 =	simm.s32 $0x1;
	s0 =	sadd.s32 s29, s25;
	p0 =	por !p0, !p0  }
0x6e: {  	s0 =	sshrl.u32 s0, $0x3;
	s1 =	simm.s32 @!p0 $0x0  }
0x6f: {  	s0 =	ssub.s32 s0, s1  }
0x70: {  	s28 =	spop (v2sf);
	s1 =	sshll.u32 s0, $0x3  }
0x71: {  	s0 =	ssub.s32 s28, s1  }
0x72: {  	s0 =	sadd.s32 $0x3F, s0  }
0x73: {  	s3 =	sand.u32 $0x3F, s0  }
0x74: {  	s31 =	sshra.s32 s0, $0x1F;
	p6 =	slt.s32 s0, $0x1;
	p5 =	sne.s32 s3, $0x0  }
0x75: {  	s3 =	sshrl.u32 s31, $0x1A;
	p0 =	por !p6, !p5  }
0x76: {  	s0 =	sadd.s32 s3, s0;
	s3 =	simm.s32 $0x1;
	p0 =	por !p0, !p0  }
0x77: {  	s0 =	sshra.s32 s0, $0x6;
	s3 =	simm.s32 @!p0 $0x0  }
0x78: {  	s30 =	ssub.s32 s0, s3  }
0x79: {  	p0 =	sgt.s32 s30, $0x0  }
.Ltmp3:
0x7a: {  	_ = 	snop;
	(pc) =	sbr.rel @!p0 .LBB2_17-.Ltmp3, $1  }
0x7b: {  	_ =	sdelay $0x3  }
0x7c: {  	[dreg:$0x10] =	wrdreg s12;
	s10 =	simm.s32 $0x0  }
0x7d: {  	s0 =	simm.s32 $0xFFFFFFFF;
	v4 =	vimm.f32 $-1.000000020e+30;
	s29 =	smov.u32 s1;
	s31 =	simm.s32 $0x0  }
.LBB2_5:
0x7e: {  	s3 =	sshll.u32 s31, $0x6  }
0x7f: {  	s12 =	sadd.s32 s1, s3  }
0x80: {  	s4 =	sshrl.u32 s12, $0x3  }
0x81: {  	s3 =	simm.s32 $0x80;
	s13 =	sadd.s32 s8, s4  }
0x82: {  	[tilespmem:s3], [sflag:$0x3] =	stream.linear.gather [hbm4b:s13+s10], $0x50, $0x38;
	[tilespmem:$0x1EE00] =	vst v63  }
0x83: {  	_ =	swait.ge [sflag:s23], $0x50  }
0x84: {  	[sflag:s23] =	ssyncset.done $0x0  }
0x85: {  	s14 =	simm.s32 $0x100;
	[sflag:s23] =	ssyncadd.s32 $0xFFFFFFB0  }
0x86: {  	[tilespmem:s14], [sflag:$0x3] =	stream.linear.gather [hbm4b:s13+s10], $0x40, $0x38;
	[tilespmem:$0x1EE00] =	vst v63  }
0x87: {  	_ =	swait.ge [sflag:s23], $0x40  }
0x88: {  	[sflag:s23] =	ssyncset.done $0x0  }
0x89: {  	s26 =	simm.s32 $0x180;
	s4 =	sadd.s32 s9, s4;
	[sflag:s23] =	ssyncadd.s32 $0xFFFFFFC0  }
0x8a: {  	[tilespmem:s26], [sflag:$0x3] =	stream.linear.gather [hbm4b:s4+s10], $0x40, $0x38;
	[tilespmem:$0x1EE00] =	vst v63  }
0x8b: {  	_ =	swait.ge [sflag:s23], $0x40  }
0x8c: {  	[sflag:s23] =	ssyncset.done $0x0  }
0x8d: {  	[sflag:s23] =	ssyncadd.s32 $0xFFFFFFC0  }
0x8e: {  	v5 =	vld [tilespmem:$0x100];
	_ =	sdelay $0x4  }
0x8f: {  	v6 =	vshll.u32 v5, $0x1  }
0x90: {  	v5 =	vand.u32 $0x7, v5;
	v6 =	vand.u32 $0xFFFFFFF0, v6  }
0x91: {  	v5 =	vor.u32 v5, v6  }
0x92: {  	v6 =	vperm.xlane v5, v1;
	_ =	sdelay $0x1  }
0x93: {  	v5 =	vperm.xlane v5, v3;
	v6 =	vadd.s32 v2, v6;
	_ =	sdelay $0x1  }
0x94: {  	v5 =	vadd.s32 v2, v5;
	_ =	sdelay $0x1  }
0x95: {  	s14 =	simm.s32 $0x200  }
0x96: {  	[tilespmem:s14], [sflag:$0x1] =	stream.indirect_vreg.gather [hbm4b:s6+s10], $0x80, v6, vm0, $0xb8;
	[tilespmem:$0x1EE00] =	vst v63  }
0x97: {  	s15 =	simm.s32 $0xA00  }
0x98: {  	[tilespmem:s15], [sflag:$0x1] =	stream.indirect_vreg.gather [hbm4b:s6+s10], $0x80, v5, vm0, $0xb8;
	[tilespmem:$0x1EE00] =	vst v63  }
0x99: {  	v5 =	vld [tilespmem:$0x110];
	_ =	sdelay $0x4  }
0x9a: {  	v6 =	vshll.u32 v5, $0x1  }
0x9b: {  	v5 =	vand.u32 $0x7, v5;
	v6 =	vand.u32 $0xFFFFFFF0, v6  }
0x9c: {  	v5 =	vor.u32 v5, v6  }
0x9d: {  	v6 =	vperm.xlane v5, v1;
	_ =	sdelay $0x1  }
0x9e: {  	v5 =	vperm.xlane v5, v3;
	v6 =	vadd.s32 v2, v6;
	_ =	sdelay $0x1  }
0x9f: {  	v5 =	vadd.s32 v2, v5;
	_ =	sdelay $0x1  }
0xa0: {  	s16 =	simm.s32 $0x1200  }
0xa1: {  	[tilespmem:s16], [sflag:$0x1] =	stream.indirect_vreg.gather [hbm4b:s6+s10], $0x80, v6, vm0, $0xb8;
	[tilespmem:$0x1EE00] =	vst v63  }
0xa2: {  	s17 =	simm.s32 $0x1A00  }
0xa3: {  	[tilespmem:s17], [sflag:$0x1] =	stream.indirect_vreg.gather [hbm4b:s6+s10], $0x80, v5, vm0, $0xb8;
	[tilespmem:$0x1EE00] =	vst v63  }
0xa4: {  	v5 =	vld [tilespmem:$0x120];
	_ =	sdelay $0x4  }
0xa5: {  	v6 =	vshll.u32 v5, $0x1  }
0xa6: {  	v5 =	vand.u32 $0x7, v5;
	v6 =	vand.u32 $0xFFFFFFF0, v6  }
0xa7: {  	v5 =	vor.u32 v5, v6  }
0xa8: {  	v6 =	vperm.xlane v5, v1;
	_ =	sdelay $0x1  }
0xa9: {  	v5 =	vperm.xlane v5, v3;
	v6 =	vadd.s32 v2, v6;
	_ =	sdelay $0x1  }
0xaa: {  	v5 =	vadd.s32 v2, v5;
	_ =	sdelay $0x1  }
0xab: {  	s18 =	simm.s32 $0x2200  }
0xac: {  	[tilespmem:s18], [sflag:$0x1] =	stream.indirect_vreg.gather [hbm4b:s6+s10], $0x80, v6, vm0, $0xb8;
	[tilespmem:$0x1EE00] =	vst v63  }
0xad: {  	s19 =	simm.s32 $0x2A00  }
0xae: {  	[tilespmem:s19], [sflag:$0x1] =	stream.indirect_vreg.gather [hbm4b:s6+s10], $0x80, v5, vm0, $0xb8;
	[tilespmem:$0x1EE00] =	vst v63  }
0xaf: {  	v5 =	vld [tilespmem:$0x130];
	_ =	sdelay $0x4  }
0xb0: {  	v6 =	vshll.u32 v5, $0x1  }
0xb1: {  	v5 =	vand.u32 $0x7, v5;
	v6 =	vand.u32 $0xFFFFFFF0, v6  }
0xb2: {  	v5 =	vor.u32 v5, v6  }
0xb3: {  	v6 =	vperm.xlane v5, v1;
	_ =	sdelay $0x1  }
0xb4: {  	v5 =	vperm.xlane v5, v3;
	v6 =	vadd.s32 v2, v6;
	_ =	sdelay $0x1  }
0xb5: {  	v5 =	vadd.s32 v2, v5;
	_ =	sdelay $0x1  }
0xb6: {  	s22 =	simm.s32 $0x3200  }
0xb7: {  	[tilespmem:s22], [sflag:$0x1] =	stream.indirect_vreg.gather [hbm4b:s6+s10], $0x80, v6, vm0, $0xb8;
	[tilespmem:$0x1EE00] =	vst v63  }
0xb8: {  	s26 =	simm.s32 $0x3A00  }
0xb9: {  	[tilespmem:s26], [sflag:$0x1] =	stream.indirect_vreg.gather [hbm4b:s6+s10], $0x80, v5, vm0, $0xb8;
	[tilespmem:$0x1EE00] =	vst v63  }
0xba: {  	v5 =	vld [tilespmem:$0x180];
	_ =	sdelay $0x4  }
0xbb: {  	v6 =	vshll.u32 v5, $0x1  }
0xbc: {  	v5 =	vand.u32 $0x7, v5;
	v6 =	vand.u32 $0xFFFFFFF0, v6  }
0xbd: {  	v5 =	vor.u32 v5, v6  }
0xbe: {  	v6 =	vperm.xlane v5, v1;
	_ =	sdelay $0x1  }
0xbf: {  	v5 =	vperm.xlane v5, v3;
	v6 =	vadd.s32 v2, v6;
	_ =	sdelay $0x1  }
0xc0: {  	v5 =	vadd.s32 v2, v5;
	_ =	sdelay $0x1  }
0xc1: {  	s13 =	simm.s32 $0x4200  }
0xc2: {  	[tilespmem:s13], [sflag:$0x2] =	stream.indirect_vreg.gather [hbm4b:s7+s10], $0x80, v6, vm0, $0xb8;
	[tilespmem:$0x1EE00] =	vst v63  }
0xc3: {  	s14 =	simm.s32 $0x4A00  }
0xc4: {  	[tilespmem:s14], [sflag:$0x2] =	stream.indirect_vreg.gather [hbm4b:s7+s10], $0x80, v5, vm0, $0xb8;
	[tilespmem:$0x1EE00] =	vst v63  }
0xc5: {  	v5 =	vld [tilespmem:$0x190];
	_ =	sdelay $0x4  }
0xc6: {  	v6 =	vshll.u32 v5, $0x1  }
0xc7: {  	v5 =	vand.u32 $0x7, v5;
	v6 =	vand.u32 $0xFFFFFFF0, v6  }
0xc8: {  	v5 =	vor.u32 v5, v6  }
0xc9: {  	v6 =	vperm.xlane v5, v1;
	_ =	sdelay $0x1  }
0xca: {  	v5 =	vperm.xlane v5, v3;
	v6 =	vadd.s32 v2, v6;
	_ =	sdelay $0x1  }
0xcb: {  	v5 =	vadd.s32 v2, v5;
	_ =	sdelay $0x1  }
0xcc: {  	s15 =	simm.s32 $0x5200  }
0xcd: {  	[tilespmem:s15], [sflag:$0x2] =	stream.indirect_vreg.gather [hbm4b:s7+s10], $0x80, v6, vm0, $0xb8;
	[tilespmem:$0x1EE00] =	vst v63  }
0xce: {  	s16 =	simm.s32 $0x5A00  }
0xcf: {  	[tilespmem:s16], [sflag:$0x2] =	stream.indirect_vreg.gather [hbm4b:s7+s10], $0x80, v5, vm0, $0xb8;
	[tilespmem:$0x1EE00] =	vst v63  }
0xd0: {  	v5 =	vld [tilespmem:$0x1A0];
	_ =	sdelay $0x4  }
0xd1: {  	v6 =	vshll.u32 v5, $0x1  }
0xd2: {  	v5 =	vand.u32 $0x7, v5;
	v6 =	vand.u32 $0xFFFFFFF0, v6  }
0xd3: {  	v5 =	vor.u32 v5, v6  }
0xd4: {  	v6 =	vperm.xlane v5, v1;
	_ =	sdelay $0x1  }
0xd5: {  	v5 =	vperm.xlane v5, v3;
	v6 =	vadd.s32 v2, v6;
	_ =	sdelay $0x1  }
0xd6: {  	v5 =	vadd.s32 v2, v5;
	_ =	sdelay $0x1  }
0xd7: {  	s17 =	simm.s32 $0x6200  }
0xd8: {  	[tilespmem:s17], [sflag:$0x2] =	stream.indirect_vreg.gather [hbm4b:s7+s10], $0x80, v6, vm0, $0xb8;
	[tilespmem:$0x1EE00] =	vst v63  }
0xd9: {  	s18 =	simm.s32 $0x6A00  }
0xda: {  	[tilespmem:s18], [sflag:$0x2] =	stream.indirect_vreg.gather [hbm4b:s7+s10], $0x80, v5, vm0, $0xb8;
	[tilespmem:$0x1EE00] =	vst v63  }
0xdb: {  	v5 =	vld [tilespmem:$0x1B0];
	_ =	sdelay $0x4  }
0xdc: {  	v6 =	vshll.u32 v5, $0x1  }
0xdd: {  	v5 =	vand.u32 $0x7, v5;
	v6 =	vand.u32 $0xFFFFFFF0, v6  }
0xde: {  	v5 =	vor.u32 v5, v6  }
0xdf: {  	v6 =	vperm.xlane v5, v1;
	_ =	sdelay $0x1  }
0xe0: {  	v5 =	vperm.xlane v5, v3;
	v6 =	vadd.s32 v2, v6;
	_ =	sdelay $0x1  }
0xe1: {  	v5 =	vadd.s32 v2, v5;
	_ =	sdelay $0x1  }
0xe2: {  	s19 =	simm.s32 $0x7200  }
0xe3: {  	[tilespmem:s19], [sflag:$0x2] =	stream.indirect_vreg.gather [hbm4b:s7+s10], $0x80, v6, vm0, $0xb8;
	[tilespmem:$0x1EE00] =	vst v63  }
0xe4: {  	_ = 	snop  }
0xe5: {  	[tilespmem:s20], [sflag:$0x2] =	stream.indirect_vreg.gather [hbm4b:s7+s10], $0x80, v5, vm0, $0xb8;
	[tilespmem:$0x1EE00] =	vst v63  }
0xe6: {  	_ =	swait.ge [sflag:s24], $0x4000  }
0xe7: {  	[sflag:s24] =	ssyncset.done $0x0  }
0xe8: {  	[sflag:s24] =	ssyncadd.s32 $0xFFFFC000  }
0xe9: {  	_ =	swait.ge [sflag:s21], $0x4000  }
0xea: {  	s22 =	sand.u32 $0x3800, s10;
	s26 =	sand.u32 $0x380, s10;
	[sflag:s21] =	ssyncset.done $0x0  }
0xeb: {  	s14 =	sor.u32 s26, s22;
	[sflag:s21] =	ssyncadd.s32 $0xFFFFC000  }
0xec: {  	v7 =	vld [tilespmem:s14+$0x200]  }
0xed: {  	v8 =	vld [tilespmem:s3+$0x0]  }
0xee: {  	v9 =	vld [tilespmem:s14+$0x4620]  }
0xef: {  	v10 =	vld [tilespmem:s14+$0x620]  }
0xf0: {  	v15 =	vld [tilespmem:s14+$0x4630]  }
0xf1: {  	v6 =	vld [tilespmem:s14+$0x260]  }
0xf2: {  	v11 =	vld [tilespmem:s14+$0x270]  }
0xf3: {  	v12 =	vld [tilespmem:s14+$0x4260];
	(v2sf) =	vpush v8, $0x0  }
0xf4: {  	v16 =	vld [tilespmem:s14+$0x630]  }
0xf5: {  	v13 =	vld [tilespmem:s14+$0x4270]  }
0xf6: {  	v17 =	vld [tilespmem:s14+$0x4650]  }
0xf7: {  	v18 =	vld [tilespmem:s14+$0x4670]  }
0xf8: {  	v19 =	vld [tilespmem:s14+$0x650]  }
0xf9: {  	v20 =	vld [tilespmem:s14+$0x670]  }
0xfa: {  	v5 =	vld [tilespmem:s14+$0x4660]  }
0xfb: {  	v14 =	vld [tilespmem:s14+$0x640];
	v12 =	vmul.f32 v12, v6;
	v11 =	vmul.f32 v13, v11  }
0xfc: {  	v6 =	vld [tilespmem:s14+$0x660]  }
0xfd: {  	p0 =	sge.s32 s29, s25;
	s4 =	simm.s32 $0x8200;
	s13 =	smov.u32 s29;
	v13 =	vld [tilespmem:s14+$0x4640];
	v21 =	vadd.f32 v11, v12  }
0xfe: {  	s22 =	simm.s32 $0x8200;
	s26 =	simm.s32 $0x100;
	s15 =	simm.s32 $0x80;
	v16 =	vmul.f32 v15, v16;
	v15 =	vld [tilespmem:s14+$0x4250]  }
0xff: {  	s16 =	simm.s32 $0x81;
	s17 =	sadd.s32 $0x1, s29;
	s3 =	smov.u32 s0;
	v8 =	vmul.f32 v18, v20;
	v12 =	vmul.f32 v17, v19;
	v11 =	vld [tilespmem:s14+$0x4200];
	(xrf2) =	vadd.scan.msk.f32 $0xffff, v21  }
.LBB2_6:
0x100: {  	p2 =	slt.s32 s13, s28;
	s22 =	sadd.s32 $0x10, s22  }
0x101: {  	v17 =	vld [tilespmem:s14+$0x250];
	v9 =	vmul.f32 v9, v10;
	s18 =	smov.u32 s26;
	s26 =	sadd.s32 $0x100, s26;
	s13 =	smov.u32 s17  }
0x102: {  	p1 =	sne.s32 s26, $0x4000;
	p2 =	por !p0, !p2;
	v10 =	vld [tilespmem:s14+$0x4240];
	s19 =	spop (v2sf)  }
0x103: {  	p0 =	sge.s32 s17, s25;
	p2 =	por !p2, !p2;
	s19 =	ssub.s32 s19, s5;
	v18 =	vld [tilespmem:s14+$0x240];
	v13 =	vmul.f32 v13, v14;
	v9 =	vadd.f32 v16, v9  }
0x104: {  	v14 =	vld [tilespmem:s14+$0x210];
	p3 =	sne.s32 s19, s3;
	s0 =	smov.u32 @p2 s19  }
0x105: {  	v16 =	vld [tilespmem:s14+$0x4210];
	v12 =	vadd.f32 v12, v13;
	p3 =	por !p2, !p3  }
0x106: {  	v13 =	vmul.f32 v15, v17;
	p3 =	por !p3, !p3  }
0x107: {  	v15 =	vld [tilespmem:s14+$0x4220]  }
0x108: {  	v17 =	vld [tilespmem:s14+$0x220];
	v10 =	vmul.f32 v10, v18;
	(xrf2) =	vadd.scan.msk.f32 $0xffff, v9  }
0x109: {  	v9 =	vld [tilespmem:s14+$0x230];
	v18, _, _ =	vpop (xrf2)  }
0x10a: {  	v7 =	vmul.f32 v11, v7;
	v11 =	vmul.f32 v16, v14;
	v14 =	vld [tilespmem:s14+$0x4230];
	v10 =	vadd.f32 v13, v10  }
0x10b: {  	v13 =	vld [tilespmem:s14+$0x4610];
	(xrf2) =	vadd.scan.msk.f32 $0xffff, v12  }
0x10c: {  	v12 =	vld [tilespmem:s14+$0x610];
	v7 =	vadd.f32 v11, v7  }
0x10d: {  	v11 =	vld [tilespmem:s14+$0x4600]  }
0x10e: {  	v16 =	vld [tilespmem:s14+$0x600];
	(xrf2) =	vadd.scan.msk.f32 $0xffff, v7  }
0x10f: {  	v7 =	vmul.f32 v15, v17;
	v14 =	vmul.f32 v14, v9;
	_ =	sdelay $0x1  }
0x110: {  	v12 =	vmul.f32 v13, v12;
	v7 =	vadd.f32 v14, v7;
	(xrf2) =	vadd.scan.msk.f32 $0xffff, v10  }
0x111: {  	v9, _, _ =	vpop (xrf2)  }
0x112: {  	v11 =	vmul.f32 v11, v16  }
0x113: {  	(xrf2) =	vadd.scan.msk.f32 $0xffff, v7  }
0x114: {  	v11 =	vadd.f32 v12, v11;
	v10, _, _ =	vpop (xrf2)  }
0x115: {  	v5 =	vmul.f32 v5, v6  }
0x116: {  	(xrf2) =	vadd.scan.msk.f32 $0xffff, v11  }
0x117: {  	v8 =	vadd.f32 v8, v5;
	v6 =	vbroadcast v9, $0xF;
	v7, _, _ =	vpop (xrf2)  }
0x118: {  	v7 =	vbroadcast v7, $0xF  }
0x119: {  	(xrf2) =	vadd.scan.msk.f32 $0xffff, v8  }
0x11a: {  	v5, _, _ =	vpop (xrf2);
	_ =	sdelay $0x1  }
0x11b: {  	s14 =	sand.u32 $0x3800, s18;
	s18 =	sand.u32 $0x380, s15  }
0x11c: {  	s14 =	sor.u32 s18, s14;
	v8, _, _ =	vpop (xrf2)  }
0x11d: {  	v5 =	vbroadcast v5, $0xF;
	v8 =	vbroadcast v8, $0xF  }
0x11e: {  	v7 =	vnsel vm1, $0x0, v7  }
0x11f: {  	v11 =	vbroadcast v18, $0xF;
	v7 =	vsel vm2, v7, v8;
	v9, _, _ =	vpop (xrf2)  }
0x120: {  	v5 =	vsel vm3, v7, v5;
	v7 =	vbroadcast v9, $0xF  }
0x121: {  	v5 =	vsel vm4, v5, v11  }
0x122: {  	v5 =	vsel vm5, v5, v7;
	v7 =	vbroadcast v10, $0xF;
	v8, _, _ =	vpop (xrf2)  }
0x123: {  	v5 =	vsel vm6, v5, v6;
	v6 =	vbroadcast v8, $0xF  }
0x124: {  	v5 =	vsel vm7, v5, v7  }
0x125: {  	p4 =	slt.s32 s3, $0x0;
	v5 =	vsel vm8, v5, v6  }
0x126: {  	p4 =	por !p3, p4;
	v5 =	vmul.f32 $1.767766920e-01, v5  }
0x127: {  	s18 =	sshll.u32 @!p4 s3, $0x6;
	s3 =	smov.u32 s0;
	v6 =	vpsel p3, $0xF149F2CA, v4  }
0x128: {  	s18 =	sshra.s32 @!p4 s18, $0x2;
	[tilespmem:s4+$0x0] =	vst v5;
	v5 =	vmax.f32 v6, v5;
	s4 =	smov.u32 s22  }
0x129: {  	[tilespmem:s18+$0x8600] =	vst @!p4 v4;
	v4 =	vpsel p2, v5, v4  }
0x12a: {  	v7 =	vld [tilespmem:s14+$0x200]  }
0x12b: {  	v5 =	vld [tilespmem:s16+$0x0]  }
0x12c: {  	v9 =	vld [tilespmem:s14+$0x4620]  }
0x12d: {  	v10 =	vld [tilespmem:s14+$0x620]  }
0x12e: {  	v8 =	vld [tilespmem:s14+$0x4630]  }
0x12f: {  	v6 =	vld [tilespmem:s14+$0x260]  }
0x130: {  	v11 =	vld [tilespmem:s14+$0x270];
	(v2sf) =	vpush v5, $0x0  }
0x131: {  	v5 =	vld [tilespmem:s14+$0x4260]  }
0x132: {  	v15 =	vld [tilespmem:s14+$0x630]  }
0x133: {  	v12 =	vld [tilespmem:s14+$0x4270]  }
0x134: {  	v16 =	vld [tilespmem:s14+$0x4650]  }
0x135: {  	v17 =	vld [tilespmem:s14+$0x4670]  }
0x136: {  	v14 =	vmul.f32 v5, v6;
	v18 =	vld [tilespmem:s14+$0x650]  }
0x137: {  	v19 =	vld [tilespmem:s14+$0x670]  }
0x138: {  	v11 =	vmul.f32 v12, v11;
	v5 =	vld [tilespmem:s14+$0x4660]  }
.Ltmp4:
0x139: {  	v6 =	vld [tilespmem:s14+$0x660];
	(pc) =	sbr.rel @p1 .LBB2_6-.Ltmp4, $4  }
0x13a: {  	v13 =	vld [tilespmem:s14+$0x4640];
	v20 =	vadd.f32 v11, v14  }
0x13b: {  	v14 =	vld [tilespmem:s14+$0x640];
	v12 =	vmul.f32 v16, v18  }
0x13c: {  	v16 =	vmul.f32 v8, v15;
	v11 =	vld [tilespmem:s14+$0x4200];
	v8 =	vmul.f32 v17, v19;
	(xrf2) =	vadd.scan.msk.f32 $0xffff, v20  }
0x13d: {  	s17 =	sadd.s32 $0x1, s17;
	s15 =	sadd.s32 $0x80, s15;
	s16 =	sadd.s32 $0x1, s16;
	v15 =	vld [tilespmem:s14+$0x4250]  }
0x13e: {  	v17 =	vld [tilespmem:s14+$0x250]  }
0x13f: {  	v18 =	vld [tilespmem:s14+$0x4240]  }
0x140: {  	v19 =	vld [tilespmem:s14+$0x240]  }
0x141: {  	v20 =	vld [tilespmem:s14+$0x210]  }
0x142: {  	v21 =	vld [tilespmem:s14+$0x4210]  }
0x143: {  	v22 =	vld [tilespmem:s14+$0x4220]  }
0x144: {  	v23 =	vld [tilespmem:s14+$0x220]  }
0x145: {  	v24 =	vld [tilespmem:s14+$0x230]  }
0x146: {  	v25 =	vld [tilespmem:s14+$0x4230]  }
0x147: {  	v26 =	vld [tilespmem:s14+$0x4610]  }
0x148: {  	v9 =	vmul.f32 v9, v10;
	v48 =	vld [tilespmem:s14+$0x610]  }
0x149: {  	v49 =	vld [tilespmem:s14+$0x4600];
	v13 =	vmul.f32 v13, v14  }
0x14a: {  	v51 =	vld [tilespmem:s14+$0x600];
	v9 =	vadd.f32 v16, v9;
	v7 =	vmul.f32 v11, v7;
	v50 =	vmul.f32 v21, v20  }
0x14b: {  	v12 =	vadd.f32 v12, v13;
	v52 =	vmul.f32 v15, v17;
	v53 =	vmul.f32 v18, v19  }
0x14c: {  	(xrf2) =	vadd.scan.msk.f32 $0xffff, v9;
	v54 =	vmul.f32 v22, v23;
	v55 =	vmul.f32 v25, v24;
	v7 =	vadd.f32 v50, v7  }
0x14d: {  	(xrf2) =	vadd.scan.msk.f32 $0xffff, v12;
	v13 =	vadd.f32 v52, v53  }
0x14e: {  	(xrf2) =	vadd.scan.msk.f32 $0xffff, v7;
	v7 =	vadd.f32 v55, v54  }
0x14f: {  	v56 =	vmul.f32 v26, v48;
	v57 =	vmul.f32 v49, v51;
	(xrf2) =	vadd.scan.msk.f32 $0xffff, v13  }
0x150: {  	(xrf2) =	vadd.scan.msk.f32 $0xffff, v7  }
0x151: {  	v5 =	vmul.f32 v5, v6;
	v7 =	vadd.f32 v56, v57;
	_ =	sdelay $0x1  }
0x152: {  	v5 =	vadd.f32 v8, v5;
	(xrf2) =	vadd.scan.msk.f32 $0xffff, v7;
	_ =	sdelay $0x1  }
0x153: {  	v6, _, _ =	vpop (xrf2)  }
0x154: {  	(xrf2) =	vadd.scan.msk.f32 $0xffff, v5;
	v7, _, _ =	vpop (xrf2)  }
0x155: {  	v5, _, _ =	vpop (xrf2)  }
0x156: {  	v58, _, _ =	vpop (xrf2)  }
0x157: {  	v59, _, _ =	vpop (xrf2)  }
0x158: {  	v8 =	vbroadcast v58, $0xF;
	v60, _, _ =	vpop (xrf2)  }
0x159: {  	v10 =	vbroadcast v60, $0xF  }
0x15a: {  	v9 =	vbroadcast v59, $0xF;
	v8 =	vnsel vm1, $0x0, v8  }
0x15b: {  	v6 =	vbroadcast v6, $0xF;
	v61, _, _ =	vpop (xrf2);
	v8 =	vsel vm2, v8, v10  }
0x15c: {  	v62 =	vbroadcast v61, $0xF;
	v8 =	vsel vm3, v8, v9  }
0x15d: {  	p1 =	slt.s32 s13, s28;
	s18 =	spop (v2sf);
	v7 =	vbroadcast v7, $0xF;
	v6 =	vsel vm4, v8, v6  }
0x15e: {  	p0 =	por !p0, !p1;
	s13 =	ssub.s32 s18, s5;
	v5 =	vbroadcast v5, $0xF;
	v63, _, _ =	vpop (xrf2);
	v6 =	vsel vm5, v6, v62  }
0x15f: {  	p0 =	por !p0, !p0;
	p6 =	sne.s32 s13, s3;
	v6 =	vsel vm6, v6, v7;
	v7 =	vbroadcast v63, $0xF  }
0x160: {  	p1 =	por !p0, !p6;
	v5 =	vsel vm7, v6, v5  }
0x161: {  	p2 =	slt.s32 s3, $0x0;
	p1 =	por !p1, !p1;
	v5 =	vsel vm8, v5, v7  }
0x162: {  	s12 =	sshll.u32 s12, $0x1;
	p2 =	por !p1, p2;
	v5 =	vmul.f32 $1.767766920e-01, v5  }
0x163: {  	s26 =	simm.s32 $0x8200;
	s31 =	sadd.s32 $0x1, s31;
	s3 =	sshll.u32 @!p2 s3, $0x6  }
0x164: {  	s19 =	sand.u32 $0x1FFFFFF0, s12;
	s3 =	sshra.s32 @!p2 s3, $0x2;
	v6 =	vpsel p1, $0xF149F2CA, v4;
	p1 =	sne.s32 s31, s30;
	[tilespmem:s4+$0x0] =	vst v5  }
.Ltmp5:
0x165: {  	s22 =	sadd.s32 s11, s19;
	s19 =	simm.s32 $0x0;
	[tilespmem:s3+$0x8600] =	vst @!p2 v4;
	(pc) =	sbr.rel @p1 .LBB2_5-.Ltmp5, $4  }
0x166: {  	[hbm4b:s22+s19] =	stream.linear.scatter [tilespmem:s26], [sflag:$0x3], $0x400, $0x38;
	[tilespmem:$0x1EE00] =	vst v63  }
0x167: {  	_ =	swait.ge [sflag:s23], $0x400  }
0x168: {  	v5 =	vmax.f32 v6, v5;
	[sflag:s23] =	ssyncset.done $0x0  }
0x169: {  	s29 =	sadd.s32 $0x40, s29;
	s0 =	smov.u32 @p0 s13;
	v4 =	vpsel p0, v5, v4;
	[sflag:s23] =	ssyncadd.s32 $0xFFFFFC00  }
0x16a: {  	p0 =	slt.s32 s0, $0x0  }
0x16b: {  	s0 =	sshll.u32 @!p0 s0, $0x6  }
0x16c: {  	s10 =	simm.s32 $0xFFFFFFFF;
	s3 =	smov.u32 s1;
	s0 =	sshra.s32 @!p0 s0, $0x2  }
0x16d: {  	v19 =	vimm.f32 $0.0e+00;
	s4 =	simm.s32 $0x0;
	s22 =	simm.s32 $0x80;
	[tilespmem:s0+$0x8600] =	vst @!p0 v4;
	s0 =	simm.s32 $0x0;
	v4 =	vimm.f32 $0.0e+00  }
.LBB2_9:
0x16e: {  	s12 =	sshll.u32 s4, $0x6  }
0x16f: {  	s12 =	sadd.s32 s1, s12  }
0x170: {  	s13 =	sshrl.u32 s12, $0x3  }
0x171: {  	s13 =	sadd.s32 s8, s13  }
0x172: {  	[tilespmem:s22], [sflag:$0x3] =	stream.linear.gather [hbm4b:s13+s0], $0x50, $0x38;
	[tilespmem:$0x1EE00] =	vst v63  }
0x173: {  	s12 =	sshll.u32 s12, $0x1;
	_ =	swait.ge [sflag:s23], $0x50  }
0x174: {  	s12 =	sand.u32 $0x1FFFFFF0, s12;
	[sflag:s23] =	ssyncset.done $0x0  }
0x175: {  	s15 =	simm.s32 $0x8200;
	s12 =	sadd.s32 s11, s12;
	[sflag:s23] =	ssyncadd.s32 $0xFFFFFFB0  }
0x176: {  	[tilespmem:s15], [sflag:$0x3] =	stream.linear.gather [hbm4b:s12+s0], $0x400, $0x38;
	[tilespmem:$0x1EE00] =	vst v63  }
0x177: {  	_ =	swait.ge [sflag:s23], $0x400  }
0x178: {  	[sflag:s23] =	ssyncset.done $0x0  }
0x179: {  	s16 =	simm.s32 $0x0;
	[sflag:s23] =	ssyncadd.s32 $0xFFFFFC00  }
0x17a: {  	v5 =	vld [tilespmem:s16+$0x80];
	_ =	sdelay $0x4  }
0x17b: {  	(v2sf) =	vpush v5, $0x0;
	_ =	sdelay $0xe  }
0x17c: {  	p0 =	sge.s32 s3, s25;
	p1 =	slt.s32 s3, s28;
	s17 =	spop (v2sf)  }
0x17d: {  	p0 =	por !p0, !p1;
	s14 =	ssub.s32 s17, s5  }
0x17e: {  	p0 =	por !p0, !p0;
	p4 =	sne.s32 s14, s10  }
0x17f: {  	p1 =	por !p0, !p4  }
0x180: {  	p2 =	slt.s32 s10, $0x0;
	p1 =	por !p1, !p1  }
0x181: {  	p2 =	por !p1, p2  }
0x182: {  	s12 =	smov.u32 s10;
	p3 =	sgt.s32 s14, $0x0;
	s10 =	sshll.u32 @!p2 s10, $0x6  }
0x183: {  	s12 =	smov.u32 @p0 s14;
	s14 =	simm.s32 @!p3 $0x0;
	s10 =	sshra.s32 @!p2 s10, $0x2  }
0x184: {  	s26 =	simm.s32 $0x1;
	v5 =	vld [tilespmem:s15+$0x0];
	s18 =	smin.u32 s14, $0x13F;
	[tilespmem:s10+$0x9A00] =	vst @!p2 v19  }
0x185: {  	s29 =	sshll.u32 s18, $0x4;
	v6 =	vld [tilespmem:s26+$0x80]  }
0x186: {  	v7 =	vld [tilespmem:s29+$0x8600];
	_ =	sdelay $0x3  }
0x187: {  	(v2sf) =	vpush v6, $0x0  }
0x188: {  	v4 =	vpsel p1, v7, v4  }
0x189: {  	v5 =	vsub.f32 v5, v4;
	_ =	sdelay $0x1  }
0x18a: {  	v5 =	vmul.f32 $1.442695020e+00, v5;
	_ =	sdelay $0x1  }
0x18b: {  	(erf) = vpow2.f32 v5;
	_ =	sdelay $0x6  }
0x18c: {  	s15 =	sadd.s32 $0x1, s3  }
0x18d: {  	s13 =	simm.s32 $0x8210;
	p5 =	sge.s32 s15, s25;
	p6 =	slt.s32 s15, s28  }
0x18e: {  	p0 =	por p0, p0;
	s14 =	simm.s32 $0x8;
	v5 =	vpsel p1, $0x0, v19;
	v6 =	vpop (erf);
	s31 =	spop (v2sf)  }
0x18f: {  	p2 =	por !p5, !p6;
	s10 =	smov.u32 s12;
	v5 =	vadd.f32 v6, v5;
	s16 =	ssub.s32 s31, s5  }
.LBB2_10:
0x190: {  	p3 =	por !p2, !p2  }
0x191: {  	p2 =	sne.s32 s16, s10;
	s17 =	smov.u32 s14;
	s14 =	sadd.s32 $0x4, s14  }
0x192: {  	p1 =	sne.s32 s14, $0x100;
	p2 =	por !p3, !p2;
	s10 =	smov.u32 @p3 s16;
	v19 =	vpsel p0, v5, v19  }
0x193: {  	p4 =	slt.s32 s12, $0x0;
	p0 =	por p3, p3;
	p2 =	por !p2, !p2  }
0x194: {  	p3 =	sgt.s32 s16, $0x0;
	p4 =	por !p2, p4  }
0x195: {  	s16 =	simm.s32 @!p3 $0x0;
	s18 =	sshll.u32 @!p4 s12, $0x6;
	s12 =	smov.u32 s10  }
0x196: {  	s16 =	smin.u32 s16, $0x13F;
	v5 =	vld [tilespmem:s13+$0x0];
	s18 =	sshra.s32 @!p4 s18, $0x2  }
0x197: {  	s17 =	sshra.s32 s17, $0x2;
	s16 =	sshll.u32 s16, $0x4;
	[tilespmem:s18+$0x9A00] =	vst @!p4 v19  }
0x198: {  	v6 =	vld [tilespmem:s17+$0x80]  }
0x199: {  	v7 =	vld [tilespmem:s16+$0x8600];
	_ =	sdelay $0x3  }
0x19a: {  	(v2sf) =	vpush v6, $0x0  }
0x19b: {  	v4 =	vpsel p2, v7, v4  }
0x19c: {  	v5 =	vsub.f32 v5, v4;
	_ =	sdelay $0x1  }
0x19d: {  	v5 =	vmul.f32 $1.442695020e+00, v5;
	_ =	sdelay $0x1  }
0x19e: {  	(erf) = vpow2.f32 v5;
	_ =	sdelay $0x5  }
.Ltmp6:
0x19f: {  	(pc) =	sbr.rel @p1 .LBB2_10-.Ltmp6, $4  }
0x1a0: {  	_ = 	snop  }
0x1a1: {  	s15 =	sadd.s32 $0x1, s15;
	v5 =	vpsel p2, $0x0, v19  }
0x1a2: {  	p3 =	slt.s32 s15, s28;
	p2 =	sge.s32 s15, s25;
	s16 =	spop (v2sf);
	v6 =	vpop (erf)  }
0x1a3: {  	s13 =	sadd.s32 $0x10, s13;
	p2 =	por !p2, !p3;
	s16 =	ssub.s32 s16, s5;
	v5 =	vadd.f32 v6, v5  }
0x1a4: {  	p1 =	por !p2, !p2;
	p5 =	sne.s32 s16, s10  }
0x1a5: {  	p2 =	por !p1, !p5  }
0x1a6: {  	p3 =	slt.s32 s12, $0x0;
	p2 =	por !p2, !p2  }
0x1a7: {  	p4 =	sgt.s32 s16, $0x0;
	p3 =	por !p2, p3  }
0x1a8: {  	s10 =	smov.u32 @p1 s16;
	s16 =	simm.s32 @!p4 $0x0;
	s12 =	sshll.u32 @!p3 s12, $0x6  }
0x1a9: {  	v5 =	vpsel p0, v5, v19;
	s14 =	smin.u32 s16, $0x13F;
	s12 =	sshra.s32 @!p3 s12, $0x2  }
0x1aa: {  	v6 =	vld [tilespmem:s13+$0x0];
	s31 =	sshll.u32 s14, $0x4;
	[tilespmem:s12+$0x9A00] =	vst @!p3 v5  }
0x1ab: {  	v7 =	vld [tilespmem:s31+$0x8600];
	_ =	sdelay $0x4  }
0x1ac: {  	v4 =	vpsel p2, v7, v4  }
0x1ad: {  	v6 =	vsub.f32 v6, v4;
	_ =	sdelay $0x1  }
0x1ae: {  	v6 =	vmul.f32 $1.442695020e+00, v6;
	_ =	sdelay $0x1  }
0x1af: {  	(erf) = vpow2.f32 v6;
	_ =	sdelay $0x5  }
0x1b0: {  	s4 =	sadd.s32 $0x1, s4  }
0x1b1: {  	p6 =	por p1, p1;
	p1 =	sne.s32 s4, s30  }
.Ltmp7:
0x1b2: {  	_ = 	snop;
	(pc) =	sbr.rel @p1 .LBB2_9-.Ltmp7, $3  }
0x1b3: {  	v6 =	vpsel p2, $0x0, v5;
	v7 =	vpop (erf)  }
0x1b4: {  	v6 =	vadd.f32 v7, v6;
	_ =	sdelay $0x1  }
0x1b5: {  	s3 =	sadd.s32 $0x40, s3;
	v19 =	vpsel p6, v6, v5  }
0x1b6: {  	v4 =	vimm.f32 $0.0e+00;
	v5 =	vimm.f32 $0.0e+00;
	v7 =	vimm.f32 $0.0e+00  }
0x1b7: {  	v6 =	vimm.f32 $0.0e+00;
	v8 =	vimm.f32 $0.0e+00;
	v11 =	vimm.f32 $0.0e+00  }
0x1b8: {  	p0 =	slt.s32 s10, $0x0;
	v9 =	vimm.f32 $0.0e+00;
	v10 =	vimm.f32 $0.0e+00;
	v15 =	vimm.f32 $0.0e+00  }
0x1b9: {  	v12 =	vimm.f32 $0.0e+00;
	v14 =	vimm.f32 $0.0e+00;
	v16 =	vimm.f32 $0.0e+00;
	s0 =	sshll.u32 @!p0 s10, $0x6  }
0x1ba: {  	v13 =	vimm.f32 $0.0e+00;
	v17 =	vimm.f32 $0.0e+00;
	v18 =	vimm.f32 $0.0e+00;
	s31 =	simm.s32 $0x0;
	s0 =	sshra.s32 @!p0 s0, $0x2  }
0x1bb: {  	s4 =	simm.s32 $0xFFFFFFFF;
	s29 =	smov.u32 s1;
	v20 =	vimm.f32 $0.0e+00;
	v21 =	vimm.f32 $0.0e+00;
	[tilespmem:s0+$0x9A00] =	vst @!p0 v19;
	v19 =	vimm.f32 $0.0e+00;
	s0 =	simm.s32 $0x0  }
.LBB2_13:
0x1bc: {  	s3 =	sshll.u32 s0, $0x6  }
0x1bd: {  	s10 =	sadd.s32 s1, s3  }
0x1be: {  	s12 =	sshrl.u32 s10, $0x3  }
0x1bf: {  	s3 =	simm.s32 $0x80;
	s13 =	sadd.s32 s8, s12  }
0x1c0: {  	[tilespmem:s3], [sflag:$0x3] =	stream.linear.gather [hbm4b:s13+s31], $0x50, $0x38;
	[tilespmem:$0x1EE00] =	vst v63  }
0x1c1: {  	_ =	swait.ge [sflag:s23], $0x50  }
0x1c2: {  	[sflag:s23] =	ssyncset.done $0x0  }
0x1c3: {  	s18 =	simm.s32 $0x180;
	s12 =	sadd.s32 s9, s12;
	[sflag:s23] =	ssyncadd.s32 $0xFFFFFFB0  }
0x1c4: {  	[tilespmem:s18], [sflag:$0x3] =	stream.linear.gather [hbm4b:s12+s31], $0x40, $0x38;
	[tilespmem:$0x1EE00] =	vst v63  }
0x1c5: {  	s10 =	sshll.u32 s10, $0x1;
	_ =	swait.ge [sflag:s23], $0x40  }
0x1c6: {  	s10 =	sand.u32 $0x1FFFFFF0, s10;
	[sflag:s23] =	ssyncset.done $0x0  }
0x1c7: {  	s10 =	sadd.s32 s11, s10;
	s12 =	simm.s32 $0x8200;
	[sflag:s23] =	ssyncadd.s32 $0xFFFFFFC0  }
0x1c8: {  	[tilespmem:s12], [sflag:$0x3] =	stream.linear.gather [hbm4b:s10+s31], $0x400, $0x38;
	[tilespmem:$0x1EE00] =	vst v63  }
0x1c9: {  	_ =	swait.ge [sflag:s23], $0x400  }
0x1ca: {  	[sflag:s23] =	ssyncset.done $0x0  }
0x1cb: {  	[sflag:s23] =	ssyncadd.s32 $0xFFFFFC00  }
0x1cc: {  	v22 =	vld [tilespmem:$0x180];
	_ =	sdelay $0x4  }
0x1cd: {  	v23 =	vshll.u32 v22, $0x1  }
0x1ce: {  	v22 =	vand.u32 $0x7, v22;
	v23 =	vand.u32 $0xFFFFFFF0, v23  }
0x1cf: {  	v22 =	vor.u32 v22, v23  }
0x1d0: {  	v23 =	vperm.xlane v22, v1;
	_ =	sdelay $0x1  }
0x1d1: {  	v22 =	vperm.xlane v22, v3;
	v23 =	vadd.s32 v2, v23;
	_ =	sdelay $0x1  }
0x1d2: {  	v22 =	vadd.s32 v2, v22;
	_ =	sdelay $0x1  }
0x1d3: {  	s22 =	simm.s32 $0x4200  }
0x1d4: {  	[tilespmem:s22], [sflag:$0x2] =	stream.indirect_vreg.gather [hbm4b:s2+s31], $0x80, v23, vm0, $0xb8;
	[tilespmem:$0x1EE00] =	vst v63  }
0x1d5: {  	s26 =	simm.s32 $0x4A00  }
0x1d6: {  	[tilespmem:s26], [sflag:$0x2] =	stream.indirect_vreg.gather [hbm4b:s2+s31], $0x80, v22, vm0, $0xb8;
	[tilespmem:$0x1EE00] =	vst v63  }
0x1d7: {  	v22 =	vld [tilespmem:$0x190];
	_ =	sdelay $0x4  }
0x1d8: {  	v23 =	vshll.u32 v22, $0x1  }
0x1d9: {  	v22 =	vand.u32 $0x7, v22;
	v23 =	vand.u32 $0xFFFFFFF0, v23  }
0x1da: {  	v22 =	vor.u32 v22, v23  }
0x1db: {  	v23 =	vperm.xlane v22, v1;
	_ =	sdelay $0x1  }
0x1dc: {  	v22 =	vperm.xlane v22, v3;
	v23 =	vadd.s32 v2, v23;
	_ =	sdelay $0x1  }
0x1dd: {  	v22 =	vadd.s32 v2, v22;
	_ =	sdelay $0x1  }
0x1de: {  	s13 =	simm.s32 $0x5200  }
0x1df: {  	[tilespmem:s13], [sflag:$0x2] =	stream.indirect_vreg.gather [hbm4b:s2+s31], $0x80, v23, vm0, $0xb8;
	[tilespmem:$0x1EE00] =	vst v63  }
0x1e0: {  	s14 =	simm.s32 $0x5A00  }
0x1e1: {  	[tilespmem:s14], [sflag:$0x2] =	stream.indirect_vreg.gather [hbm4b:s2+s31], $0x80, v22, vm0, $0xb8;
	[tilespmem:$0x1EE00] =	vst v63  }
0x1e2: {  	v22 =	vld [tilespmem:$0x1A0];
	_ =	sdelay $0x4  }
0x1e3: {  	v23 =	vshll.u32 v22, $0x1  }
0x1e4: {  	v22 =	vand.u32 $0x7, v22;
	v23 =	vand.u32 $0xFFFFFFF0, v23  }
0x1e5: {  	v22 =	vor.u32 v22, v23  }
0x1e6: {  	v23 =	vperm.xlane v22, v1;
	_ =	sdelay $0x1  }
0x1e7: {  	v22 =	vperm.xlane v22, v3;
	v23 =	vadd.s32 v2, v23;
	_ =	sdelay $0x1  }
0x1e8: {  	v22 =	vadd.s32 v2, v22;
	_ =	sdelay $0x1  }
0x1e9: {  	s15 =	simm.s32 $0x6200  }
0x1ea: {  	[tilespmem:s15], [sflag:$0x2] =	stream.indirect_vreg.gather [hbm4b:s2+s31], $0x80, v23, vm0, $0xb8;
	[tilespmem:$0x1EE00] =	vst v63  }
0x1eb: {  	s16 =	simm.s32 $0x6A00  }
0x1ec: {  	[tilespmem:s16], [sflag:$0x2] =	stream.indirect_vreg.gather [hbm4b:s2+s31], $0x80, v22, vm0, $0xb8;
	[tilespmem:$0x1EE00] =	vst v63  }
0x1ed: {  	v22 =	vld [tilespmem:$0x1B0];
	_ =	sdelay $0x4  }
0x1ee: {  	v23 =	vshll.u32 v22, $0x1  }
0x1ef: {  	v22 =	vand.u32 $0x7, v22;
	v23 =	vand.u32 $0xFFFFFFF0, v23  }
0x1f0: {  	v22 =	vor.u32 v22, v23  }
0x1f1: {  	v23 =	vperm.xlane v22, v1;
	_ =	sdelay $0x1  }
0x1f2: {  	v22 =	vperm.xlane v22, v3;
	v23 =	vadd.s32 v2, v23;
	_ =	sdelay $0x1  }
0x1f3: {  	v22 =	vadd.s32 v2, v22;
	_ =	sdelay $0x1  }
0x1f4: {  	s17 =	simm.s32 $0x7200  }
0x1f5: {  	[tilespmem:s17], [sflag:$0x2] =	stream.indirect_vreg.gather [hbm4b:s2+s31], $0x80, v23, vm0, $0xb8;
	[tilespmem:$0x1EE00] =	vst v63  }
0x1f6: {  	_ = 	snop  }
0x1f7: {  	[tilespmem:s20], [sflag:$0x2] =	stream.indirect_vreg.gather [hbm4b:s2+s31], $0x80, v22, vm0, $0xb8;
	[tilespmem:$0x1EE00] =	vst v63  }
0x1f8: {  	_ =	swait.ge [sflag:s21], $0x4000  }
0x1f9: {  	[sflag:s21] =	ssyncset.done $0x0  }
0x1fa: {  	[sflag:s21] =	ssyncadd.s32 $0xFFFFC000  }
0x1fb: {  	v22 =	vld [tilespmem:s3+$0x0];
	_ =	sdelay $0x4  }
0x1fc: {  	(v2sf) =	vpush v22, $0x0;
	_ =	sdelay $0xe  }
0x1fd: {  	p0 =	sge.s32 s29, s25;
	p1 =	slt.s32 s29, s28;
	s18 =	spop (v2sf)  }
0x1fe: {  	p0 =	por !p0, !p1;
	s3 =	ssub.s32 s18, s5  }
0x1ff: {  	p0 =	por !p0, !p0;
	p6 =	sne.s32 s3, s4  }
0x200: {  	p1 =	por !p0, !p6  }
0x201: {  	p2 =	slt.s32 s4, $0x0;
	p1 =	por !p1, !p1  }
0x202: {  	p2 =	por !p1, p2  }
0x203: {  	s10 =	sshll.u32 @!p2 s4, $0x8;
	s13 =	sshll.u32 @!p2 s4, $0x7  }
0x204: {  	s10 =	sand.u32 @!p2 $0xFFFFF800, s10;
	s13 =	sand.u32 @!p2 $0x380, s13  }
0x205: {  	s13 =	sor.u32 @!p2 s13, s10  }
0x206: {  	v22 =	vld [tilespmem:s12+$0x0];
	[tilespmem:s13+$0xAE00] =	vst @!p2 v19  }
0x207: {  	[tilespmem:s13+$0xAE10] =	vst @!p2 v18  }
0x208: {  	[tilespmem:s13+$0xB230] =	vst @!p2 v8  }
0x209: {  	[tilespmem:s13+$0xB200] =	vst @!p2 v10  }
0x20a: {  	[tilespmem:s13+$0xB210] =	vst @!p2 v9  }
0x20b: {  	[tilespmem:s13+$0xB220] =	vst @!p2 v11  }
0x20c: {  	[tilespmem:s13+$0xAE20] =	vst @!p2 v17  }
0x20d: {  	[tilespmem:s13+$0xAE30] =	vst @!p2 v13  }
0x20e: {  	[tilespmem:s13+$0xAE60] =	vst @!p2 v12  }
0x20f: {  	[tilespmem:s13+$0xAE70] =	vst @!p2 v15  }
0x210: {  	[tilespmem:s13+$0xAE50] =	vst @!p2 v14  }
0x211: {  	[tilespmem:s13+$0xAE40] =	vst @!p2 v16  }
0x212: {  	p3 =	sgt.s32 s3, $0x0;
	s10 =	smov.u32 s4;
	[tilespmem:s13+$0xB250] =	vst @!p2 v7  }
0x213: {  	s10 =	smov.u32 @p0 s3;
	s3 =	simm.s32 @!p3 $0x0;
	[tilespmem:s13+$0xB240] =	vst @!p2 v6  }
0x214: {  	[tilespmem:s13+$0xB260] =	vst @!p2 v5;
	s3 =	smin.u32 s3, $0x13F  }
0x215: {  	[tilespmem:s13+$0xB270] =	vst @!p2 v4;
	s3 =	sshll.u32 s3, $0x4  }
0x216: {  	s22 =	sand.u32 $0x3800, s31;
	s26 =	sand.u32 $0x380, s31;
	v23 =	vld [tilespmem:s3+$0x8600]  }
0x217: {  	s16 =	sor.u32 s26, s22;
	v24 =	vld [tilespmem:s3+$0x9A00]  }
0x218: {  	v37 =	vld [tilespmem:s16+$0x4200]  }
0x219: {  	v36 =	vld [tilespmem:s16+$0x4210]  }
0x21a: {  	v32 =	vld [tilespmem:s16+$0x4620]  }
0x21b: {  	p1 =	por p1, p1;
	v31 =	vld [tilespmem:s16+$0x4630]  }
0x21c: {  	v29 =	vld [tilespmem:s16+$0x4600];
	(erf) = vrcp.f32 v24;
	v21 =	vpsel p1, v23, v21  }
0x21d: {  	v30 =	vld [tilespmem:s16+$0x4610];
	v22 =	vsub.f32 v22, v21  }
0x21e: {  	v27 =	vld [tilespmem:s16+$0x4220]  }
0x21f: {  	s13 =	simm.s32 $0x81;
	v28 =	vld [tilespmem:s16+$0x4230];
	v22 =	vmul.f32 $1.442695020e+00, v22  }
0x220: {  	v33 =	vld [tilespmem:s13+$0x0]  }
0x221: {  	v26 =	vld [tilespmem:s16+$0x4260];
	(erf) = vpow2.f32 v22  }
0x222: {  	v25 =	vld [tilespmem:s16+$0x4270]  }
0x223: {  	v23 =	vld [tilespmem:s16+$0x4240]  }
0x224: {  	s14 =	simm.s32 $0x200;
	s22 =	simm.s32 $0x100;
	s26 =	sadd.s32 $0x1, s29;
	v24 =	vld [tilespmem:s16+$0x4250]  }
0x225: {  	p0 =	por p0, p0;
	s4 =	smov.u32 s10;
	s3 =	simm.s32 $0x0;
	(v2sf) =	vpush v33, $0x0;
	v22 =	vld [tilespmem:s16+$0x4640];
	v38 =	vpop (erf)  }
.LBB2_14:
0x226: {  	s3 =	sadd.s32 $0x80, s3  }
0x227: {  	v35 =	vld [tilespmem:s16+$0x4650];
	s12 =	sadd.s32 $0x10, s12;
	s15 =	smov.u32 s14;
	s14 =	sadd.s32 $0x100, s14  }
0x228: {  	p2 =	sne.s32 s14, $0x4000;
	v33 =	vld [tilespmem:s16+$0x4660]  }
0x229: {  	v34 =	vld [tilespmem:s16+$0x4670]  }
0x22a: {  	v20 =	vpsel p1, v38, v20;
	v38 =	vpop (erf)  }
0x22b: {  	v38 =	vmul.f32 v38, v20;
	_ =	sdelay $0x1  }
0x22c: {  	v39 =	vnsel vm1, $0x0, v38;
	v40 =	vsel vm12, $0x0, v38;
	v41 =	vsel vm13, $0x0, v38  }
0x22d: {  	v42 =	vsel vm9, $0x0, v38;
	v43 =	vsel vm10, $0x0, v38;
	v44 =	vsel vm11, $0x0, v38;
	(xrf2) =	vadd.scan.msk.f32 $0xffff, v39  }
0x22e: {  	v39 =	vsel vm14, $0x0, v38;
	v38 =	vsel vm8, $0x0, v38;
	_ =	sdelay $0x1  }
0x22f: {  	(xrf2) =	vadd.scan.msk.f32 $0xffff, v41;
	_ =	sdelay $0x2  }
0x230: {  	p3 =	sge.s32 s26, s25;
	p4 =	slt.s32 s26, s28;
	(xrf2) =	vadd.scan.msk.f32 $0xffff, v40  }
0x231: {  	p3 =	por !p3, !p4;
	s16 =	spop (v2sf)  }
0x232: {  	p3 =	por !p3, !p3;
	s16 =	ssub.s32 s16, s5  }
0x233: {  	p4 =	sgt.s32 s16, $0x0;
	p5 =	sne.s32 s16, s10;
	s4 =	smov.u32 @p3 s16;
	(xrf2) =	vadd.scan.msk.f32 $0xffff, v42  }
0x234: {  	s16 =	simm.s32 @!p4 $0x0;
	p4 =	por !p3, !p5;
	v40, _, _ =	vpop (xrf2)  }
0x235: {  	s16 =	smin.u32 s16, $0x13F;
	p5 =	por !p4, !p4;
	p4 =	slt.s32 s10, $0x0;
	v42 =	vbroadcast v40, $0xF  }
0x236: {  	p4 =	por !p5, p4;
	(xrf2) =	vadd.scan.msk.f32 $0xffff, v44  }
0x237: {  	v41 =	vpsel p1, $0x0, v18;
	s17 =	sshll.u32 @!p4 s10, $0x8;
	s18 =	sshll.u32 @!p4 s10, $0x7;
	v37 =	vmul.f32 v42, v37;
	v36 =	vmul.f32 v42, v36;
	v40, _, _ =	vpop (xrf2);
	s10 =	smov.u32 s4  }
0x238: {  	v44 =	vpsel p1, $0x0, v9;
	v42 =	vpsel p1, $0x0, v19;
	s17 =	sand.u32 @!p4 $0xFFFFF800, s17;
	s18 =	sand.u32 @!p4 $0x380, s18;
	v45 =	vbroadcast v40, $0xF  }
0x239: {  	s17 =	sor.u32 @!p4 s18, s17;
	v37 =	vadd.f32 v37, v42;
	v36 =	vadd.f32 v36, v41;
	v41 =	vpsel p1, $0x0, v8;
	(xrf2) =	vadd.scan.msk.f32 $0xffff, v43  }
0x23a: {  	v42 =	vpsel p1, $0x0, v11;
	v32 =	vmul.f32 v32, v45;
	v31 =	vmul.f32 v31, v45;
	v40, _, _ =	vpop (xrf2)  }
0x23b: {  	v43 =	vld [tilespmem:s12+$0x0];
	v40 =	vbroadcast v40, $0xF;
	v19 =	vpsel p0, v37, v19;
	v18 =	vpsel p0, v36, v18  }
0x23c: {  	[tilespmem:s17+$0xAE00] =	vst @!p4 v19;
	v32 =	vadd.f32 v32, v42;
	v31 =	vadd.f32 v31, v41;
	(xrf2) =	vadd.scan.msk.f32 $0xffff, v39  }
0x23d: {  	v36 =	vpsel p1, $0x0, v10;
	[tilespmem:s17+$0xAE10] =	vst @!p4 v18;
	v29 =	vmul.f32 v29, v40;
	v30 =	vmul.f32 v30, v40;
	v37, _, _ =	vpop (xrf2)  }
0x23e: {  	v37 =	vbroadcast v37, $0xF;
	v11 =	vpsel p0, v32, v11;
	v8 =	vpsel p0, v31, v8  }
0x23f: {  	v31 =	vpsel p1, $0x0, v17;
	v29 =	vadd.f32 v29, v36;
	v30 =	vadd.f32 v30, v44;
	(xrf2) =	vadd.scan.msk.f32 $0xffff, v38  }
0x240: {  	v32 =	vpsel p1, $0x0, v13;
	v27 =	vmul.f32 v37, v27;
	v28 =	vmul.f32 v37, v28;
	v36, _, _ =	vpop (xrf2)  }
0x241: {  	v36 =	vbroadcast v36, $0xF;
	v10 =	vpsel p0, v29, v10;
	v9 =	vpsel p0, v30, v9  }
0x242: {  	v29 =	vpsel p1, $0x0, v12;
	[tilespmem:s17+$0xB230] =	vst @!p4 v8;
	v27 =	vadd.f32 v27, v31;
	v28 =	vadd.f32 v28, v32  }
0x243: {  	v30 =	vpsel p1, $0x0, v15;
	[tilespmem:s17+$0xB200] =	vst @!p4 v10;
	v26 =	vmul.f32 v36, v26;
	v25 =	vmul.f32 v25, v36;
	v31, _, _ =	vpop (xrf2)  }
0x244: {  	[tilespmem:s17+$0xB210] =	vst @!p4 v9;
	v31 =	vbroadcast v31, $0xF;
	v17 =	vpsel p0, v27, v17;
	v13 =	vpsel p0, v28, v13  }
0x245: {  	v27 =	vpsel p1, $0x0, v16;
	[tilespmem:s17+$0xB220] =	vst @!p4 v11;
	v26 =	vadd.f32 v26, v29;
	v25 =	vadd.f32 v25, v30  }
0x246: {  	v28 =	vpsel p1, $0x0, v14;
	[tilespmem:s17+$0xAE20] =	vst @!p4 v17;
	v23 =	vmul.f32 v31, v23;
	v24 =	vmul.f32 v31, v24;
	v29, _, _ =	vpop (xrf2)  }
0x247: {  	v29 =	vbroadcast v29, $0xF;
	v12 =	vpsel p0, v26, v12;
	v15 =	vpsel p0, v25, v15  }
0x248: {  	v25 =	vpsel p1, $0x0, v7;
	v23 =	vadd.f32 v23, v27;
	v24 =	vadd.f32 v24, v28  }
0x249: {  	v26 =	vpsel p1, $0x0, v6;
	[tilespmem:s17+$0xAE30] =	vst @!p4 v13;
	v22 =	vmul.f32 v22, v29;
	v27 =	vmul.f32 v35, v29;
	v28, _, _ =	vpop (xrf2)  }
0x24a: {  	[tilespmem:s17+$0xAE60] =	vst @!p4 v12;
	v28 =	vbroadcast v28, $0xF;
	v16 =	vpsel p0, v23, v16;
	v14 =	vpsel p0, v24, v14  }
0x24b: {  	v24 =	vpsel p1, $0x0, v4;
	[tilespmem:s17+$0xAE70] =	vst @!p4 v15;
	v22 =	vadd.f32 v22, v26;
	v23 =	vadd.f32 v27, v25  }
0x24c: {  	v25 =	vpsel p1, $0x0, v5;
	p1 =	por p5, p5;
	[tilespmem:s17+$0xAE50] =	vst @!p4 v14;
	v26 =	vmul.f32 v33, v28;
	v27 =	vmul.f32 v34, v28  }
0x24d: {  	[tilespmem:s17+$0xAE40] =	vst @!p4 v16;
	v6 =	vpsel p0, v22, v6;
	v7 =	vpsel p0, v23, v7  }
0x24e: {  	[tilespmem:s17+$0xB250] =	vst @!p4 v7;
	v22 =	vadd.f32 v26, v25;
	v23 =	vadd.f32 v27, v24  }
0x24f: {  	[tilespmem:s17+$0xB240] =	vst @!p4 v6  }
0x250: {  	v5 =	vpsel p0, v22, v5;
	v4 =	vpsel p0, v23, v4;
	p0 =	por p3, p3  }
0x251: {  	[tilespmem:s17+$0xB260] =	vst @!p4 v5  }
0x252: {  	s16 =	sshll.u32 s16, $0x4;
	[tilespmem:s17+$0xB270] =	vst @!p4 v4  }
0x253: {  	s18 =	sand.u32 $0x380, s3;
	s17 =	sand.u32 $0x3800, s22;
	s22 =	smov.u32 s15;
	v22 =	vld [tilespmem:s16+$0x8600]  }
0x254: {  	v23 =	vld [tilespmem:s16+$0x9A00];
	s16 =	sor.u32 s18, s17  }
0x255: {  	v37 =	vld [tilespmem:s16+$0x4200]  }
0x256: {  	v36 =	vld [tilespmem:s16+$0x4210]  }
0x257: {  	v32 =	vld [tilespmem:s16+$0x4620]  }
0x258: {  	v21 =	vpsel p1, v22, v21;
	v31 =	vld [tilespmem:s16+$0x4630]  }
0x259: {  	v22 =	vsub.f32 v43, v21;
	v29 =	vld [tilespmem:s16+$0x4600];
	(erf) = vrcp.f32 v23  }
0x25a: {  	v30 =	vld [tilespmem:s16+$0x4610]  }
0x25b: {  	v22 =	vmul.f32 $1.442695020e+00, v22;
	v27 =	vld [tilespmem:s16+$0x4220]  }
0x25c: {  	s13 =	sadd.s32 $0x1, s13;
	v28 =	vld [tilespmem:s16+$0x4230]  }
0x25d: {  	v33 =	vld [tilespmem:s13+$0x0];
	(erf) = vpow2.f32 v22  }
.Ltmp8:
0x25e: {  	v23 =	vld [tilespmem:s16+$0x4240];
	(pc) =	sbr.rel @p2 .LBB2_14-.Ltmp8, $4  }
0x25f: {  	v24 =	vld [tilespmem:s16+$0x4250]  }
0x260: {  	v26 =	vld [tilespmem:s16+$0x4260]  }
0x261: {  	v25 =	vld [tilespmem:s16+$0x4270]  }
0x262: {  	s26 =	sadd.s32 $0x1, s26;
	(v2sf) =	vpush v33, $0x0;
	v22 =	vld [tilespmem:s16+$0x4640];
	v38 =	vpop (erf)  }
0x263: {  	_ =	sdelay $0x2  }
0x264: {  	v20 =	vpsel p1, v38, v20;
	v33 =	vpop (erf)  }
0x265: {  	v33 =	vmul.f32 v33, v20;
	_ =	sdelay $0x1  }
0x266: {  	v34 =	vnsel vm1, $0x0, v33  }
0x267: {  	(xrf2) =	vadd.scan.msk.f32 $0xffff, v34  }
0x268: {  	v59 =	vsel vm13, $0x0, v33  }
0x269: {  	(xrf2) =	vadd.scan.msk.f32 $0xffff, v59  }
0x26a: {  	v60 =	vsel vm12, $0x0, v33  }
0x26b: {  	(xrf2) =	vadd.scan.msk.f32 $0xffff, v60  }
0x26c: {  	v61 =	vsel vm9, $0x0, v33  }
0x26d: {  	(xrf2) =	vadd.scan.msk.f32 $0xffff, v61;
	_ =	sdelay $0x2  }
0x26e: {  	v46 =	vpsel p1, $0x0, v19;
	v40 =	vpsel p1, $0x0, v18;
	v35 =	vsel vm11, $0x0, v33  }
0x26f: {  	v41 =	vpsel p1, $0x0, v9;
	v47 =	vpsel p1, $0x0, v8;
	v49 =	vpsel p1, $0x0, v11;
	v62, _, _ =	vpop (xrf2);
	(xrf2) =	vadd.scan.msk.f32 $0xffff, v35  }
0x270: {  	v51 =	vpsel p1, $0x0, v10;
	v55 =	vpsel p1, $0x0, v17;
	v63 =	vsel vm10, $0x0, v33  }
0x271: {  	p2 =	sge.s32 s26, s25;
	p3 =	slt.s32 s26, s28;
	v44 =	vsel vm14, $0x0, v33;
	v33 =	vsel vm8, $0x0, v33;
	s13 =	spop (v2sf);
	v34 =	vbroadcast v62, $0xF;
	v39, _, _ =	vpop (xrf2);
	(xrf2) =	vadd.scan.msk.f32 $0xffff, v63  }
0x272: {  	p2 =	por !p2, !p3;
	v59 =	vpsel p1, $0x0, v13;
	v60 =	vpsel p1, $0x0, v12;
	v61 =	vpsel p1, $0x0, v15;
	s13 =	ssub.s32 s13, s5  }
0x273: {  	p2 =	por !p2, !p2;
	p4 =	sne.s32 s13, s10;
	v63 =	vpsel p1, $0x0, v16;
	v45 =	vbroadcast v39, $0xF;
	v48, _, _ =	vpop (xrf2);
	v37 =	vmul.f32 v34, v37  }
0x274: {  	p3 =	por !p2, !p4;
	(xrf2) =	vadd.scan.msk.f32 $0xffff, v44;
	v39 =	vpsel p1, $0x0, v7;
	v34 =	vmul.f32 v34, v36;
	v50 =	vbroadcast v48, $0xF  }
0x275: {  	p4 =	slt.s32 s10, $0x0;
	p3 =	por !p3, !p3;
	v52, _, _ =	vpop (xrf2);
	v36 =	vpsel p1, $0x0, v14;
	v32 =	vmul.f32 v32, v45;
	v31 =	vmul.f32 v31, v45  }
0x276: {  	p4 =	por !p3, p4;
	(xrf2) =	vadd.scan.msk.f32 $0xffff, v33;
	v35 =	vbroadcast v52, $0xF;
	v37 =	vadd.f32 v37, v46;
	v34 =	vadd.f32 v34, v40  }
0x277: {  	v53 =	vld [tilespmem:s16+$0x4650];
	s14 =	sshll.u32 @!p4 s10, $0x8;
	s10 =	sshll.u32 @!p4 s10, $0x7;
	v29 =	vmul.f32 v29, v50;
	v30 =	vmul.f32 v30, v50;
	v32 =	vadd.f32 v32, v49  }
0x278: {  	v54 =	vld [tilespmem:s16+$0x4660];
	s14 =	sand.u32 @!p4 $0xFFFFF800, s14;
	s10 =	sand.u32 @!p4 $0x380, s10;
	v31 =	vadd.f32 v31, v47;
	v27 =	vmul.f32 v35, v27;
	v28 =	vmul.f32 v35, v28  }
0x279: {  	v56 =	vld [tilespmem:s16+$0x4670];
	s12 =	sadd.s32 $0x10, s12;
	s10 =	sor.u32 @!p4 s10, s14;
	v19 =	vpsel p0, v37, v19;
	v18 =	vpsel p0, v34, v18;
	v29 =	vadd.f32 v29, v51;
	v57, _, _ =	vpop (xrf2)  }
0x27a: {  	v58 =	vld [tilespmem:s12+$0x0];
	v30 =	vadd.f32 v30, v41;
	v11 =	vpsel p0, v32, v11;
	[tilespmem:s10+$0xAE00] =	vst @!p4 v19;
	v34 =	vbroadcast v57, $0xF  }
0x27b: {  	v8 =	vpsel p0, v31, v8;
	v27 =	vadd.f32 v27, v55;
	v28 =	vadd.f32 v28, v59;
	[tilespmem:s10+$0xAE10] =	vst @!p4 v18;
	v62, _, _ =	vpop (xrf2)  }
0x27c: {  	v10 =	vpsel p0, v29, v10;
	[tilespmem:s10+$0xB230] =	vst @!p4 v8;
	v31 =	vbroadcast v62, $0xF;
	v26 =	vmul.f32 v34, v26  }
0x27d: {  	v9 =	vpsel p0, v30, v9;
	[tilespmem:s10+$0xB220] =	vst @!p4 v11;
	v17 =	vpsel p0, v27, v17;
	v25 =	vmul.f32 v25, v34  }
0x27e: {  	[tilespmem:s10+$0xB200] =	vst @!p4 v10;
	v23 =	vmul.f32 v31, v23;
	v24 =	vmul.f32 v31, v24;
	v26 =	vadd.f32 v26, v60;
	v34, _, _ =	vpop (xrf2)  }
0x27f: {  	v13 =	vpsel p0, v28, v13;
	[tilespmem:s10+$0xB210] =	vst @!p4 v9;
	v25 =	vadd.f32 v25, v61;
	v28 =	vbroadcast v34, $0xF  }
0x280: {  	[tilespmem:s10+$0xAE20] =	vst @!p4 v17;
	v23 =	vadd.f32 v23, v63;
	v24 =	vadd.f32 v24, v36;
	v38, _, _ =	vpop (xrf2);
	v12 =	vpsel p0, v26, v12  }
0x281: {  	[tilespmem:s10+$0xAE30] =	vst @!p4 v13;
	v15 =	vpsel p0, v25, v15;
	v25 =	vbroadcast v38, $0xF;
	v40 =	vmul.f32 v53, v28  }
0x282: {  	v41 =	vpsel p1, $0x0, v6;
	v22 =	vmul.f32 v22, v28;
	[tilespmem:s10+$0xAE60] =	vst @!p4 v12;
	v16 =	vpsel p0, v23, v16  }
0x283: {  	v14 =	vpsel p0, v24, v14;
	[tilespmem:s10+$0xAE70] =	vst @!p4 v15;
	v42 =	vmul.f32 v54, v25;
	v23 =	vadd.f32 v40, v39  }
0x284: {  	v43 =	vpsel p1, $0x0, v5;
	[tilespmem:s10+$0xAE50] =	vst @!p4 v14;
	v25 =	vmul.f32 v56, v25;
	v22 =	vadd.f32 v22, v41  }
0x285: {  	v44 =	vpsel p1, $0x0, v4;
	[tilespmem:s10+$0xAE40] =	vst @!p4 v16;
	v7 =	vpsel p0, v23, v7;
	v23 =	vadd.f32 v42, v43  }
0x286: {  	p1 =	sgt.s32 s13, $0x0;
	v6 =	vpsel p0, v22, v6;
	v22 =	vadd.f32 v25, v44;
	[tilespmem:s10+$0xB250] =	vst @!p4 v7  }
0x287: {  	s4 =	smov.u32 @p2 s13;
	s13 =	simm.s32 @!p1 $0x0;
	[tilespmem:s10+$0xB240] =	vst @!p4 v6;
	v5 =	vpsel p0, v23, v5  }
0x288: {  	s17 =	smin.u32 s13, $0x13F;
	v4 =	vpsel p0, v22, v4;
	[tilespmem:s10+$0xB260] =	vst @!p4 v5  }
0x289: {  	s18 =	sshll.u32 s17, $0x4;
	[tilespmem:s10+$0xB270] =	vst @!p4 v4  }
0x28a: {  	v22 =	vld [tilespmem:s18+$0x8600];
	_ =	sdelay $0x3  }
0x28b: {  	p5 =	por p3, p3;
	v23 =	vld [tilespmem:s18+$0x9A00]  }
0x28c: {  	v21 =	vpsel p5, v22, v21  }
0x28d: {  	v22 =	vsub.f32 v58, v21;
	_ =	sdelay $0x1  }
0x28e: {  	v22 =	vmul.f32 $1.442695020e+00, v22  }
0x28f: {  	(erf) = vrcp.f32 v23  }
0x290: {  	(erf) = vpow2.f32 v22;
	_ =	sdelay $0x7  }
0x291: {  	v22 =	vpop (erf)  }
0x292: {  	v20 =	vpsel p5, v22, v20;
	v22 =	vpop (erf)  }
0x293: {  	v22 =	vmul.f32 v22, v20;
	_ =	sdelay $0x1  }
0x294: {  	v23 =	vnsel vm1, $0x0, v22  }
0x295: {  	(xrf2) =	vadd.scan.msk.f32 $0xffff, v23  }
0x296: {  	v23 =	vsel vm13, $0x0, v22  }
0x297: {  	(xrf2) =	vadd.scan.msk.f32 $0xffff, v23;
	v23 =	vsel vm12, $0x0, v22  }
0x298: {  	v46 =	vsel vm9, $0x0, v22;
	(xrf2) =	vadd.scan.msk.f32 $0xffff, v23  }
0x299: {  	s3 =	sadd.s32 $0x80, s3;
	(xrf2) =	vadd.scan.msk.f32 $0xffff, v46  }
0x29a: {  	s26 =	sand.u32 $0x3800, s22;
	s3 =	sand.u32 $0x380, s3  }
0x29b: {  	s3 =	sor.u32 s3, s26  }
0x29c: {  	v45 =	vld [tilespmem:s3+$0x4210]  }
0x29d: {  	v23 =	vld [tilespmem:s3+$0x4200]  }
0x29e: {  	v35 =	vpsel p5, $0x0, v10;
	v47 =	vld [tilespmem:s3+$0x4620]  }
0x29f: {  	v57 =	vpsel p5, $0x0, v19;
	v60 =	vpsel p5, $0x0, v8;
	v63 =	vpsel p5, $0x0, v11;
	v49 =	vld [tilespmem:s3+$0x4630];
	v48, _, _ =	vpop (xrf2)  }
0x2a0: {  	v38 =	vpsel p5, $0x0, v17;
	v53 =	vld [tilespmem:s3+$0x4600];
	v50 =	vsel vm11, $0x0, v22;
	v26 =	vbroadcast v48, $0xF  }
0x2a1: {  	v56 =	vpsel p5, $0x0, v18;
	v42 =	vpsel p5, $0x0, v13;
	v55 =	vld [tilespmem:s3+$0x4610];
	v51 =	vsel vm10, $0x0, v22;
	(xrf2) =	vadd.scan.msk.f32 $0xffff, v50;
	v54, _, _ =	vpop (xrf2)  }
0x2a2: {  	v58 =	vpsel p5, $0x0, v9;
	v52 =	vsel vm14, $0x0, v22;
	(xrf2) =	vadd.scan.msk.f32 $0xffff, v51;
	v61, _, _ =	vpop (xrf2);
	v23 =	vmul.f32 v26, v23  }
0x2a3: {  	v59 =	vld [tilespmem:s3+$0x4220];
	v22 =	vsel vm8, $0x0, v22;
	(xrf2) =	vadd.scan.msk.f32 $0xffff, v52;
	v24 =	vmul.f32 v26, v45;
	v26 =	vbroadcast v54, $0xF;
	v37, _, _ =	vpop (xrf2)  }
0x2a4: {  	v62 =	vld [tilespmem:s3+$0x4230];
	v50 =	vpsel p5, $0x0, v15;
	v27 =	vbroadcast v61, $0xF;
	v28 =	vbroadcast v37, $0xF  }
0x2a5: {  	(xrf2) =	vadd.scan.msk.f32 $0xffff, v22;
	v23 =	vadd.f32 v23, v57;
	v25 =	vmul.f32 v47, v26;
	v26 =	vmul.f32 v49, v26  }
0x2a6: {  	v24 =	vadd.f32 v24, v56;
	v36 =	vmul.f32 v53, v27;
	v27 =	vmul.f32 v55, v27  }
0x2a7: {  	p6 =	por p2, p2;
	v40 =	vld [tilespmem:s3+$0x4240];
	v47 =	vpsel p5, $0x0, v12;
	v53 =	vpsel p5, $0x0, v16;
	v55 =	vpsel p5, $0x0, v14  }
0x2a8: {  	v44 =	vld [tilespmem:s3+$0x4250];
	v41 =	vmul.f32 v28, v59;
	v19 =	vpsel p6, v23, v19;
	v23 =	vadd.f32 v25, v63  }
0x2a9: {  	v22 =	vld [tilespmem:s3+$0x4260];
	v28 =	vmul.f32 v28, v62;
	v59 =	vpsel p5, $0x0, v6;
	v62 =	vpsel p5, $0x0, v4  }
0x2aa: {  	v18 =	vpsel p6, v24, v18;
	v33 =	vadd.f32 v26, v60;
	v11 =	vpsel p6, v23, v11;
	v23 =	vld [tilespmem:s3+$0x4270]  }
0x2ab: {  	v45 =	vld [tilespmem:s3+$0x4640];
	v25 =	vadd.f32 v36, v35;
	v39 =	vadd.f32 v27, v58;
	v58 =	vpsel p5, $0x0, v7;
	v43, _, _ =	vpop (xrf2)  }
0x2ac: {  	v49 =	vld [tilespmem:s3+$0x4650];
	v63 =	vpsel p5, $0x0, v5;
	v24 =	vadd.f32 v41, v38;
	v31 =	vbroadcast v43, $0xF;
	v48, _, _ =	vpop (xrf2)  }
0x2ad: {  	v51 =	vld [tilespmem:s3+$0x4660];
	v46 =	vadd.f32 v28, v42;
	v8 =	vpsel p6, v33, v8;
	v29 =	vbroadcast v48, $0xF;
	v54, _, _ =	vpop (xrf2)  }
0x2ae: {  	v52 =	vld [tilespmem:s3+$0x4670];
	v10 =	vpsel p6, v25, v10;
	v22 =	vmul.f32 v31, v22;
	v28 =	vbroadcast v54, $0xF  }
0x2af: {  	v9 =	vpsel p6, v39, v9;
	v56, _, _ =	vpop (xrf2);
	v23 =	vmul.f32 v23, v31;
	v27 =	vmul.f32 v29, v40  }
0x2b0: {  	v17 =	vpsel p6, v24, v17;
	v29 =	vmul.f32 v29, v44;
	v26 =	vbroadcast v56, $0xF  }
0x2b1: {  	s0 =	sadd.s32 $0x1, s0;
	v22 =	vadd.f32 v22, v47;
	v25 =	vmul.f32 v45, v28;
	v28 =	vmul.f32 v49, v28  }
0x2b2: {  	p0 =	sne.s32 s0, s30;
	v23 =	vadd.f32 v23, v50;
	v57 =	vadd.f32 v29, v55;
	v60 =	vmul.f32 v51, v26  }
.Ltmp9:
0x2b3: {  	v24 =	vmul.f32 v52, v26;
	v12 =	vpsel p6, v22, v12;
	v22 =	vadd.f32 v27, v53;
	(pc) =	sbr.rel @p0 .LBB2_13-.Ltmp9, $4  }
0x2b4: {  	v13 =	vpsel p6, v46, v13;
	v25 =	vadd.f32 v25, v59;
	v61 =	vadd.f32 v28, v58  }
0x2b5: {  	v15 =	vpsel p6, v23, v15;
	v23 =	vadd.f32 v60, v63;
	v24 =	vadd.f32 v24, v62  }
0x2b6: {  	v14 =	vpsel p6, v57, v14;
	v16 =	vpsel p6, v22, v16;
	v6 =	vpsel p6, v25, v6  }
0x2b7: {  	s29 =	sadd.s32 $0x40, s29;
	v7 =	vpsel p6, v61, v7;
	v5 =	vpsel p6, v23, v5;
	v4 =	vpsel p6, v24, v4  }
0x2b8: {  	p0 =	slt.s32 s4, $0x0  }
0x2b9: {  	s0 =	sshll.u32 @!p0 s4, $0x8;
	s1 =	sshll.u32 @!p0 s4, $0x7  }
0x2ba: {  	s0 =	sand.u32 @!p0 $0xFFFFF800, s0;
	s1 =	sand.u32 @!p0 $0x380, s1  }
0x2bb: {  	s0 =	sor.u32 @!p0 s1, s0  }
0x2bc: {  	[tilespmem:s0+$0xAE00] =	vst @!p0 v19  }
0x2bd: {  	[tilespmem:s0+$0xAE10] =	vst @!p0 v18  }
0x2be: {  	[tilespmem:s0+$0xAE20] =	vst @!p0 v17  }
0x2bf: {  	[tilespmem:s0+$0xAE30] =	vst @!p0 v13  }
0x2c0: {  	[tilespmem:s0+$0xAE40] =	vst @!p0 v16  }
0x2c1: {  	[tilespmem:s0+$0xAE50] =	vst @!p0 v14  }
0x2c2: {  	[tilespmem:s0+$0xAE60] =	vst @!p0 v12  }
0x2c3: {  	[tilespmem:s0+$0xAE70] =	vst @!p0 v15  }
0x2c4: {  	[tilespmem:s0+$0xB200] =	vst @!p0 v10  }
0x2c5: {  	[tilespmem:s0+$0xB210] =	vst @!p0 v9  }
0x2c6: {  	[tilespmem:s0+$0xB220] =	vst @!p0 v11  }
.Ltmp10:
0x2c7: {  	[tilespmem:s0+$0xB230] =	vst @!p0 v8;
	(pc) =	sbr.rel .LBB2_17-.Ltmp10, $4  }
0x2c8: {  	[tilespmem:s0+$0xB240] =	vst @!p0 v6  }
0x2c9: {  	[tilespmem:s0+$0xB250] =	vst @!p0 v7  }
0x2ca: {  	[tilespmem:s0+$0xB260] =	vst @!p0 v5  }
0x2cb: {  	s12 =	rddreg [dreg:$0x10];
	[tilespmem:s0+$0xB270] =	vst @!p0 v4  }
.LBB2_18:
0x2cc: {  	_ =	sfence.sel $0x180000  }
0x2cd: {  	[bflag:$0x0] =	sbarrier.arrive $0xFFFF  }
0x2ce: {  	_ =	strace $0x90000047  }
0x2cf: {  	s0 =	stileid.u32;
	[bflag:$0x2] =	sbarrier.arrive $0xFFFF  }
0x2d0: {  	p0 =	sne.s32 s0, $0x0;
	s0 =	rddreg [dreg:$0x2]  }
0x2d1: {  	s0 =	sadd.s32 @!p0 $0x100000, s0  }
0x2d2: {  	[sflag:s0] =	ssyncadd.tile.s32 @!p0 $0x1;
	_ =	shalt  }
.Lfunc_end2:
_tile_overlayer_lowered:
.L_overlay_start_2:
0x2d3: {  	(tag) =	ssettag $0x2  }
0x2d4: {  	s0 =	rddreg [dreg:$0x0];
	s2 =	stileid.u32  }
0x2d5: {  	s1 =	rddreg [dreg:$0x1];
	p0 =	sne.s32 s2, $0x0  }
0x2d6: {  	s3 =	rddreg [dreg:$0x2];
	[bflag:$0x3] =	sbarrier.arrive $0xFFFF;
	s2 =	simm.s32 @!p0 $0x1C03  }
0x2d7: {  	[timem:s3], [sflag:s2] =	dma.local @!p0 [hbm:s0], s1  }
0x2d8: {  	s0 =	simm.s32 @!p0 $0x3  }
0x2d9: {  	_ =	swait.ge @!p0 [sflag:s0], s1  }
0x2da: {  	s1 =	ssub.s32 @!p0 $0x0, s1;
	[sflag:s0] =	ssyncset.done @!p0 $0x0  }
0x2db: {  	[sflag:s0] =	ssyncadd.s32 @!p0 s1  }
0x2dc: {  	[bflag:$0x3] =	sbarrier.arrive $0xFFFF  }
0x2dd: {  	_ =	shalt  }

</sc_bundles>
